<compile_context>
chip_gen: v7x
topology: tpu7x:2x2x1
jax: 0.10.2.dev20260603
libtpu: 0.0.44.dev20260713+nightly
codegen_flags: <defaults>
</compile_context>

<pallas_src>
import jax
import jax.numpy as jnp
from jax import lax
from jax.experimental import pallas as pl
from jax.experimental.pallas import tpu as pltpu
from jax.experimental.pallas import tpu_sc as plsc

_K = 256
_N = 32768
_NVEC = _N // 16
_NBINS = 256
_LOW_BITS = 24
_UNROLL = 16
_SENTINEL = -0x80000000


def _key16(bits):
    flip = lax.shift_right_arithmetic(bits, 31) & jnp.int32(0x7FFFFFFF)
    return bits ^ flip


def _sc_row(row_v, key_v, hist_v, coarse_v, iota):
    zeros = jnp.zeros((16,), jnp.int32)
    ones = jnp.ones((16,), jnp.int32)
    iota_base = iota + jnp.int32(_NBINS * 16 // 2)

    @plsc.parallel_loop(0, _NBINS, 1, unroll=_UNROLL)
    def _zero(i):
        hist_v[pl.ds(i * 16, 16)] = zeros

    @plsc.parallel_loop(0, _NVEC, 1, unroll=_UNROLL)
    def _hist(i):
        key = _key16(row_v[pl.ds(i * 16, 16)])
        key_v[pl.ds(i * 16, 16)] = key
        idx = (lax.shift_right_arithmetic(key, 20) & jnp.int32(-16)) + iota_base
        plsc.addupdate_scatter(hist_v, [idx], ones)

    @plsc.parallel_loop(0, _NBINS // 16, 1, carry=zeros)
    def _coarse(s, acc):
        for b in range(16):
            binv = jnp.int32(_NBINS - 1) - (s * 16 + b)
            acc = acc + hist_v[pl.ds(binv * 16, 16)]
        coarse_v[pl.ds(s * 16, 16)] = acc
        return acc

    @plsc.parallel_loop(0, _NBINS // 16, 1, carry=jnp.int32(-1))
    def _findsb(s, s0):
        c = jnp.sum(coarse_v[pl.ds(s * 16, 16)])
        return jnp.where((c >= _K) & (s0 < 0), s, s0)

    s0 = _findsb

    prev = jnp.where(
        s0 > 0, coarse_v[pl.ds(jnp.maximum(s0 - 1, 0) * 16, 16)], zeros
    )

    def _fine(t, carry):
        acc, b0, cnt_ge, cnt_above = carry
        binv = jnp.int32(_NBINS - 1) - (s0 * 16 + t)
        acc2 = acc + hist_v[pl.ds(binv * 16, 16)]
        c = jnp.sum(acc2)
        hit = (c >= _K) & (b0 < 0)
        b0 = jnp.where(hit, binv, b0)
        cnt_above = jnp.where(hit, jnp.sum(acc), cnt_above)
        cnt_ge = jnp.where(hit, c, cnt_ge)
        return acc2, b0, cnt_ge, cnt_above

    _, b0, cnt_ge, cnt_above = lax.fori_loop(
        0, 16, _fine, (prev, jnp.int32(-1), jnp.int32(0), jnp.int32(0)),
        unroll=False,
    )
    k_rem = jnp.int32(_K) - cnt_above
    n_cand = cnt_ge - cnt_above

    b0s = b0 - jnp.int32(_NBINS // 2)

    @plsc.parallel_loop(0, _NVEC, 1, unroll=_UNROLL, carry=zeros)
    def _compact(i, run_vec):
        key = key_v[pl.ds(i * 16, 16)]
        m = lax.shift_right_arithmetic(key, 24) == b0s
        m_i32 = m.astype(jnp.int32)
        pos = run_vec + plsc.cumsum(m_i32) - m_i32
        plsc.store_scatter(row_v, [pos], key, mask=m)
        return run_vec + plsc.all_reduce_population_count(m)

    sent = jnp.full((16,), _SENTINEL, jnp.int32)
    for k in range(4):
        row_v[pl.ds(n_cand + k * 16, 16)] = sent

    base = lax.shift_left(b0s, _LOW_BITS)
    trips = (n_cand + 63) // 64
    zeros4 = (zeros, zeros, zeros, zeros)

    def _round(rb, t):
        cand_t = t | lax.shift_left(jnp.int32(1), jnp.int32(_LOW_BITS - 1) - rb)
        thr_try = base | cand_t

        @plsc.parallel_loop(0, trips, 1, carry=zeros4)
        def _cnt(i, s4):
            out = []
            for k in range(4):
                v = row_v[pl.ds((i * 4 + k) * 16, 16)]
                out.append(s4[k] + (v >= thr_try).astype(jnp.int32))
            return tuple(out)

        s4 = _cnt
        cnt = jnp.sum(s4[0] + s4[1] + s4[2] + s4[3])
        return jnp.where(cnt >= k_rem, cand_t, t)

    t_low = lax.fori_loop(0, _LOW_BITS, _round, jnp.int32(0), unroll=False)
    return base | t_low


def _sc_body(x_hbm, thr_hbm, row_a, row_b, key_v, hist_v, coarse_v, thr_v,
             sem_a, sem_b):
    wid = lax.axis_index("s") * 2 + lax.axis_index("c")
    iota = lax.iota(jnp.int32, 16)

    cp_a = pltpu.async_copy(x_hbm.at[wid * 2], row_a.at[pl.ds(0, _N)], sem_a)
    cp_b = pltpu.async_copy(x_hbm.at[wid * 2 + 1], row_b.at[pl.ds(0, _N)], sem_b)

    cp_a.wait()
    thr_v[pl.ds(0, 16)] = jnp.broadcast_to(
        _sc_row(row_a, key_v, hist_v, coarse_v, iota), (16,))

    cp_b.wait()
    thr_v[pl.ds(16, 16)] = jnp.broadcast_to(
        _sc_row(row_b, key_v, hist_v, coarse_v, iota), (16,))
    pltpu.sync_copy(thr_v, thr_hbm.at[pl.ds(wid * 32, 32)])


def _sc_thresholds(x_bits):
    mesh = plsc.VectorSubcoreMesh(
        core_axis_name="c", subcore_axis_name="s", num_cores=2, num_subcores=16
    )
    return pl.kernel(
        _sc_body,
        out_type=jax.ShapeDtypeStruct((x_bits.shape[0] * 16,), jnp.int32),
        mesh=mesh,
        scratch_types=[
            pltpu.VMEM((_N + 64,), jnp.int32),
            pltpu.VMEM((_N + 64,), jnp.int32),
            pltpu.VMEM((_N,), jnp.int32),
            pltpu.VMEM((_NBINS * 16,), jnp.int32),
            pltpu.VMEM((_NBINS,), jnp.int32),
            pltpu.VMEM((32,), jnp.int32),
            pltpu.SemaphoreType.DMA,
            pltpu.SemaphoreType.DMA,
        ],
        compiler_params=pltpu.CompilerParams(needs_layout_passes=False),
    )(x_bits)


def _tc_mask_kernel(x_ref, thr_ref, o_ref):
    x = x_ref[...]
    bits = jax.lax.bitcast_convert_type(x, jnp.int32)
    flip = lax.shift_right_arithmetic(bits, 31) & jnp.int32(0x7FFFFFFF)
    key = bits ^ flip
    thr = thr_ref[...][:, 0:1]
    o_ref[...] = (key >= thr).astype(jnp.float32)


@jax.jit
def kernel(x):
    n_rows, n_cols = x.shape
    thr = _sc_thresholds(jax.lax.bitcast_convert_type(x, jnp.int32))
    thr = thr.reshape(n_rows, 16)
    block_rows = 16
    return pl.pallas_call(
        _tc_mask_kernel,
        grid=(n_rows // block_rows,),
        in_specs=[
            pl.BlockSpec((block_rows, n_cols), lambda i: (i, 0)),
            pl.BlockSpec((block_rows, 16), lambda i: (i, 0)),
        ],
        out_specs=pl.BlockSpec((block_rows, n_cols), lambda i: (i, 0)),
        out_shape=jax.ShapeDtypeStruct((n_rows, n_cols), jnp.float32),
    )(x, thr)

# --- scband reference (transcript-rebuilt; emitter-appended) ---
"""Pipeline reference for scband-top-kbits-53824530154091 (READ-ONLY COPY).

The authoritative reference and input builder live on the scoring server;
editing this copy changes nothing except your own understanding.
"""

import jax, jax.numpy as jnp
import numpy as np

K = 256

def setup_inputs(seed: int = 0) -> dict:
    key = jax.random.key(seed)
    x = jax.random.normal(key, (64, 32768), dtype=jnp.float32)
    return {"x": x}

def reference(x):
    # torch.topk over last dim -> indices of K largest
    _, idx = jax.lax.top_k(x, K)  # idx: [B, K]
    r, c = idx.shape
    idx0 = jnp.repeat(jnp.arange(r), c)  # row indices flattened
    idx1 = idx.reshape(-1)
    b = jnp.zeros(x.shape, dtype=jnp.float32)
    b = b.at[idx0, idx1].set(1.0)
    return b

if __name__ == "__main__":
    import jax
    _d = setup_inputs()
    print(jax.jit(kernel)(*tuple(_d.values())))

</pallas_src>

<mosaic_0001>
#map = affine_map<(d0, d1) -> (0, 0)>
#map1 = affine_map<(d0, d1) -> (0)>
module attributes {stable_mosaic.version = 14 : i64} {
  func.func @_sc_body(%arg0: i32, %arg1: i32, %arg2: memref<64x32768xi32, #tpu.memory_space<hbm>>, %arg3: memref<1024xi32, #tpu.memory_space<hbm>>, %arg4: memref<32832xi32, #tpu.memory_space<vmem>>, %arg5: memref<32832xi32, #tpu.memory_space<vmem>>, %arg6: memref<32768xi32, #tpu.memory_space<vmem>>, %arg7: memref<4096xi32, #tpu.memory_space<vmem>>, %arg8: memref<256xi32, #tpu.memory_space<vmem>>, %arg9: memref<32xi32, #tpu.memory_space<vmem>>, %arg10: memref<!tpu.dma_semaphore, #tpu.memory_space<semaphore_mem>>, %arg11: memref<!tpu.dma_semaphore, #tpu.memory_space<semaphore_mem>>) attributes {dimension_semantics = [#tpu.dimension_semantics<core_parallel>, #tpu.dimension_semantics<subcore_parallel>], iteration_bounds = array<i64: 2, 16>, scalar_prefetch = 0 : i64, scratch_operands = 8 : i64, tpu.core_type = #tpu.core_type<sc_vector_subcore>, window_params = [{transform_indices = #map}, {transform_indices = #map1}]} {
    %mul3A = arith.constant 2 : i32
    %mul3A_0 = arith.muli %arg1, %mul3A : i32
    %add3A = arith.addi %mul3A_0, %arg0 : i32
    %iota3A = tpu.iota {dimensions = array<i32: 0>} : vector<16xi32>
    %mul3A_1 = arith.constant 2 : i32
    %mul3A_2 = arith.muli %add3A, %mul3A_1 : i32
    %dma_start3A = arith.constant 0 : i32
    %dma_start3A_3 = tpu.memref_slice %arg4[%dma_start3A] : memref<32832xi32, #tpu.memory_space<vmem>> -> memref<32768xi32, #tpu.memory_space<vmem>>
    %dma_start3A_4 = arith.constant 0 : i32
    %dma_start3A_5 = tpu.memref_slice %arg2[%mul3A_2, %dma_start3A_4] : memref<64x32768xi32, #tpu.memory_space<hbm>> -> memref<1x32768xi32, #tpu.memory_space<hbm>>
    %dma_start3A_6 = tpu.memref_squeeze %dma_start3A_5 : memref<1x32768xi32, #tpu.memory_space<hbm>> -> memref<32768xi32, #tpu.memory_space<hbm>>
    %dma_start3A_7 = arith.constant 0 : i32
    %dma_start3A_8 = tpu.memref_slice %arg4[%dma_start3A_7] : memref<32832xi32, #tpu.memory_space<vmem>> -> memref<32768xi32, #tpu.memory_space<vmem>>
    %dma_start3A_9 = arith.constant 0 : i32
    %dma_start3A_10 = tpu.memref_slice %arg2[%mul3A_2, %dma_start3A_9] : memref<64x32768xi32, #tpu.memory_space<hbm>> -> memref<1x32768xi32, #tpu.memory_space<hbm>>
    %dma_start3A_11 = tpu.memref_squeeze %dma_start3A_10 : memref<1x32768xi32, #tpu.memory_space<hbm>> -> memref<32768xi32, #tpu.memory_space<hbm>>
    tpu.enqueue_dma source(%dma_start3A_11 : memref<32768xi32, #tpu.memory_space<hbm>>) target(%dma_start3A_8 : memref<32768xi32, #tpu.memory_space<vmem>>) target_semaphore(%arg10 : memref<!tpu.dma_semaphore, #tpu.memory_space<semaphore_mem>>)
    %mul3A_12 = arith.constant 2 : i32
    %mul3A_13 = arith.muli %add3A, %mul3A_12 : i32
    %add3A_14 = arith.constant 1 : i32
    %add3A_15 = arith.addi %mul3A_13, %add3A_14 : i32
    %dma_start3A_16 = arith.constant 0 : i32
    %dma_start3A_17 = tpu.memref_slice %arg5[%dma_start3A_16] : memref<32832xi32, #tpu.memory_space<vmem>> -> memref<32768xi32, #tpu.memory_space<vmem>>
    %dma_start3A_18 = arith.constant 0 : i32
    %dma_start3A_19 = tpu.memref_slice %arg2[%add3A_15, %dma_start3A_18] : memref<64x32768xi32, #tpu.memory_space<hbm>> -> memref<1x32768xi32, #tpu.memory_space<hbm>>
    %dma_start3A_20 = tpu.memref_squeeze %dma_start3A_19 : memref<1x32768xi32, #tpu.memory_space<hbm>> -> memref<32768xi32, #tpu.memory_space<hbm>>
    %dma_start3A_21 = arith.constant 0 : i32
    %dma_start3A_22 = tpu.memref_slice %arg5[%dma_start3A_21] : memref<32832xi32, #tpu.memory_space<vmem>> -> memref<32768xi32, #tpu.memory_space<vmem>>
    %dma_start3A_23 = arith.constant 0 : i32
    %dma_start3A_24 = tpu.memref_slice %arg2[%add3A_15, %dma_start3A_23] : memref<64x32768xi32, #tpu.memory_space<hbm>> -> memref<1x32768xi32, #tpu.memory_space<hbm>>
    %dma_start3A_25 = tpu.memref_squeeze %dma_start3A_24 : memref<1x32768xi32, #tpu.memory_space<hbm>> -> memref<32768xi32, #tpu.memory_space<hbm>>
    tpu.enqueue_dma source(%dma_start3A_25 : memref<32768xi32, #tpu.memory_space<hbm>>) target(%dma_start3A_22 : memref<32768xi32, #tpu.memory_space<vmem>>) target_semaphore(%arg11 : memref<!tpu.dma_semaphore, #tpu.memory_space<semaphore_mem>>)
    %dma_wait3A = arith.constant 0 : i32
    %dma_wait3A_26 = tpu.memref_slice %arg4[%dma_wait3A] : memref<32832xi32, #tpu.memory_space<vmem>> -> memref<32768xi32, #tpu.memory_space<vmem>>
    %dma_wait3A_27 = arith.constant 0 : i32
    %dma_wait3A_28 = tpu.memref_slice %arg2[%mul3A_2, %dma_wait3A_27] : memref<64x32768xi32, #tpu.memory_space<hbm>> -> memref<1x32768xi32, #tpu.memory_space<hbm>>
    %dma_wait3A_29 = tpu.memref_squeeze %dma_wait3A_28 : memref<1x32768xi32, #tpu.memory_space<hbm>> -> memref<32768xi32, #tpu.memory_space<hbm>>
    %dma_wait3A_30 = arith.constant 0 : i32
    %dma_wait3A_31 = tpu.memref_slice %arg4[%dma_wait3A_30] : memref<32832xi32, #tpu.memory_space<vmem>> -> memref<32768xi32, #tpu.memory_space<vmem>>
    %dma_wait3A_32 = arith.constant 0 : i32
    %dma_wait3A_33 = tpu.memref_slice %arg2[%mul3A_2, %dma_wait3A_32] : memref<64x32768xi32, #tpu.memory_space<hbm>> -> memref<1x32768xi32, #tpu.memory_space<hbm>>
    %dma_wait3A_34 = tpu.memref_squeeze %dma_wait3A_33 : memref<1x32768xi32, #tpu.memory_space<hbm>> -> memref<32768xi32, #tpu.memory_space<hbm>>
    tpu.wait_dma2 semaphore(%arg10 : memref<!tpu.dma_semaphore, #tpu.memory_space<semaphore_mem>>) src(%dma_wait3A_34 : memref<32768xi32, #tpu.memory_space<hbm>>) dst(%dma_wait3A_31 : memref<32768xi32, #tpu.memory_space<vmem>>)
    %broadcast_in_dim3A = arith.constant 0 : i32
    %broadcast_in_dim3A_35 = vector.broadcast %broadcast_in_dim3A : i32 to vector<16xi32>
    %broadcast_in_dim3A_36 = arith.constant 1 : i32
    %broadcast_in_dim3A_37 = vector.broadcast %broadcast_in_dim3A_36 : i32 to vector<16xi32>
    %add3A_38 = arith.constant 2048 : i32
    %add3A_39 = vector.broadcast %add3A_38 : i32 to vector<16xi32>
    %add3A_40 = arith.addi %iota3A, %add3A_39 : vector<16xi32>
    %parallel_loop3A = arith.constant 0 : i32
    %parallel_loop3A_41 = arith.constant 256 : i32
    %parallel_loop3A_42 = arith.constant 1 : i32
    scf.for %parallel_loop3A_246 = %parallel_loop3A to %parallel_loop3A_41 step %parallel_loop3A_42  : i32 {
      %parallel_loop3A_247 = arith.constant 16 : i32
      %parallel_loop3A_248 = arith.muli %parallel_loop3A_246, %parallel_loop3A_247 : i32
      %parallel_loop3A_249 = arith.index_cast %parallel_loop3A_248 : i32 to index
      %parallel_loop3A_250 = tpu.vector_load %arg7[%parallel_loop3A_249] {strides = array<i32>} : memref<4096xi32, #tpu.memory_space<vmem>>, vector<16xi32>,
      tpu.vector_store %arg7[%parallel_loop3A_249], %broadcast_in_dim3A_35 {strides = array<i32>} : memref<4096xi32, #tpu.memory_space<vmem>>, vector<16xi32>,
    } {sc.loop_unroll_factor = 16 : i64, sc.parallel_access}
    %parallel_loop3A_43 = arith.constant 0 : i32
    %parallel_loop3A_44 = arith.constant 2048 : i32
    %parallel_loop3A_45 = arith.constant 1 : i32
    scf.for %parallel_loop3A_246 = %parallel_loop3A_43 to %parallel_loop3A_44 step %parallel_loop3A_45  : i32 {
      %parallel_loop3A_247 = arith.constant 16 : i32
      %parallel_loop3A_248 = arith.muli %parallel_loop3A_246, %parallel_loop3A_247 : i32
      %parallel_loop3A_249 = arith.index_cast %parallel_loop3A_248 : i32 to index
      %parallel_loop3A_250 = tpu.vector_load %arg4[%parallel_loop3A_249] {strides = array<i32>} : memref<32832xi32, #tpu.memory_space<vmem>>, vector<16xi32>,
      %parallel_loop3A_251 = arith.constant 31 : i32
      %parallel_loop3A_252 = vector.broadcast %parallel_loop3A_251 : i32 to vector<16xi32>
      %parallel_loop3A_253 = arith.shrsi %parallel_loop3A_250, %parallel_loop3A_252 : vector<16xi32>
      %parallel_loop3A_254 = arith.constant 2147483647 : i32
      %parallel_loop3A_255 = vector.broadcast %parallel_loop3A_254 : i32 to vector<16xi32>
      %parallel_loop3A_256 = arith.andi %parallel_loop3A_253, %parallel_loop3A_255 : vector<16xi32>
      %parallel_loop3A_257 = arith.xori %parallel_loop3A_250, %parallel_loop3A_256 : vector<16xi32>
      %parallel_loop3A_258 = arith.constant 16 : i32
      %parallel_loop3A_259 = arith.muli %parallel_loop3A_246, %parallel_loop3A_258 : i32
      %parallel_loop3A_260 = arith.index_cast %parallel_loop3A_259 : i32 to index
      %parallel_loop3A_261 = tpu.vector_load %arg6[%parallel_loop3A_260] {strides = array<i32>} : memref<32768xi32, #tpu.memory_space<vmem>>, vector<16xi32>,
      tpu.vector_store %arg6[%parallel_loop3A_260], %parallel_loop3A_257 {strides = array<i32>} : memref<32768xi32, #tpu.memory_space<vmem>>, vector<16xi32>,
      %parallel_loop3A_262 = arith.constant 20 : i32
      %parallel_loop3A_263 = vector.broadcast %parallel_loop3A_262 : i32 to vector<16xi32>
      %parallel_loop3A_264 = arith.shrsi %parallel_loop3A_257, %parallel_loop3A_263 : vector<16xi32>
      %parallel_loop3A_265 = arith.constant -16 : i32
      %parallel_loop3A_266 = vector.broadcast %parallel_loop3A_265 : i32 to vector<16xi32>
      %parallel_loop3A_267 = arith.andi %parallel_loop3A_264, %parallel_loop3A_266 : vector<16xi32>
      %parallel_loop3A_268 = arith.addi %parallel_loop3A_267, %add3A_40 : vector<16xi32>
      tpu.vector_store_idx %arg7[%parallel_loop3A_268], %broadcast_in_dim3A_37 {add = true} : memref<4096xi32, #tpu.memory_space<vmem>>[vector<16xi32>], vector<16xi32>,
    } {sc.loop_unroll_factor = 16 : i64, sc.parallel_access}
    %parallel_loop3A_46 = arith.constant 0 : i32
    %parallel_loop3A_47 = arith.constant 16 : i32
    %parallel_loop3A_48 = arith.constant 1 : i32
    %parallel_loop3A_49 = scf.for %parallel_loop3A_246 = %parallel_loop3A_46 to %parallel_loop3A_47 step %parallel_loop3A_48 iter_args(%parallel_loop3A_247 = %broadcast_in_dim3A_35) -> (vector<16xi32>)  : i32 {
      %parallel_loop3A_248 = arith.constant 16 : i32
      %parallel_loop3A_249 = arith.muli %parallel_loop3A_246, %parallel_loop3A_248 : i32
      %parallel_loop3A_250 = arith.constant 0 : i32
      %parallel_loop3A_251 = arith.addi %parallel_loop3A_249, %parallel_loop3A_250 : i32
      %parallel_loop3A_252 = arith.constant 255 : i32
      %parallel_loop3A_253 = arith.subi %parallel_loop3A_252, %parallel_loop3A_251 : i32
      %parallel_loop3A_254 = arith.constant 16 : i32
      %parallel_loop3A_255 = arith.muli %parallel_loop3A_253, %parallel_loop3A_254 : i32
      %parallel_loop3A_256 = arith.index_cast %parallel_loop3A_255 : i32 to index
      %parallel_loop3A_257 = tpu.vector_load %arg7[%parallel_loop3A_256] {strides = array<i32>} : memref<4096xi32, #tpu.memory_space<vmem>>, vector<16xi32>,
      %parallel_loop3A_258 = arith.addi %parallel_loop3A_247, %parallel_loop3A_257 : vector<16xi32>
      %parallel_loop3A_259 = arith.constant 16 : i32
      %parallel_loop3A_260 = arith.muli %parallel_loop3A_246, %parallel_loop3A_259 : i32
      %parallel_loop3A_261 = arith.constant 1 : i32
      %parallel_loop3A_262 = arith.addi %parallel_loop3A_260, %parallel_loop3A_261 : i32
      %parallel_loop3A_263 = arith.constant 255 : i32
      %parallel_loop3A_264 = arith.subi %parallel_loop3A_263, %parallel_loop3A_262 : i32
      %parallel_loop3A_265 = arith.constant 16 : i32
      %parallel_loop3A_266 = arith.muli %parallel_loop3A_264, %parallel_loop3A_265 : i32
      %parallel_loop3A_267 = arith.index_cast %parallel_loop3A_266 : i32 to index
      %parallel_loop3A_268 = tpu.vector_load %arg7[%parallel_loop3A_267] {strides = array<i32>} : memref<4096xi32, #tpu.memory_space<vmem>>, vector<16xi32>,
      %parallel_loop3A_269 = arith.addi %parallel_loop3A_258, %parallel_loop3A_268 : vector<16xi32>
      %parallel_loop3A_270 = arith.constant 16 : i32
      %parallel_loop3A_271 = arith.muli %parallel_loop3A_246, %parallel_loop3A_270 : i32
      %parallel_loop3A_272 = arith.constant 2 : i32
      %parallel_loop3A_273 = arith.addi %parallel_loop3A_271, %parallel_loop3A_272 : i32
      %parallel_loop3A_274 = arith.constant 255 : i32
      %parallel_loop3A_275 = arith.subi %parallel_loop3A_274, %parallel_loop3A_273 : i32
      %parallel_loop3A_276 = arith.constant 16 : i32
      %parallel_loop3A_277 = arith.muli %parallel_loop3A_275, %parallel_loop3A_276 : i32
      %parallel_loop3A_278 = arith.index_cast %parallel_loop3A_277 : i32 to index
      %parallel_loop3A_279 = tpu.vector_load %arg7[%parallel_loop3A_278] {strides = array<i32>} : memref<4096xi32, #tpu.memory_space<vmem>>, vector<16xi32>,
      %parallel_loop3A_280 = arith.addi %parallel_loop3A_269, %parallel_loop3A_279 : vector<16xi32>
      %parallel_loop3A_281 = arith.constant 16 : i32
      %parallel_loop3A_282 = arith.muli %parallel_loop3A_246, %parallel_loop3A_281 : i32
      %parallel_loop3A_283 = arith.constant 3 : i32
      %parallel_loop3A_284 = arith.addi %parallel_loop3A_282, %parallel_loop3A_283 : i32
      %parallel_loop3A_285 = arith.constant 255 : i32
      %parallel_loop3A_286 = arith.subi %parallel_loop3A_285, %parallel_loop3A_284 : i32
      %parallel_loop3A_287 = arith.constant 16 : i32
      %parallel_loop3A_288 = arith.muli %parallel_loop3A_286, %parallel_loop3A_287 : i32
      %parallel_loop3A_289 = arith.index_cast %parallel_loop3A_288 : i32 to index
      %parallel_loop3A_290 = tpu.vector_load %arg7[%parallel_loop3A_289] {strides = array<i32>} : memref<4096xi32, #tpu.memory_space<vmem>>, vector<16xi32>,
      %parallel_loop3A_291 = arith.addi %parallel_loop3A_280, %parallel_loop3A_290 : vector<16xi32>
      %parallel_loop3A_292 = arith.constant 16 : i32
      %parallel_loop3A_293 = arith.muli %parallel_loop3A_246, %parallel_loop3A_292 : i32
      %parallel_loop3A_294 = arith.constant 4 : i32
      %parallel_loop3A_295 = arith.addi %parallel_loop3A_293, %parallel_loop3A_294 : i32
      %parallel_loop3A_296 = arith.constant 255 : i32
      %parallel_loop3A_297 = arith.subi %parallel_loop3A_296, %parallel_loop3A_295 : i32
      %parallel_loop3A_298 = arith.constant 16 : i32
      %parallel_loop3A_299 = arith.muli %parallel_loop3A_297, %parallel_loop3A_298 : i32
      %parallel_loop3A_300 = arith.index_cast %parallel_loop3A_299 : i32 to index
      %parallel_loop3A_301 = tpu.vector_load %arg7[%parallel_loop3A_300] {strides = array<i32>} : memref<4096xi32, #tpu.memory_space<vmem>>, vector<16xi32>,
      %parallel_loop3A_302 = arith.addi %parallel_loop3A_291, %parallel_loop3A_301 : vector<16xi32>
      %parallel_loop3A_303 = arith.constant 16 : i32
      %parallel_loop3A_304 = arith.muli %parallel_loop3A_246, %parallel_loop3A_303 : i32
      %parallel_loop3A_305 = arith.constant 5 : i32
      %parallel_loop3A_306 = arith.addi %parallel_loop3A_304, %parallel_loop3A_305 : i32
      %parallel_loop3A_307 = arith.constant 255 : i32
      %parallel_loop3A_308 = arith.subi %parallel_loop3A_307, %parallel_loop3A_306 : i32
      %parallel_loop3A_309 = arith.constant 16 : i32
      %parallel_loop3A_310 = arith.muli %parallel_loop3A_308, %parallel_loop3A_309 : i32
      %parallel_loop3A_311 = arith.index_cast %parallel_loop3A_310 : i32 to index
      %parallel_loop3A_312 = tpu.vector_load %arg7[%parallel_loop3A_311] {strides = array<i32>} : memref<4096xi32, #tpu.memory_space<vmem>>, vector<16xi32>,
      %parallel_loop3A_313 = arith.addi %parallel_loop3A_302, %parallel_loop3A_312 : vector<16xi32>
      %parallel_loop3A_314 = arith.constant 16 : i32
      %parallel_loop3A_315 = arith.muli %parallel_loop3A_246, %parallel_loop3A_314 : i32
      %parallel_loop3A_316 = arith.constant 6 : i32
      %parallel_loop3A_317 = arith.addi %parallel_loop3A_315, %parallel_loop3A_316 : i32
      %parallel_loop3A_318 = arith.constant 255 : i32
      %parallel_loop3A_319 = arith.subi %parallel_loop3A_318, %parallel_loop3A_317 : i32
      %parallel_loop3A_320 = arith.constant 16 : i32
      %parallel_loop3A_321 = arith.muli %parallel_loop3A_319, %parallel_loop3A_320 : i32
      %parallel_loop3A_322 = arith.index_cast %parallel_loop3A_321 : i32 to index
      %parallel_loop3A_323 = tpu.vector_load %arg7[%parallel_loop3A_322] {strides = array<i32>} : memref<4096xi32, #tpu.memory_space<vmem>>, vector<16xi32>,
      %parallel_loop3A_324 = arith.addi %parallel_loop3A_313, %parallel_loop3A_323 : vector<16xi32>
      %parallel_loop3A_325 = arith.constant 16 : i32
      %parallel_loop3A_326 = arith.muli %parallel_loop3A_246, %parallel_loop3A_325 : i32
      %parallel_loop3A_327 = arith.constant 7 : i32
      %parallel_loop3A_328 = arith.addi %parallel_loop3A_326, %parallel_loop3A_327 : i32
      %parallel_loop3A_329 = arith.constant 255 : i32
      %parallel_loop3A_330 = arith.subi %parallel_loop3A_329, %parallel_loop3A_328 : i32
      %parallel_loop3A_331 = arith.constant 16 : i32
      %parallel_loop3A_332 = arith.muli %parallel_loop3A_330, %parallel_loop3A_331 : i32
      %parallel_loop3A_333 = arith.index_cast %parallel_loop3A_332 : i32 to index
      %parallel_loop3A_334 = tpu.vector_load %arg7[%parallel_loop3A_333] {strides = array<i32>} : memref<4096xi32, #tpu.memory_space<vmem>>, vector<16xi32>,
      %parallel_loop3A_335 = arith.addi %parallel_loop3A_324, %parallel_loop3A_334 : vector<16xi32>
      %parallel_loop3A_336 = arith.constant 16 : i32
      %parallel_loop3A_337 = arith.muli %parallel_loop3A_246, %parallel_loop3A_336 : i32
      %parallel_loop3A_338 = arith.constant 8 : i32
      %parallel_loop3A_339 = arith.addi %parallel_loop3A_337, %parallel_loop3A_338 : i32
      %parallel_loop3A_340 = arith.constant 255 : i32
      %parallel_loop3A_341 = arith.subi %parallel_loop3A_340, %parallel_loop3A_339 : i32
      %parallel_loop3A_342 = arith.constant 16 : i32
      %parallel_loop3A_343 = arith.muli %parallel_loop3A_341, %parallel_loop3A_342 : i32
      %parallel_loop3A_344 = arith.index_cast %parallel_loop3A_343 : i32 to index
      %parallel_loop3A_345 = tpu.vector_load %arg7[%parallel_loop3A_344] {strides = array<i32>} : memref<4096xi32, #tpu.memory_space<vmem>>, vector<16xi32>,
      %parallel_loop3A_346 = arith.addi %parallel_loop3A_335, %parallel_loop3A_345 : vector<16xi32>
      %parallel_loop3A_347 = arith.constant 16 : i32
      %parallel_loop3A_348 = arith.muli %parallel_loop3A_246, %parallel_loop3A_347 : i32
      %parallel_loop3A_349 = arith.constant 9 : i32
      %parallel_loop3A_350 = arith.addi %parallel_loop3A_348, %parallel_loop3A_349 : i32
      %parallel_loop3A_351 = arith.constant 255 : i32
      %parallel_loop3A_352 = arith.subi %parallel_loop3A_351, %parallel_loop3A_350 : i32
      %parallel_loop3A_353 = arith.constant 16 : i32
      %parallel_loop3A_354 = arith.muli %parallel_loop3A_352, %parallel_loop3A_353 : i32
      %parallel_loop3A_355 = arith.index_cast %parallel_loop3A_354 : i32 to index
      %parallel_loop3A_356 = tpu.vector_load %arg7[%parallel_loop3A_355] {strides = array<i32>} : memref<4096xi32, #tpu.memory_space<vmem>>, vector<16xi32>,
      %parallel_loop3A_357 = arith.addi %parallel_loop3A_346, %parallel_loop3A_356 : vector<16xi32>
      %parallel_loop3A_358 = arith.constant 16 : i32
      %parallel_loop3A_359 = arith.muli %parallel_loop3A_246, %parallel_loop3A_358 : i32
      %parallel_loop3A_360 = arith.constant 10 : i32
      %parallel_loop3A_361 = arith.addi %parallel_loop3A_359, %parallel_loop3A_360 : i32
      %parallel_loop3A_362 = arith.constant 255 : i32
      %parallel_loop3A_363 = arith.subi %parallel_loop3A_362, %parallel_loop3A_361 : i32
      %parallel_loop3A_364 = arith.constant 16 : i32
      %parallel_loop3A_365 = arith.muli %parallel_loop3A_363, %parallel_loop3A_364 : i32
      %parallel_loop3A_366 = arith.index_cast %parallel_loop3A_365 : i32 to index
      %parallel_loop3A_367 = tpu.vector_load %arg7[%parallel_loop3A_366] {strides = array<i32>} : memref<4096xi32, #tpu.memory_space<vmem>>, vector<16xi32>,
      %parallel_loop3A_368 = arith.addi %parallel_loop3A_357, %parallel_loop3A_367 : vector<16xi32>
      %parallel_loop3A_369 = arith.constant 16 : i32
      %parallel_loop3A_370 = arith.muli %parallel_loop3A_246, %parallel_loop3A_369 : i32
      %parallel_loop3A_371 = arith.constant 11 : i32
      %parallel_loop3A_372 = arith.addi %parallel_loop3A_370, %parallel_loop3A_371 : i32
      %parallel_loop3A_373 = arith.constant 255 : i32
      %parallel_loop3A_374 = arith.subi %parallel_loop3A_373, %parallel_loop3A_372 : i32
      %parallel_loop3A_375 = arith.constant 16 : i32
      %parallel_loop3A_376 = arith.muli %parallel_loop3A_374, %parallel_loop3A_375 : i32
      %parallel_loop3A_377 = arith.index_cast %parallel_loop3A_376 : i32 to index
      %parallel_loop3A_378 = tpu.vector_load %arg7[%parallel_loop3A_377] {strides = array<i32>} : memref<4096xi32, #tpu.memory_space<vmem>>, vector<16xi32>,
      %parallel_loop3A_379 = arith.addi %parallel_loop3A_368, %parallel_loop3A_378 : vector<16xi32>
      %parallel_loop3A_380 = arith.constant 16 : i32
      %parallel_loop3A_381 = arith.muli %parallel_loop3A_246, %parallel_loop3A_380 : i32
      %parallel_loop3A_382 = arith.constant 12 : i32
      %parallel_loop3A_383 = arith.addi %parallel_loop3A_381, %parallel_loop3A_382 : i32
      %parallel_loop3A_384 = arith.constant 255 : i32
      %parallel_loop3A_385 = arith.subi %parallel_loop3A_384, %parallel_loop3A_383 : i32
      %parallel_loop3A_386 = arith.constant 16 : i32
      %parallel_loop3A_387 = arith.muli %parallel_loop3A_385, %parallel_loop3A_386 : i32
      %parallel_loop3A_388 = arith.index_cast %parallel_loop3A_387 : i32 to index
      %parallel_loop3A_389 = tpu.vector_load %arg7[%parallel_loop3A_388] {strides = array<i32>} : memref<4096xi32, #tpu.memory_space<vmem>>, vector<16xi32>,
      %parallel_loop3A_390 = arith.addi %parallel_loop3A_379, %parallel_loop3A_389 : vector<16xi32>
      %parallel_loop3A_391 = arith.constant 16 : i32
      %parallel_loop3A_392 = arith.muli %parallel_loop3A_246, %parallel_loop3A_391 : i32
      %parallel_loop3A_393 = arith.constant 13 : i32
      %parallel_loop3A_394 = arith.addi %parallel_loop3A_392, %parallel_loop3A_393 : i32
      %parallel_loop3A_395 = arith.constant 255 : i32
      %parallel_loop3A_396 = arith.subi %parallel_loop3A_395, %parallel_loop3A_394 : i32
      %parallel_loop3A_397 = arith.constant 16 : i32
      %parallel_loop3A_398 = arith.muli %parallel_loop3A_396, %parallel_loop3A_397 : i32
      %parallel_loop3A_399 = arith.index_cast %parallel_loop3A_398 : i32 to index
      %parallel_loop3A_400 = tpu.vector_load %arg7[%parallel_loop3A_399] {strides = array<i32>} : memref<4096xi32, #tpu.memory_space<vmem>>, vector<16xi32>,
      %parallel_loop3A_401 = arith.addi %parallel_loop3A_390, %parallel_loop3A_400 : vector<16xi32>
      %parallel_loop3A_402 = arith.constant 16 : i32
      %parallel_loop3A_403 = arith.muli %parallel_loop3A_246, %parallel_loop3A_402 : i32
      %parallel_loop3A_404 = arith.constant 14 : i32
      %parallel_loop3A_405 = arith.addi %parallel_loop3A_403, %parallel_loop3A_404 : i32
      %parallel_loop3A_406 = arith.constant 255 : i32
      %parallel_loop3A_407 = arith.subi %parallel_loop3A_406, %parallel_loop3A_405 : i32
      %parallel_loop3A_408 = arith.constant 16 : i32
      %parallel_loop3A_409 = arith.muli %parallel_loop3A_407, %parallel_loop3A_408 : i32
      %parallel_loop3A_410 = arith.index_cast %parallel_loop3A_409 : i32 to index
      %parallel_loop3A_411 = tpu.vector_load %arg7[%parallel_loop3A_410] {strides = array<i32>} : memref<4096xi32, #tpu.memory_space<vmem>>, vector<16xi32>,
      %parallel_loop3A_412 = arith.addi %parallel_loop3A_401, %parallel_loop3A_411 : vector<16xi32>
      %parallel_loop3A_413 = arith.constant 16 : i32
      %parallel_loop3A_414 = arith.muli %parallel_loop3A_246, %parallel_loop3A_413 : i32
      %parallel_loop3A_415 = arith.constant 15 : i32
      %parallel_loop3A_416 = arith.addi %parallel_loop3A_414, %parallel_loop3A_415 : i32
      %parallel_loop3A_417 = arith.constant 255 : i32
      %parallel_loop3A_418 = arith.subi %parallel_loop3A_417, %parallel_loop3A_416 : i32
      %parallel_loop3A_419 = arith.constant 16 : i32
      %parallel_loop3A_420 = arith.muli %parallel_loop3A_418, %parallel_loop3A_419 : i32
      %parallel_loop3A_421 = arith.index_cast %parallel_loop3A_420 : i32 to index
      %parallel_loop3A_422 = tpu.vector_load %arg7[%parallel_loop3A_421] {strides = array<i32>} : memref<4096xi32, #tpu.memory_space<vmem>>, vector<16xi32>,
      %parallel_loop3A_423 = arith.addi %parallel_loop3A_412, %parallel_loop3A_422 : vector<16xi32>
      %parallel_loop3A_424 = arith.constant 16 : i32
      %parallel_loop3A_425 = arith.muli %parallel_loop3A_246, %parallel_loop3A_424 : i32
      %parallel_loop3A_426 = arith.index_cast %parallel_loop3A_425 : i32 to index
      %parallel_loop3A_427 = tpu.vector_load %arg8[%parallel_loop3A_426] {strides = array<i32>} : memref<256xi32, #tpu.memory_space<vmem>>, vector<16xi32>,
      tpu.vector_store %arg8[%parallel_loop3A_426], %parallel_loop3A_423 {strides = array<i32>} : memref<256xi32, #tpu.memory_space<vmem>>, vector<16xi32>,
      scf.yield %parallel_loop3A_423 : vector<16xi32>
    } {sc.loop_unroll_factor = 1 : i64, sc.parallel_access}
    %parallel_loop3A_50 = arith.constant 0 : i32
    %parallel_loop3A_51 = arith.constant 16 : i32
    %parallel_loop3A_52 = arith.constant 1 : i32
    %parallel_loop3A_53 = arith.constant -1 : i32
    %parallel_loop3A_54 = scf.for %parallel_loop3A_246 = %parallel_loop3A_50 to %parallel_loop3A_51 step %parallel_loop3A_52 iter_args(%parallel_loop3A_247 = %parallel_loop3A_53) -> (i32)  : i32 {
      %parallel_loop3A_248 = arith.constant 16 : i32
      %parallel_loop3A_249 = arith.muli %parallel_loop3A_246, %parallel_loop3A_248 : i32
      %parallel_loop3A_250 = arith.index_cast %parallel_loop3A_249 : i32 to index
      %parallel_loop3A_251 = tpu.vector_load %arg8[%parallel_loop3A_250] {strides = array<i32>} : memref<256xi32, #tpu.memory_space<vmem>>, vector<16xi32>,
      %parallel_loop3A_252 = arith.constant true
      %parallel_loop3A_253 = vector.broadcast %parallel_loop3A_252 : i1 to vector<16xi1>
      %parallel_loop3A_254 = tpu.scan <sum>, %parallel_loop3A_251 masked %parallel_loop3A_253 : vector<16xi32>, vector<16xi1> -> vector<16xi32>
      %parallel_loop3A_255 = vector.extract %parallel_loop3A_254[15] : i32 from vector<16xi32>
      %parallel_loop3A_256 = arith.constant 256 : i32
      %parallel_loop3A_257 = arith.cmpi sge, %parallel_loop3A_255, %parallel_loop3A_256 : i32
      %parallel_loop3A_258 = arith.constant 0 : i32
      %parallel_loop3A_259 = arith.cmpi slt, %parallel_loop3A_247, %parallel_loop3A_258 : i32
      %parallel_loop3A_260 = arith.andi %parallel_loop3A_257, %parallel_loop3A_259 : i1
      %parallel_loop3A_261 = arith.select %parallel_loop3A_260, %parallel_loop3A_246, %parallel_loop3A_247 : i32
      scf.yield %parallel_loop3A_261 : i32
    } {sc.loop_unroll_factor = 1 : i64, sc.parallel_access}
    %gt3A = arith.constant 0 : i32
    %gt3A_55 = arith.cmpi sgt, %parallel_loop3A_54, %gt3A : i32
    %sub3A = arith.constant 1 : i32
    %sub3A_56 = arith.subi %parallel_loop3A_54, %sub3A : i32
    %max3A = arith.constant 0 : i32
    %max3A_57 = arith.maxsi %sub3A_56, %max3A : i32
    %mul3A_58 = arith.constant 16 : i32
    %mul3A_59 = arith.muli %max3A_57, %mul3A_58 : i32
    %get3A = arith.index_cast %mul3A_59 : i32 to index
    %get3A_60 = tpu.vector_load %arg8[%get3A] {strides = array<i32>} : memref<256xi32, #tpu.memory_space<vmem>>, vector<16xi32>,
    %select_n3A = arith.select %gt3A_55, %get3A_60, %broadcast_in_dim3A_35 : vector<16xi32>
    %scan3A = arith.constant -1 : i32
    %scan3A_61 = arith.constant 0 : i32
    %scan3A_62 = arith.constant 0 : i32
    %scan3A_63 = arith.constant 0 : i32
    %scan3A_64 = arith.constant 16 : i32
    %scan3A_65 = arith.addi %scan3A_63, %scan3A_64 : i32
    %scan3A_66 = arith.constant 1 : i32
    %scan3A_67:4 = scf.for %scan3A_246 = %scan3A_63 to %scan3A_65 step %scan3A_66 iter_args(%scan3A_247 = %select_n3A, %scan3A_248 = %scan3A, %scan3A_249 = %scan3A_61, %scan3A_250 = %scan3A_62) -> (vector<16xi32>, i32, i32, i32)  : i32 {
      %mul3A_251 = arith.constant 16 : i32
      %mul3A_252 = arith.muli %parallel_loop3A_54, %mul3A_251 : i32
      %add3A_253 = arith.addi %mul3A_252, %scan3A_246 : i32
      %sub3A_254 = arith.constant 255 : i32
      %sub3A_255 = arith.subi %sub3A_254, %add3A_253 : i32
      %mul3A_256 = arith.constant 16 : i32
      %mul3A_257 = arith.muli %sub3A_255, %mul3A_256 : i32
      %get3A_258 = arith.index_cast %mul3A_257 : i32 to index
      %get3A_259 = tpu.vector_load %arg7[%get3A_258] {strides = array<i32>} : memref<4096xi32, #tpu.memory_space<vmem>>, vector<16xi32>,
      %add3A_260 = arith.addi %scan3A_247, %get3A_259 : vector<16xi32>
      %reduce_sum3A = arith.constant true
      %reduce_sum3A_261 = vector.broadcast %reduce_sum3A : i1 to vector<16xi1>
      %reduce_sum3A_262 = tpu.scan <sum>, %add3A_260 masked %reduce_sum3A_261 : vector<16xi32>, vector<16xi1> -> vector<16xi32>
      %reduce_sum3A_263 = vector.extract %reduce_sum3A_262[15] : i32 from vector<16xi32>
      %ge3A = arith.constant 256 : i32
      %ge3A_264 = arith.cmpi sge, %reduce_sum3A_263, %ge3A : i32
      %lt3A = arith.constant 0 : i32
      %lt3A_265 = arith.cmpi slt, %scan3A_248, %lt3A : i32
      %and3A_266 = arith.andi %ge3A_264, %lt3A_265 : i1
      %select_n3A_267 = arith.select %and3A_266, %sub3A_255, %scan3A_248 : i32
      %reduce_sum3A_268 = arith.constant true
      %reduce_sum3A_269 = vector.broadcast %reduce_sum3A_268 : i1 to vector<16xi1>
      %reduce_sum3A_270 = tpu.scan <sum>, %scan3A_247 masked %reduce_sum3A_269 : vector<16xi32>, vector<16xi1> -> vector<16xi32>
      %reduce_sum3A_271 = vector.extract %reduce_sum3A_270[15] : i32 from vector<16xi32>
      %select_n3A_272 = arith.select %and3A_266, %reduce_sum3A_271, %scan3A_250 : i32
      %select_n3A_273 = arith.select %and3A_266, %reduce_sum3A_263, %scan3A_249 : i32
      scf.yield %add3A_260, %select_n3A_267, %select_n3A_273, %select_n3A_272 : vector<16xi32>, i32, i32, i32
    }
    %scan3A_68 = arith.constant 16 : i32
    %sub3A_69 = arith.constant 256 : i32
    %sub3A_70 = arith.subi %sub3A_69, %scan3A_67#3 : i32
    %sub3A_71 = arith.subi %scan3A_67#2, %scan3A_67#3 : i32
    %sub3A_72 = arith.constant 128 : i32
    %sub3A_73 = arith.subi %scan3A_67#1, %sub3A_72 : i32
    %parallel_loop3A_74 = arith.constant 0 : i32
    %parallel_loop3A_75 = arith.constant 2048 : i32
    %parallel_loop3A_76 = arith.constant 1 : i32
    %parallel_loop3A_77 = scf.for %parallel_loop3A_246 = %parallel_loop3A_74 to %parallel_loop3A_75 step %parallel_loop3A_76 iter_args(%parallel_loop3A_247 = %broadcast_in_dim3A_35) -> (vector<16xi32>)  : i32 {
      %parallel_loop3A_248 = arith.constant 16 : i32
      %parallel_loop3A_249 = arith.muli %parallel_loop3A_246, %parallel_loop3A_248 : i32
      %parallel_loop3A_250 = arith.index_cast %parallel_loop3A_249 : i32 to index
      %parallel_loop3A_251 = tpu.vector_load %arg6[%parallel_loop3A_250] {strides = array<i32>} : memref<32768xi32, #tpu.memory_space<vmem>>, vector<16xi32>,
      %parallel_loop3A_252 = arith.constant 24 : i32
      %parallel_loop3A_253 = vector.broadcast %parallel_loop3A_252 : i32 to vector<16xi32>
      %parallel_loop3A_254 = arith.shrsi %parallel_loop3A_251, %parallel_loop3A_253 : vector<16xi32>
      %parallel_loop3A_255 = vector.broadcast %sub3A_73 : i32 to vector<16xi32>
      %parallel_loop3A_256 = arith.cmpi eq, %parallel_loop3A_254, %parallel_loop3A_255 : vector<16xi32>
      %parallel_loop3A_257 = arith.extui %parallel_loop3A_256 : vector<16xi1> to vector<16xi32>
      %parallel_loop3A_258 = arith.constant true
      %parallel_loop3A_259 = vector.broadcast %parallel_loop3A_258 : i1 to vector<16xi1>
      %parallel_loop3A_260 = tpu.scan <sum>, %parallel_loop3A_257 masked %parallel_loop3A_259 : vector<16xi32>, vector<16xi1> -> vector<16xi32>
      %parallel_loop3A_261 = arith.addi %parallel_loop3A_247, %parallel_loop3A_260 : vector<16xi32>
      %parallel_loop3A_262 = arith.subi %parallel_loop3A_261, %parallel_loop3A_257 : vector<16xi32>
      tpu.vector_store_idx %arg4[%parallel_loop3A_262], %parallel_loop3A_251 masked %parallel_loop3A_256 : memref<32832xi32, #tpu.memory_space<vmem>>[vector<16xi32>], vector<16xi32>, vector<16xi1>
      %parallel_loop3A_263 = tpu.all_reduce %parallel_loop3A_256 {dim = 0 : i64, kind = #tpu.reduction_kind<sum>} : vector<16xi1> -> vector<16xi32>
      %parallel_loop3A_264 = arith.addi %parallel_loop3A_247, %parallel_loop3A_263 : vector<16xi32>
      scf.yield %parallel_loop3A_264 : vector<16xi32>
    } {sc.loop_unroll_factor = 16 : i64, sc.parallel_access}
    %broadcast_in_dim3A_78 = arith.constant -2147483648 : i32
    %broadcast_in_dim3A_79 = vector.broadcast %broadcast_in_dim3A_78 : i32 to vector<16xi32>
    %add3A_80 = arith.constant 0 : i32
    %add3A_81 = arith.addi %sub3A_71, %add3A_80 : i32
    %swap3A = arith.index_cast %add3A_81 : i32 to index
    %swap3A_82 = tpu.vector_load %arg4[%swap3A] {strides = array<i32>} : memref<32832xi32, #tpu.memory_space<vmem>>, vector<16xi32>,
    tpu.vector_store %arg4[%swap3A], %broadcast_in_dim3A_79 {strides = array<i32>} : memref<32832xi32, #tpu.memory_space<vmem>>, vector<16xi32>,
    %add3A_83 = arith.constant 16 : i32
    %add3A_84 = arith.addi %sub3A_71, %add3A_83 : i32
    %swap3A_85 = arith.index_cast %add3A_84 : i32 to index
    %swap3A_86 = tpu.vector_load %arg4[%swap3A_85] {strides = array<i32>} : memref<32832xi32, #tpu.memory_space<vmem>>, vector<16xi32>,
    tpu.vector_store %arg4[%swap3A_85], %broadcast_in_dim3A_79 {strides = array<i32>} : memref<32832xi32, #tpu.memory_space<vmem>>, vector<16xi32>,
    %add3A_87 = arith.constant 32 : i32
    %add3A_88 = arith.addi %sub3A_71, %add3A_87 : i32
    %swap3A_89 = arith.index_cast %add3A_88 : i32 to index
    %swap3A_90 = tpu.vector_load %arg4[%swap3A_89] {strides = array<i32>} : memref<32832xi32, #tpu.memory_space<vmem>>, vector<16xi32>,
    tpu.vector_store %arg4[%swap3A_89], %broadcast_in_dim3A_79 {strides = array<i32>} : memref<32832xi32, #tpu.memory_space<vmem>>, vector<16xi32>,
    %add3A_91 = arith.constant 48 : i32
    %add3A_92 = arith.addi %sub3A_71, %add3A_91 : i32
    %swap3A_93 = arith.index_cast %add3A_92 : i32 to index
    %swap3A_94 = tpu.vector_load %arg4[%swap3A_93] {strides = array<i32>} : memref<32832xi32, #tpu.memory_space<vmem>>, vector<16xi32>,
    tpu.vector_store %arg4[%swap3A_93], %broadcast_in_dim3A_79 {strides = array<i32>} : memref<32832xi32, #tpu.memory_space<vmem>>, vector<16xi32>,
    %shift_left3A = arith.constant 24 : i32
    %shift_left3A_95 = arith.shli %sub3A_73, %shift_left3A : i32
    %add3A_96 = arith.constant 63 : i32
    %add3A_97 = arith.addi %sub3A_71, %add3A_96 : i32
    %jit3A = arith.constant 64 : i32
    %div3A = arith.divsi %add3A_97, %jit3A : i32
    %sign3A = arith.constant 0 : i32
    %sign3A_98 = arith.cmpi sgt, %add3A_97, %sign3A : i32
    %sign3A_99 = arith.extui %sign3A_98 : i1 to i32
    %sign3A_100 = arith.constant 0 : i32
    %sign3A_101 = arith.cmpi slt, %add3A_97, %sign3A_100 : i32
    %sign3A_102 = arith.extui %sign3A_101 : i1 to i32
    %sign3A_103 = arith.subi %sign3A_99, %sign3A_102 : i32
    %sign3A_104 = arith.constant 0 : i32
    %sign3A_105 = arith.cmpi sgt, %jit3A, %sign3A_104 : i32
    %sign3A_106 = arith.extui %sign3A_105 : i1 to i32
    %sign3A_107 = arith.constant 0 : i32
    %sign3A_108 = arith.cmpi slt, %jit3A, %sign3A_107 : i32
    %sign3A_109 = arith.extui %sign3A_108 : i1 to i32
    %sign3A_110 = arith.subi %sign3A_106, %sign3A_109 : i32
    %ne3A = arith.cmpi ne, %sign3A_103, %sign3A_110 : i32
    %rem3A = arith.remsi %add3A_97, %jit3A : i32
    %ne3A_111 = arith.constant 0 : i32
    %ne3A_112 = arith.cmpi ne, %rem3A, %ne3A_111 : i32
    %and3A = arith.andi %ne3A, %ne3A_112 : i1
    %sub3A_113 = arith.constant 1 : i32
    %sub3A_114 = arith.subi %div3A, %sub3A_113 : i32
    %select_n3A_115 = arith.select %and3A, %sub3A_114, %div3A : i32
    %scan3A_116 = arith.constant 0 : i32
    %scan3A_117 = arith.constant 0 : i32
    %scan3A_118 = arith.constant 24 : i32
    %scan3A_119 = arith.addi %scan3A_117, %scan3A_118 : i32
    %scan3A_120 = arith.constant 1 : i32
    %scan3A_121 = scf.for %scan3A_246 = %scan3A_117 to %scan3A_119 step %scan3A_120 iter_args(%scan3A_247 = %scan3A_116) -> (i32)  : i32 {
      %sub3A_248 = arith.constant 23 : i32
      %sub3A_249 = arith.subi %sub3A_248, %scan3A_246 : i32
      %shift_left3A_250 = arith.constant 1 : i32
      %shift_left3A_251 = arith.shli %shift_left3A_250, %sub3A_249 : i32
      %or3A_252 = arith.ori %scan3A_247, %shift_left3A_251 : i32
      %or3A_253 = arith.ori %shift_left3A_95, %or3A_252 : i32
      %parallel_loop3A_254 = arith.constant 0 : i32
      %parallel_loop3A_255 = arith.constant 1 : i32
      %parallel_loop3A_256:4 = scf.for %parallel_loop3A_264 = %parallel_loop3A_254 to %select_n3A_115 step %parallel_loop3A_255 iter_args(%parallel_loop3A_265 = %broadcast_in_dim3A_35, %parallel_loop3A_266 = %broadcast_in_dim3A_35, %parallel_loop3A_267 = %broadcast_in_dim3A_35, %parallel_loop3A_268 = %broadcast_in_dim3A_35) -> (vector<16xi32>, vector<16xi32>, vector<16xi32>, vector<16xi32>)  : i32 {
        %parallel_loop3A_269 = arith.constant 4 : i32
        %parallel_loop3A_270 = arith.muli %parallel_loop3A_264, %parallel_loop3A_269 : i32
        %parallel_loop3A_271 = arith.constant 0 : i32
        %parallel_loop3A_272 = arith.addi %parallel_loop3A_270, %parallel_loop3A_271 : i32
        %parallel_loop3A_273 = arith.constant 16 : i32
        %parallel_loop3A_274 = arith.muli %parallel_loop3A_272, %parallel_loop3A_273 : i32
        %parallel_loop3A_275 = arith.index_cast %parallel_loop3A_274 : i32 to index
        %parallel_loop3A_276 = tpu.vector_load %arg4[%parallel_loop3A_275] {strides = array<i32>} : memref<32832xi32, #tpu.memory_space<vmem>>, vector<16xi32>,
        %parallel_loop3A_277 = vector.broadcast %or3A_253 : i32 to vector<16xi32>
        %parallel_loop3A_278 = arith.cmpi sge, %parallel_loop3A_276, %parallel_loop3A_277 : vector<16xi32>
        %parallel_loop3A_279 = arith.extui %parallel_loop3A_278 : vector<16xi1> to vector<16xi32>
        %parallel_loop3A_280 = arith.addi %parallel_loop3A_265, %parallel_loop3A_279 : vector<16xi32>
        %parallel_loop3A_281 = arith.constant 4 : i32
        %parallel_loop3A_282 = arith.muli %parallel_loop3A_264, %parallel_loop3A_281 : i32
        %parallel_loop3A_283 = arith.constant 1 : i32
        %parallel_loop3A_284 = arith.addi %parallel_loop3A_282, %parallel_loop3A_283 : i32
        %parallel_loop3A_285 = arith.constant 16 : i32
        %parallel_loop3A_286 = arith.muli %parallel_loop3A_284, %parallel_loop3A_285 : i32
        %parallel_loop3A_287 = arith.index_cast %parallel_loop3A_286 : i32 to index
        %parallel_loop3A_288 = tpu.vector_load %arg4[%parallel_loop3A_287] {strides = array<i32>} : memref<32832xi32, #tpu.memory_space<vmem>>, vector<16xi32>,
        %parallel_loop3A_289 = vector.broadcast %or3A_253 : i32 to vector<16xi32>
        %parallel_loop3A_290 = arith.cmpi sge, %parallel_loop3A_288, %parallel_loop3A_289 : vector<16xi32>
        %parallel_loop3A_291 = arith.extui %parallel_loop3A_290 : vector<16xi1> to vector<16xi32>
        %parallel_loop3A_292 = arith.addi %parallel_loop3A_266, %parallel_loop3A_291 : vector<16xi32>
        %parallel_loop3A_293 = arith.constant 4 : i32
        %parallel_loop3A_294 = arith.muli %parallel_loop3A_264, %parallel_loop3A_293 : i32
        %parallel_loop3A_295 = arith.constant 2 : i32
        %parallel_loop3A_296 = arith.addi %parallel_loop3A_294, %parallel_loop3A_295 : i32
        %parallel_loop3A_297 = arith.constant 16 : i32
        %parallel_loop3A_298 = arith.muli %parallel_loop3A_296, %parallel_loop3A_297 : i32
        %parallel_loop3A_299 = arith.index_cast %parallel_loop3A_298 : i32 to index
        %parallel_loop3A_300 = tpu.vector_load %arg4[%parallel_loop3A_299] {strides = array<i32>} : memref<32832xi32, #tpu.memory_space<vmem>>, vector<16xi32>,
        %parallel_loop3A_301 = vector.broadcast %or3A_253 : i32 to vector<16xi32>
        %parallel_loop3A_302 = arith.cmpi sge, %parallel_loop3A_300, %parallel_loop3A_301 : vector<16xi32>
        %parallel_loop3A_303 = arith.extui %parallel_loop3A_302 : vector<16xi1> to vector<16xi32>
        %parallel_loop3A_304 = arith.addi %parallel_loop3A_267, %parallel_loop3A_303 : vector<16xi32>
        %parallel_loop3A_305 = arith.constant 4 : i32
        %parallel_loop3A_306 = arith.muli %parallel_loop3A_264, %parallel_loop3A_305 : i32
        %parallel_loop3A_307 = arith.constant 3 : i32
        %parallel_loop3A_308 = arith.addi %parallel_loop3A_306, %parallel_loop3A_307 : i32
        %parallel_loop3A_309 = arith.constant 16 : i32
        %parallel_loop3A_310 = arith.muli %parallel_loop3A_308, %parallel_loop3A_309 : i32
        %parallel_loop3A_311 = arith.index_cast %parallel_loop3A_310 : i32 to index
        %parallel_loop3A_312 = tpu.vector_load %arg4[%parallel_loop3A_311] {strides = array<i32>} : memref<32832xi32, #tpu.memory_space<vmem>>, vector<16xi32>,
        %parallel_loop3A_313 = vector.broadcast %or3A_253 : i32 to vector<16xi32>
        %parallel_loop3A_314 = arith.cmpi sge, %parallel_loop3A_312, %parallel_loop3A_313 : vector<16xi32>
        %parallel_loop3A_315 = arith.extui %parallel_loop3A_314 : vector<16xi1> to vector<16xi32>
        %parallel_loop3A_316 = arith.addi %parallel_loop3A_268, %parallel_loop3A_315 : vector<16xi32>
        scf.yield %parallel_loop3A_280, %parallel_loop3A_292, %parallel_loop3A_304, %parallel_loop3A_316 : vector<16xi32>, vector<16xi32>, vector<16xi32>, vector<16xi32>
      } {sc.loop_unroll_factor = 1 : i64, sc.parallel_access}
      %add3A_257 = arith.addi %parallel_loop3A_256#0, %parallel_loop3A_256#1 : vector<16xi32>
      %add3A_258 = arith.addi %add3A_257, %parallel_loop3A_256#2 : vector<16xi32>
      %add3A_259 = arith.addi %add3A_258, %parallel_loop3A_256#3 : vector<16xi32>
      %reduce_sum3A = arith.constant true
      %reduce_sum3A_260 = vector.broadcast %reduce_sum3A : i1 to vector<16xi1>
      %reduce_sum3A_261 = tpu.scan <sum>, %add3A_259 masked %reduce_sum3A_260 : vector<16xi32>, vector<16xi1> -> vector<16xi32>
      %reduce_sum3A_262 = vector.extract %reduce_sum3A_261[15] : i32 from vector<16xi32>
      %ge3A = arith.cmpi sge, %reduce_sum3A_262, %sub3A_70 : i32
      %select_n3A_263 = arith.select %ge3A, %or3A_252, %scan3A_247 : i32
      scf.yield %select_n3A_263 : i32
    }
    %scan3A_122 = arith.constant 24 : i32
    %or3A = arith.ori %shift_left3A_95, %scan3A_121 : i32
    %broadcast_in_dim3A_123 = vector.broadcast %or3A : i32 to vector<16xi32>
    %swap3A_124 = arith.constant 0 : index
    %swap3A_125 = tpu.vector_load %arg9[%swap3A_124] {strides = array<i32>} : memref<32xi32, #tpu.memory_space<vmem>>, vector<16xi32>,
    tpu.vector_store %arg9[%swap3A_124], %broadcast_in_dim3A_123 {strides = array<i32>} : memref<32xi32, #tpu.memory_space<vmem>>, vector<16xi32>,
    %dma_wait3A_126 = arith.constant 0 : i32
    %dma_wait3A_127 = tpu.memref_slice %arg5[%dma_wait3A_126] : memref<32832xi32, #tpu.memory_space<vmem>> -> memref<32768xi32, #tpu.memory_space<vmem>>
    %dma_wait3A_128 = arith.constant 0 : i32
    %dma_wait3A_129 = tpu.memref_slice %arg2[%add3A_15, %dma_wait3A_128] : memref<64x32768xi32, #tpu.memory_space<hbm>> -> memref<1x32768xi32, #tpu.memory_space<hbm>>
    %dma_wait3A_130 = tpu.memref_squeeze %dma_wait3A_129 : memref<1x32768xi32, #tpu.memory_space<hbm>> -> memref<32768xi32, #tpu.memory_space<hbm>>
    %dma_wait3A_131 = arith.constant 0 : i32
    %dma_wait3A_132 = tpu.memref_slice %arg5[%dma_wait3A_131] : memref<32832xi32, #tpu.memory_space<vmem>> -> memref<32768xi32, #tpu.memory_space<vmem>>
    %dma_wait3A_133 = arith.constant 0 : i32
    %dma_wait3A_134 = tpu.memref_slice %arg2[%add3A_15, %dma_wait3A_133] : memref<64x32768xi32, #tpu.memory_space<hbm>> -> memref<1x32768xi32, #tpu.memory_space<hbm>>
    %dma_wait3A_135 = tpu.memref_squeeze %dma_wait3A_134 : memref<1x32768xi32, #tpu.memory_space<hbm>> -> memref<32768xi32, #tpu.memory_space<hbm>>
    tpu.wait_dma2 semaphore(%arg11 : memref<!tpu.dma_semaphore, #tpu.memory_space<semaphore_mem>>) src(%dma_wait3A_135 : memref<32768xi32, #tpu.memory_space<hbm>>) dst(%dma_wait3A_132 : memref<32768xi32, #tpu.memory_space<vmem>>)
    %broadcast_in_dim3A_136 = arith.constant 0 : i32
    %broadcast_in_dim3A_137 = vector.broadcast %broadcast_in_dim3A_136 : i32 to vector<16xi32>
    %broadcast_in_dim3A_138 = arith.constant 1 : i32
    %broadcast_in_dim3A_139 = vector.broadcast %broadcast_in_dim3A_138 : i32 to vector<16xi32>
    %add3A_140 = arith.constant 2048 : i32
    %add3A_141 = vector.broadcast %add3A_140 : i32 to vector<16xi32>
    %add3A_142 = arith.addi %iota3A, %add3A_141 : vector<16xi32>
    %parallel_loop3A_143 = arith.constant 0 : i32
    %parallel_loop3A_144 = arith.constant 256 : i32
    %parallel_loop3A_145 = arith.constant 1 : i32
    scf.for %parallel_loop3A_246 = %parallel_loop3A_143 to %parallel_loop3A_144 step %parallel_loop3A_145  : i32 {
      %parallel_loop3A_247 = arith.constant 16 : i32
      %parallel_loop3A_248 = arith.muli %parallel_loop3A_246, %parallel_loop3A_247 : i32
      %parallel_loop3A_249 = arith.index_cast %parallel_loop3A_248 : i32 to index
      %parallel_loop3A_250 = tpu.vector_load %arg7[%parallel_loop3A_249] {strides = array<i32>} : memref<4096xi32, #tpu.memory_space<vmem>>, vector<16xi32>,
      tpu.vector_store %arg7[%parallel_loop3A_249], %broadcast_in_dim3A_137 {strides = array<i32>} : memref<4096xi32, #tpu.memory_space<vmem>>, vector<16xi32>,
    } {sc.loop_unroll_factor = 16 : i64, sc.parallel_access}
    %parallel_loop3A_146 = arith.constant 0 : i32
    %parallel_loop3A_147 = arith.constant 2048 : i32
    %parallel_loop3A_148 = arith.constant 1 : i32
    scf.for %parallel_loop3A_246 = %parallel_loop3A_146 to %parallel_loop3A_147 step %parallel_loop3A_148  : i32 {
      %parallel_loop3A_247 = arith.constant 16 : i32
      %parallel_loop3A_248 = arith.muli %parallel_loop3A_246, %parallel_loop3A_247 : i32
      %parallel_loop3A_249 = arith.index_cast %parallel_loop3A_248 : i32 to index
      %parallel_loop3A_250 = tpu.vector_load %arg5[%parallel_loop3A_249] {strides = array<i32>} : memref<32832xi32, #tpu.memory_space<vmem>>, vector<16xi32>,
      %parallel_loop3A_251 = arith.constant 31 : i32
      %parallel_loop3A_252 = vector.broadcast %parallel_loop3A_251 : i32 to vector<16xi32>
      %parallel_loop3A_253 = arith.shrsi %parallel_loop3A_250, %parallel_loop3A_252 : vector<16xi32>
      %parallel_loop3A_254 = arith.constant 2147483647 : i32
      %parallel_loop3A_255 = vector.broadcast %parallel_loop3A_254 : i32 to vector<16xi32>
      %parallel_loop3A_256 = arith.andi %parallel_loop3A_253, %parallel_loop3A_255 : vector<16xi32>
      %parallel_loop3A_257 = arith.xori %parallel_loop3A_250, %parallel_loop3A_256 : vector<16xi32>
      %parallel_loop3A_258 = arith.constant 16 : i32
      %parallel_loop3A_259 = arith.muli %parallel_loop3A_246, %parallel_loop3A_258 : i32
      %parallel_loop3A_260 = arith.index_cast %parallel_loop3A_259 : i32 to index
      %parallel_loop3A_261 = tpu.vector_load %arg6[%parallel_loop3A_260] {strides = array<i32>} : memref<32768xi32, #tpu.memory_space<vmem>>, vector<16xi32>,
      tpu.vector_store %arg6[%parallel_loop3A_260], %parallel_loop3A_257 {strides = array<i32>} : memref<32768xi32, #tpu.memory_space<vmem>>, vector<16xi32>,
      %parallel_loop3A_262 = arith.constant 20 : i32
      %parallel_loop3A_263 = vector.broadcast %parallel_loop3A_262 : i32 to vector<16xi32>
      %parallel_loop3A_264 = arith.shrsi %parallel_loop3A_257, %parallel_loop3A_263 : vector<16xi32>
      %parallel_loop3A_265 = arith.constant -16 : i32
      %parallel_loop3A_266 = vector.broadcast %parallel_loop3A_265 : i32 to vector<16xi32>
      %parallel_loop3A_267 = arith.andi %parallel_loop3A_264, %parallel_loop3A_266 : vector<16xi32>
      %parallel_loop3A_268 = arith.addi %parallel_loop3A_267, %add3A_142 : vector<16xi32>
      tpu.vector_store_idx %arg7[%parallel_loop3A_268], %broadcast_in_dim3A_139 {add = true} : memref<4096xi32, #tpu.memory_space<vmem>>[vector<16xi32>], vector<16xi32>,
    } {sc.loop_unroll_factor = 16 : i64, sc.parallel_access}
    %parallel_loop3A_149 = arith.constant 0 : i32
    %parallel_loop3A_150 = arith.constant 16 : i32
    %parallel_loop3A_151 = arith.constant 1 : i32
    %parallel_loop3A_152 = scf.for %parallel_loop3A_246 = %parallel_loop3A_149 to %parallel_loop3A_150 step %parallel_loop3A_151 iter_args(%parallel_loop3A_247 = %broadcast_in_dim3A_137) -> (vector<16xi32>)  : i32 {
      %parallel_loop3A_248 = arith.constant 16 : i32
      %parallel_loop3A_249 = arith.muli %parallel_loop3A_246, %parallel_loop3A_248 : i32
      %parallel_loop3A_250 = arith.constant 0 : i32
      %parallel_loop3A_251 = arith.addi %parallel_loop3A_249, %parallel_loop3A_250 : i32
      %parallel_loop3A_252 = arith.constant 255 : i32
      %parallel_loop3A_253 = arith.subi %parallel_loop3A_252, %parallel_loop3A_251 : i32
      %parallel_loop3A_254 = arith.constant 16 : i32
      %parallel_loop3A_255 = arith.muli %parallel_loop3A_253, %parallel_loop3A_254 : i32
      %parallel_loop3A_256 = arith.index_cast %parallel_loop3A_255 : i32 to index
      %parallel_loop3A_257 = tpu.vector_load %arg7[%parallel_loop3A_256] {strides = array<i32>} : memref<4096xi32, #tpu.memory_space<vmem>>, vector<16xi32>,
      %parallel_loop3A_258 = arith.addi %parallel_loop3A_247, %parallel_loop3A_257 : vector<16xi32>
      %parallel_loop3A_259 = arith.constant 16 : i32
      %parallel_loop3A_260 = arith.muli %parallel_loop3A_246, %parallel_loop3A_259 : i32
      %parallel_loop3A_261 = arith.constant 1 : i32
      %parallel_loop3A_262 = arith.addi %parallel_loop3A_260, %parallel_loop3A_261 : i32
      %parallel_loop3A_263 = arith.constant 255 : i32
      %parallel_loop3A_264 = arith.subi %parallel_loop3A_263, %parallel_loop3A_262 : i32
      %parallel_loop3A_265 = arith.constant 16 : i32
      %parallel_loop3A_266 = arith.muli %parallel_loop3A_264, %parallel_loop3A_265 : i32
      %parallel_loop3A_267 = arith.index_cast %parallel_loop3A_266 : i32 to index
      %parallel_loop3A_268 = tpu.vector_load %arg7[%parallel_loop3A_267] {strides = array<i32>} : memref<4096xi32, #tpu.memory_space<vmem>>, vector<16xi32>,
      %parallel_loop3A_269 = arith.addi %parallel_loop3A_258, %parallel_loop3A_268 : vector<16xi32>
      %parallel_loop3A_270 = arith.constant 16 : i32
      %parallel_loop3A_271 = arith.muli %parallel_loop3A_246, %parallel_loop3A_270 : i32
      %parallel_loop3A_272 = arith.constant 2 : i32
      %parallel_loop3A_273 = arith.addi %parallel_loop3A_271, %parallel_loop3A_272 : i32
      %parallel_loop3A_274 = arith.constant 255 : i32
      %parallel_loop3A_275 = arith.subi %parallel_loop3A_274, %parallel_loop3A_273 : i32
      %parallel_loop3A_276 = arith.constant 16 : i32
      %parallel_loop3A_277 = arith.muli %parallel_loop3A_275, %parallel_loop3A_276 : i32
      %parallel_loop3A_278 = arith.index_cast %parallel_loop3A_277 : i32 to index
      %parallel_loop3A_279 = tpu.vector_load %arg7[%parallel_loop3A_278] {strides = array<i32>} : memref<4096xi32, #tpu.memory_space<vmem>>, vector<16xi32>,
      %parallel_loop3A_280 = arith.addi %parallel_loop3A_269, %parallel_loop3A_279 : vector<16xi32>
      %parallel_loop3A_281 = arith.constant 16 : i32
      %parallel_loop3A_282 = arith.muli %parallel_loop3A_246, %parallel_loop3A_281 : i32
      %parallel_loop3A_283 = arith.constant 3 : i32
      %parallel_loop3A_284 = arith.addi %parallel_loop3A_282, %parallel_loop3A_283 : i32
      %parallel_loop3A_285 = arith.constant 255 : i32
      %parallel_loop3A_286 = arith.subi %parallel_loop3A_285, %parallel_loop3A_284 : i32
      %parallel_loop3A_287 = arith.constant 16 : i32
      %parallel_loop3A_288 = arith.muli %parallel_loop3A_286, %parallel_loop3A_287 : i32
      %parallel_loop3A_289 = arith.index_cast %parallel_loop3A_288 : i32 to index
      %parallel_loop3A_290 = tpu.vector_load %arg7[%parallel_loop3A_289] {strides = array<i32>} : memref<4096xi32, #tpu.memory_space<vmem>>, vector<16xi32>,
      %parallel_loop3A_291 = arith.addi %parallel_loop3A_280, %parallel_loop3A_290 : vector<16xi32>
      %parallel_loop3A_292 = arith.constant 16 : i32
      %parallel_loop3A_293 = arith.muli %parallel_loop3A_246, %parallel_loop3A_292 : i32
      %parallel_loop3A_294 = arith.constant 4 : i32
      %parallel_loop3A_295 = arith.addi %parallel_loop3A_293, %parallel_loop3A_294 : i32
      %parallel_loop3A_296 = arith.constant 255 : i32
      %parallel_loop3A_297 = arith.subi %parallel_loop3A_296, %parallel_loop3A_295 : i32
      %parallel_loop3A_298 = arith.constant 16 : i32
      %parallel_loop3A_299 = arith.muli %parallel_loop3A_297, %parallel_loop3A_298 : i32
      %parallel_loop3A_300 = arith.index_cast %parallel_loop3A_299 : i32 to index
      %parallel_loop3A_301 = tpu.vector_load %arg7[%parallel_loop3A_300] {strides = array<i32>} : memref<4096xi32, #tpu.memory_space<vmem>>, vector<16xi32>,
      %parallel_loop3A_302 = arith.addi %parallel_loop3A_291, %parallel_loop3A_301 : vector<16xi32>
      %parallel_loop3A_303 = arith.constant 16 : i32
      %parallel_loop3A_304 = arith.muli %parallel_loop3A_246, %parallel_loop3A_303 : i32
      %parallel_loop3A_305 = arith.constant 5 : i32
      %parallel_loop3A_306 = arith.addi %parallel_loop3A_304, %parallel_loop3A_305 : i32
      %parallel_loop3A_307 = arith.constant 255 : i32
      %parallel_loop3A_308 = arith.subi %parallel_loop3A_307, %parallel_loop3A_306 : i32
      %parallel_loop3A_309 = arith.constant 16 : i32
      %parallel_loop3A_310 = arith.muli %parallel_loop3A_308, %parallel_loop3A_309 : i32
      %parallel_loop3A_311 = arith.index_cast %parallel_loop3A_310 : i32 to index
      %parallel_loop3A_312 = tpu.vector_load %arg7[%parallel_loop3A_311] {strides = array<i32>} : memref<4096xi32, #tpu.memory_space<vmem>>, vector<16xi32>,
      %parallel_loop3A_313 = arith.addi %parallel_loop3A_302, %parallel_loop3A_312 : vector<16xi32>
      %parallel_loop3A_314 = arith.constant 16 : i32
      %parallel_loop3A_315 = arith.muli %parallel_loop3A_246, %parallel_loop3A_314 : i32
      %parallel_loop3A_316 = arith.constant 6 : i32
      %parallel_loop3A_317 = arith.addi %parallel_loop3A_315, %parallel_loop3A_316 : i32
      %parallel_loop3A_318 = arith.constant 255 : i32
      %parallel_loop3A_319 = arith.subi %parallel_loop3A_318, %parallel_loop3A_317 : i32
      %parallel_loop3A_320 = arith.constant 16 : i32
      %parallel_loop3A_321 = arith.muli %parallel_loop3A_319, %parallel_loop3A_320 : i32
      %parallel_loop3A_322 = arith.index_cast %parallel_loop3A_321 : i32 to index
      %parallel_loop3A_323 = tpu.vector_load %arg7[%parallel_loop3A_322] {strides = array<i32>} : memref<4096xi32, #tpu.memory_space<vmem>>, vector<16xi32>,
      %parallel_loop3A_324 = arith.addi %parallel_loop3A_313, %parallel_loop3A_323 : vector<16xi32>
      %parallel_loop3A_325 = arith.constant 16 : i32
      %parallel_loop3A_326 = arith.muli %parallel_loop3A_246, %parallel_loop3A_325 : i32
      %parallel_loop3A_327 = arith.constant 7 : i32
      %parallel_loop3A_328 = arith.addi %parallel_loop3A_326, %parallel_loop3A_327 : i32
      %parallel_loop3A_329 = arith.constant 255 : i32
      %parallel_loop3A_330 = arith.subi %parallel_loop3A_329, %parallel_loop3A_328 : i32
      %parallel_loop3A_331 = arith.constant 16 : i32
      %parallel_loop3A_332 = arith.muli %parallel_loop3A_330, %parallel_loop3A_331 : i32
      %parallel_loop3A_333 = arith.index_cast %parallel_loop3A_332 : i32 to index
      %parallel_loop3A_334 = tpu.vector_load %arg7[%parallel_loop3A_333] {strides = array<i32>} : memref<4096xi32, #tpu.memory_space<vmem>>, vector<16xi32>,
      %parallel_loop3A_335 = arith.addi %parallel_loop3A_324, %parallel_loop3A_334 : vector<16xi32>
      %parallel_loop3A_336 = arith.constant 16 : i32
      %parallel_loop3A_337 = arith.muli %parallel_loop3A_246, %parallel_loop3A_336 : i32
      %parallel_loop3A_338 = arith.constant 8 : i32
      %parallel_loop3A_339 = arith.addi %parallel_loop3A_337, %parallel_loop3A_338 : i32
      %parallel_loop3A_340 = arith.constant 255 : i32
      %parallel_loop3A_341 = arith.subi %parallel_loop3A_340, %parallel_loop3A_339 : i32
      %parallel_loop3A_342 = arith.constant 16 : i32
      %parallel_loop3A_343 = arith.muli %parallel_loop3A_341, %parallel_loop3A_342 : i32
      %parallel_loop3A_344 = arith.index_cast %parallel_loop3A_343 : i32 to index
      %parallel_loop3A_345 = tpu.vector_load %arg7[%parallel_loop3A_344] {strides = array<i32>} : memref<4096xi32, #tpu.memory_space<vmem>>, vector<16xi32>,
      %parallel_loop3A_346 = arith.addi %parallel_loop3A_335, %parallel_loop3A_345 : vector<16xi32>
      %parallel_loop3A_347 = arith.constant 16 : i32
      %parallel_loop3A_348 = arith.muli %parallel_loop3A_246, %parallel_loop3A_347 : i32
      %parallel_loop3A_349 = arith.constant 9 : i32
      %parallel_loop3A_350 = arith.addi %parallel_loop3A_348, %parallel_loop3A_349 : i32
      %parallel_loop3A_351 = arith.constant 255 : i32
      %parallel_loop3A_352 = arith.subi %parallel_loop3A_351, %parallel_loop3A_350 : i32
      %parallel_loop3A_353 = arith.constant 16 : i32
      %parallel_loop3A_354 = arith.muli %parallel_loop3A_352, %parallel_loop3A_353 : i32
      %parallel_loop3A_355 = arith.index_cast %parallel_loop3A_354 : i32 to index
      %parallel_loop3A_356 = tpu.vector_load %arg7[%parallel_loop3A_355] {strides = array<i32>} : memref<4096xi32, #tpu.memory_space<vmem>>, vector<16xi32>,
      %parallel_loop3A_357 = arith.addi %parallel_loop3A_346, %parallel_loop3A_356 : vector<16xi32>
      %parallel_loop3A_358 = arith.constant 16 : i32
      %parallel_loop3A_359 = arith.muli %parallel_loop3A_246, %parallel_loop3A_358 : i32
      %parallel_loop3A_360 = arith.constant 10 : i32
      %parallel_loop3A_361 = arith.addi %parallel_loop3A_359, %parallel_loop3A_360 : i32
      %parallel_loop3A_362 = arith.constant 255 : i32
      %parallel_loop3A_363 = arith.subi %parallel_loop3A_362, %parallel_loop3A_361 : i32
      %parallel_loop3A_364 = arith.constant 16 : i32
      %parallel_loop3A_365 = arith.muli %parallel_loop3A_363, %parallel_loop3A_364 : i32
      %parallel_loop3A_366 = arith.index_cast %parallel_loop3A_365 : i32 to index
      %parallel_loop3A_367 = tpu.vector_load %arg7[%parallel_loop3A_366] {strides = array<i32>} : memref<4096xi32, #tpu.memory_space<vmem>>, vector<16xi32>,
      %parallel_loop3A_368 = arith.addi %parallel_loop3A_357, %parallel_loop3A_367 : vector<16xi32>
      %parallel_loop3A_369 = arith.constant 16 : i32
      %parallel_loop3A_370 = arith.muli %parallel_loop3A_246, %parallel_loop3A_369 : i32
      %parallel_loop3A_371 = arith.constant 11 : i32
      %parallel_loop3A_372 = arith.addi %parallel_loop3A_370, %parallel_loop3A_371 : i32
      %parallel_loop3A_373 = arith.constant 255 : i32
      %parallel_loop3A_374 = arith.subi %parallel_loop3A_373, %parallel_loop3A_372 : i32
      %parallel_loop3A_375 = arith.constant 16 : i32
      %parallel_loop3A_376 = arith.muli %parallel_loop3A_374, %parallel_loop3A_375 : i32
      %parallel_loop3A_377 = arith.index_cast %parallel_loop3A_376 : i32 to index
      %parallel_loop3A_378 = tpu.vector_load %arg7[%parallel_loop3A_377] {strides = array<i32>} : memref<4096xi32, #tpu.memory_space<vmem>>, vector<16xi32>,
      %parallel_loop3A_379 = arith.addi %parallel_loop3A_368, %parallel_loop3A_378 : vector<16xi32>
      %parallel_loop3A_380 = arith.constant 16 : i32
      %parallel_loop3A_381 = arith.muli %parallel_loop3A_246, %parallel_loop3A_380 : i32
      %parallel_loop3A_382 = arith.constant 12 : i32
      %parallel_loop3A_383 = arith.addi %parallel_loop3A_381, %parallel_loop3A_382 : i32
      %parallel_loop3A_384 = arith.constant 255 : i32
      %parallel_loop3A_385 = arith.subi %parallel_loop3A_384, %parallel_loop3A_383 : i32
      %parallel_loop3A_386 = arith.constant 16 : i32
      %parallel_loop3A_387 = arith.muli %parallel_loop3A_385, %parallel_loop3A_386 : i32
      %parallel_loop3A_388 = arith.index_cast %parallel_loop3A_387 : i32 to index
      %parallel_loop3A_389 = tpu.vector_load %arg7[%parallel_loop3A_388] {strides = array<i32>} : memref<4096xi32, #tpu.memory_space<vmem>>, vector<16xi32>,
      %parallel_loop3A_390 = arith.addi %parallel_loop3A_379, %parallel_loop3A_389 : vector<16xi32>
      %parallel_loop3A_391 = arith.constant 16 : i32
      %parallel_loop3A_392 = arith.muli %parallel_loop3A_246, %parallel_loop3A_391 : i32
      %parallel_loop3A_393 = arith.constant 13 : i32
      %parallel_loop3A_394 = arith.addi %parallel_loop3A_392, %parallel_loop3A_393 : i32
      %parallel_loop3A_395 = arith.constant 255 : i32
      %parallel_loop3A_396 = arith.subi %parallel_loop3A_395, %parallel_loop3A_394 : i32
      %parallel_loop3A_397 = arith.constant 16 : i32
      %parallel_loop3A_398 = arith.muli %parallel_loop3A_396, %parallel_loop3A_397 : i32
      %parallel_loop3A_399 = arith.index_cast %parallel_loop3A_398 : i32 to index
      %parallel_loop3A_400 = tpu.vector_load %arg7[%parallel_loop3A_399] {strides = array<i32>} : memref<4096xi32, #tpu.memory_space<vmem>>, vector<16xi32>,
      %parallel_loop3A_401 = arith.addi %parallel_loop3A_390, %parallel_loop3A_400 : vector<16xi32>
      %parallel_loop3A_402 = arith.constant 16 : i32
      %parallel_loop3A_403 = arith.muli %parallel_loop3A_246, %parallel_loop3A_402 : i32
      %parallel_loop3A_404 = arith.constant 14 : i32
      %parallel_loop3A_405 = arith.addi %parallel_loop3A_403, %parallel_loop3A_404 : i32
      %parallel_loop3A_406 = arith.constant 255 : i32
      %parallel_loop3A_407 = arith.subi %parallel_loop3A_406, %parallel_loop3A_405 : i32
      %parallel_loop3A_408 = arith.constant 16 : i32
      %parallel_loop3A_409 = arith.muli %parallel_loop3A_407, %parallel_loop3A_408 : i32
      %parallel_loop3A_410 = arith.index_cast %parallel_loop3A_409 : i32 to index
      %parallel_loop3A_411 = tpu.vector_load %arg7[%parallel_loop3A_410] {strides = array<i32>} : memref<4096xi32, #tpu.memory_space<vmem>>, vector<16xi32>,
      %parallel_loop3A_412 = arith.addi %parallel_loop3A_401, %parallel_loop3A_411 : vector<16xi32>
      %parallel_loop3A_413 = arith.constant 16 : i32
      %parallel_loop3A_414 = arith.muli %parallel_loop3A_246, %parallel_loop3A_413 : i32
      %parallel_loop3A_415 = arith.constant 15 : i32
      %parallel_loop3A_416 = arith.addi %parallel_loop3A_414, %parallel_loop3A_415 : i32
      %parallel_loop3A_417 = arith.constant 255 : i32
      %parallel_loop3A_418 = arith.subi %parallel_loop3A_417, %parallel_loop3A_416 : i32
      %parallel_loop3A_419 = arith.constant 16 : i32
      %parallel_loop3A_420 = arith.muli %parallel_loop3A_418, %parallel_loop3A_419 : i32
      %parallel_loop3A_421 = arith.index_cast %parallel_loop3A_420 : i32 to index
      %parallel_loop3A_422 = tpu.vector_load %arg7[%parallel_loop3A_421] {strides = array<i32>} : memref<4096xi32, #tpu.memory_space<vmem>>, vector<16xi32>,
      %parallel_loop3A_423 = arith.addi %parallel_loop3A_412, %parallel_loop3A_422 : vector<16xi32>
      %parallel_loop3A_424 = arith.constant 16 : i32
      %parallel_loop3A_425 = arith.muli %parallel_loop3A_246, %parallel_loop3A_424 : i32
      %parallel_loop3A_426 = arith.index_cast %parallel_loop3A_425 : i32 to index
      %parallel_loop3A_427 = tpu.vector_load %arg8[%parallel_loop3A_426] {strides = array<i32>} : memref<256xi32, #tpu.memory_space<vmem>>, vector<16xi32>,
      tpu.vector_store %arg8[%parallel_loop3A_426], %parallel_loop3A_423 {strides = array<i32>} : memref<256xi32, #tpu.memory_space<vmem>>, vector<16xi32>,
      scf.yield %parallel_loop3A_423 : vector<16xi32>
    } {sc.loop_unroll_factor = 1 : i64, sc.parallel_access}
    %parallel_loop3A_153 = arith.constant 0 : i32
    %parallel_loop3A_154 = arith.constant 16 : i32
    %parallel_loop3A_155 = arith.constant 1 : i32
    %parallel_loop3A_156 = arith.constant -1 : i32
    %parallel_loop3A_157 = scf.for %parallel_loop3A_246 = %parallel_loop3A_153 to %parallel_loop3A_154 step %parallel_loop3A_155 iter_args(%parallel_loop3A_247 = %parallel_loop3A_156) -> (i32)  : i32 {
      %parallel_loop3A_248 = arith.constant 16 : i32
      %parallel_loop3A_249 = arith.muli %parallel_loop3A_246, %parallel_loop3A_248 : i32
      %parallel_loop3A_250 = arith.index_cast %parallel_loop3A_249 : i32 to index
      %parallel_loop3A_251 = tpu.vector_load %arg8[%parallel_loop3A_250] {strides = array<i32>} : memref<256xi32, #tpu.memory_space<vmem>>, vector<16xi32>,
      %parallel_loop3A_252 = arith.constant true
      %parallel_loop3A_253 = vector.broadcast %parallel_loop3A_252 : i1 to vector<16xi1>
      %parallel_loop3A_254 = tpu.scan <sum>, %parallel_loop3A_251 masked %parallel_loop3A_253 : vector<16xi32>, vector<16xi1> -> vector<16xi32>
      %parallel_loop3A_255 = vector.extract %parallel_loop3A_254[15] : i32 from vector<16xi32>
      %parallel_loop3A_256 = arith.constant 256 : i32
      %parallel_loop3A_257 = arith.cmpi sge, %parallel_loop3A_255, %parallel_loop3A_256 : i32
      %parallel_loop3A_258 = arith.constant 0 : i32
      %parallel_loop3A_259 = arith.cmpi slt, %parallel_loop3A_247, %parallel_loop3A_258 : i32
      %parallel_loop3A_260 = arith.andi %parallel_loop3A_257, %parallel_loop3A_259 : i1
      %parallel_loop3A_261 = arith.select %parallel_loop3A_260, %parallel_loop3A_246, %parallel_loop3A_247 : i32
      scf.yield %parallel_loop3A_261 : i32
    } {sc.loop_unroll_factor = 1 : i64, sc.parallel_access}
    %gt3A_158 = arith.constant 0 : i32
    %gt3A_159 = arith.cmpi sgt, %parallel_loop3A_157, %gt3A_158 : i32
    %sub3A_160 = arith.constant 1 : i32
    %sub3A_161 = arith.subi %parallel_loop3A_157, %sub3A_160 : i32
    %max3A_162 = arith.constant 0 : i32
    %max3A_163 = arith.maxsi %sub3A_161, %max3A_162 : i32
    %mul3A_164 = arith.constant 16 : i32
    %mul3A_165 = arith.muli %max3A_163, %mul3A_164 : i32
    %get3A_166 = arith.index_cast %mul3A_165 : i32 to index
    %get3A_167 = tpu.vector_load %arg8[%get3A_166] {strides = array<i32>} : memref<256xi32, #tpu.memory_space<vmem>>, vector<16xi32>,
    %select_n3A_168 = arith.select %gt3A_159, %get3A_167, %broadcast_in_dim3A_137 : vector<16xi32>
    %scan3A_169 = arith.constant -1 : i32
    %scan3A_170 = arith.constant 0 : i32
    %scan3A_171 = arith.constant 0 : i32
    %scan3A_172 = arith.constant 0 : i32
    %scan3A_173 = arith.constant 16 : i32
    %scan3A_174 = arith.addi %scan3A_172, %scan3A_173 : i32
    %scan3A_175 = arith.constant 1 : i32
    %scan3A_176:4 = scf.for %scan3A_246 = %scan3A_172 to %scan3A_174 step %scan3A_175 iter_args(%scan3A_247 = %select_n3A_168, %scan3A_248 = %scan3A_169, %scan3A_249 = %scan3A_170, %scan3A_250 = %scan3A_171) -> (vector<16xi32>, i32, i32, i32)  : i32 {
      %mul3A_251 = arith.constant 16 : i32
      %mul3A_252 = arith.muli %parallel_loop3A_157, %mul3A_251 : i32
      %add3A_253 = arith.addi %mul3A_252, %scan3A_246 : i32
      %sub3A_254 = arith.constant 255 : i32
      %sub3A_255 = arith.subi %sub3A_254, %add3A_253 : i32
      %mul3A_256 = arith.constant 16 : i32
      %mul3A_257 = arith.muli %sub3A_255, %mul3A_256 : i32
      %get3A_258 = arith.index_cast %mul3A_257 : i32 to index
      %get3A_259 = tpu.vector_load %arg7[%get3A_258] {strides = array<i32>} : memref<4096xi32, #tpu.memory_space<vmem>>, vector<16xi32>,
      %add3A_260 = arith.addi %scan3A_247, %get3A_259 : vector<16xi32>
      %reduce_sum3A = arith.constant true
      %reduce_sum3A_261 = vector.broadcast %reduce_sum3A : i1 to vector<16xi1>
      %reduce_sum3A_262 = tpu.scan <sum>, %add3A_260 masked %reduce_sum3A_261 : vector<16xi32>, vector<16xi1> -> vector<16xi32>
      %reduce_sum3A_263 = vector.extract %reduce_sum3A_262[15] : i32 from vector<16xi32>
      %ge3A = arith.constant 256 : i32
      %ge3A_264 = arith.cmpi sge, %reduce_sum3A_263, %ge3A : i32
      %lt3A = arith.constant 0 : i32
      %lt3A_265 = arith.cmpi slt, %scan3A_248, %lt3A : i32
      %and3A_266 = arith.andi %ge3A_264, %lt3A_265 : i1
      %select_n3A_267 = arith.select %and3A_266, %sub3A_255, %scan3A_248 : i32
      %reduce_sum3A_268 = arith.constant true
      %reduce_sum3A_269 = vector.broadcast %reduce_sum3A_268 : i1 to vector<16xi1>
      %reduce_sum3A_270 = tpu.scan <sum>, %scan3A_247 masked %reduce_sum3A_269 : vector<16xi32>, vector<16xi1> -> vector<16xi32>
      %reduce_sum3A_271 = vector.extract %reduce_sum3A_270[15] : i32 from vector<16xi32>
      %select_n3A_272 = arith.select %and3A_266, %reduce_sum3A_271, %scan3A_250 : i32
      %select_n3A_273 = arith.select %and3A_266, %reduce_sum3A_263, %scan3A_249 : i32
      scf.yield %add3A_260, %select_n3A_267, %select_n3A_273, %select_n3A_272 : vector<16xi32>, i32, i32, i32
    }
    %scan3A_177 = arith.constant 16 : i32
    %sub3A_178 = arith.constant 256 : i32
    %sub3A_179 = arith.subi %sub3A_178, %scan3A_176#3 : i32
    %sub3A_180 = arith.subi %scan3A_176#2, %scan3A_176#3 : i32
    %sub3A_181 = arith.constant 128 : i32
    %sub3A_182 = arith.subi %scan3A_176#1, %sub3A_181 : i32
    %parallel_loop3A_183 = arith.constant 0 : i32
    %parallel_loop3A_184 = arith.constant 2048 : i32
    %parallel_loop3A_185 = arith.constant 1 : i32
    %parallel_loop3A_186 = scf.for %parallel_loop3A_246 = %parallel_loop3A_183 to %parallel_loop3A_184 step %parallel_loop3A_185 iter_args(%parallel_loop3A_247 = %broadcast_in_dim3A_137) -> (vector<16xi32>)  : i32 {
      %parallel_loop3A_248 = arith.constant 16 : i32
      %parallel_loop3A_249 = arith.muli %parallel_loop3A_246, %parallel_loop3A_248 : i32
      %parallel_loop3A_250 = arith.index_cast %parallel_loop3A_249 : i32 to index
      %parallel_loop3A_251 = tpu.vector_load %arg6[%parallel_loop3A_250] {strides = array<i32>} : memref<32768xi32, #tpu.memory_space<vmem>>, vector<16xi32>,
      %parallel_loop3A_252 = arith.constant 24 : i32
      %parallel_loop3A_253 = vector.broadcast %parallel_loop3A_252 : i32 to vector<16xi32>
      %parallel_loop3A_254 = arith.shrsi %parallel_loop3A_251, %parallel_loop3A_253 : vector<16xi32>
      %parallel_loop3A_255 = vector.broadcast %sub3A_182 : i32 to vector<16xi32>
      %parallel_loop3A_256 = arith.cmpi eq, %parallel_loop3A_254, %parallel_loop3A_255 : vector<16xi32>
      %parallel_loop3A_257 = arith.extui %parallel_loop3A_256 : vector<16xi1> to vector<16xi32>
      %parallel_loop3A_258 = arith.constant true
      %parallel_loop3A_259 = vector.broadcast %parallel_loop3A_258 : i1 to vector<16xi1>
      %parallel_loop3A_260 = tpu.scan <sum>, %parallel_loop3A_257 masked %parallel_loop3A_259 : vector<16xi32>, vector<16xi1> -> vector<16xi32>
      %parallel_loop3A_261 = arith.addi %parallel_loop3A_247, %parallel_loop3A_260 : vector<16xi32>
      %parallel_loop3A_262 = arith.subi %parallel_loop3A_261, %parallel_loop3A_257 : vector<16xi32>
      tpu.vector_store_idx %arg5[%parallel_loop3A_262], %parallel_loop3A_251 masked %parallel_loop3A_256 : memref<32832xi32, #tpu.memory_space<vmem>>[vector<16xi32>], vector<16xi32>, vector<16xi1>
      %parallel_loop3A_263 = tpu.all_reduce %parallel_loop3A_256 {dim = 0 : i64, kind = #tpu.reduction_kind<sum>} : vector<16xi1> -> vector<16xi32>
      %parallel_loop3A_264 = arith.addi %parallel_loop3A_247, %parallel_loop3A_263 : vector<16xi32>
      scf.yield %parallel_loop3A_264 : vector<16xi32>
    } {sc.loop_unroll_factor = 16 : i64, sc.parallel_access}
    %broadcast_in_dim3A_187 = arith.constant -2147483648 : i32
    %broadcast_in_dim3A_188 = vector.broadcast %broadcast_in_dim3A_187 : i32 to vector<16xi32>
    %add3A_189 = arith.constant 0 : i32
    %add3A_190 = arith.addi %sub3A_180, %add3A_189 : i32
    %swap3A_191 = arith.index_cast %add3A_190 : i32 to index
    %swap3A_192 = tpu.vector_load %arg5[%swap3A_191] {strides = array<i32>} : memref<32832xi32, #tpu.memory_space<vmem>>, vector<16xi32>,
    tpu.vector_store %arg5[%swap3A_191], %broadcast_in_dim3A_188 {strides = array<i32>} : memref<32832xi32, #tpu.memory_space<vmem>>, vector<16xi32>,
    %add3A_193 = arith.constant 16 : i32
    %add3A_194 = arith.addi %sub3A_180, %add3A_193 : i32
    %swap3A_195 = arith.index_cast %add3A_194 : i32 to index
    %swap3A_196 = tpu.vector_load %arg5[%swap3A_195] {strides = array<i32>} : memref<32832xi32, #tpu.memory_space<vmem>>, vector<16xi32>,
    tpu.vector_store %arg5[%swap3A_195], %broadcast_in_dim3A_188 {strides = array<i32>} : memref<32832xi32, #tpu.memory_space<vmem>>, vector<16xi32>,
    %add3A_197 = arith.constant 32 : i32
    %add3A_198 = arith.addi %sub3A_180, %add3A_197 : i32
    %swap3A_199 = arith.index_cast %add3A_198 : i32 to index
    %swap3A_200 = tpu.vector_load %arg5[%swap3A_199] {strides = array<i32>} : memref<32832xi32, #tpu.memory_space<vmem>>, vector<16xi32>,
    tpu.vector_store %arg5[%swap3A_199], %broadcast_in_dim3A_188 {strides = array<i32>} : memref<32832xi32, #tpu.memory_space<vmem>>, vector<16xi32>,
    %add3A_201 = arith.constant 48 : i32
    %add3A_202 = arith.addi %sub3A_180, %add3A_201 : i32
    %swap3A_203 = arith.index_cast %add3A_202 : i32 to index
    %swap3A_204 = tpu.vector_load %arg5[%swap3A_203] {strides = array<i32>} : memref<32832xi32, #tpu.memory_space<vmem>>, vector<16xi32>,
    tpu.vector_store %arg5[%swap3A_203], %broadcast_in_dim3A_188 {strides = array<i32>} : memref<32832xi32, #tpu.memory_space<vmem>>, vector<16xi32>,
    %shift_left3A_205 = arith.constant 24 : i32
    %shift_left3A_206 = arith.shli %sub3A_182, %shift_left3A_205 : i32
    %add3A_207 = arith.constant 63 : i32
    %add3A_208 = arith.addi %sub3A_180, %add3A_207 : i32
    %jit3A_209 = arith.constant 64 : i32
    %div3A_210 = arith.divsi %add3A_208, %jit3A_209 : i32
    %sign3A_211 = arith.constant 0 : i32
    %sign3A_212 = arith.cmpi sgt, %add3A_208, %sign3A_211 : i32
    %sign3A_213 = arith.extui %sign3A_212 : i1 to i32
    %sign3A_214 = arith.constant 0 : i32
    %sign3A_215 = arith.cmpi slt, %add3A_208, %sign3A_214 : i32
    %sign3A_216 = arith.extui %sign3A_215 : i1 to i32
    %sign3A_217 = arith.subi %sign3A_213, %sign3A_216 : i32
    %sign3A_218 = arith.constant 0 : i32
    %sign3A_219 = arith.cmpi sgt, %jit3A_209, %sign3A_218 : i32
    %sign3A_220 = arith.extui %sign3A_219 : i1 to i32
    %sign3A_221 = arith.constant 0 : i32
    %sign3A_222 = arith.cmpi slt, %jit3A_209, %sign3A_221 : i32
    %sign3A_223 = arith.extui %sign3A_222 : i1 to i32
    %sign3A_224 = arith.subi %sign3A_220, %sign3A_223 : i32
    %ne3A_225 = arith.cmpi ne, %sign3A_217, %sign3A_224 : i32
    %rem3A_226 = arith.remsi %add3A_208, %jit3A_209 : i32
    %ne3A_227 = arith.constant 0 : i32
    %ne3A_228 = arith.cmpi ne, %rem3A_226, %ne3A_227 : i32
    %and3A_229 = arith.andi %ne3A_225, %ne3A_228 : i1
    %sub3A_230 = arith.constant 1 : i32
    %sub3A_231 = arith.subi %div3A_210, %sub3A_230 : i32
    %select_n3A_232 = arith.select %and3A_229, %sub3A_231, %div3A_210 : i32
    %scan3A_233 = arith.constant 0 : i32
    %scan3A_234 = arith.constant 0 : i32
    %scan3A_235 = arith.constant 24 : i32
    %scan3A_236 = arith.addi %scan3A_234, %scan3A_235 : i32
    %scan3A_237 = arith.constant 1 : i32
    %scan3A_238 = scf.for %scan3A_246 = %scan3A_234 to %scan3A_236 step %scan3A_237 iter_args(%scan3A_247 = %scan3A_233) -> (i32)  : i32 {
      %sub3A_248 = arith.constant 23 : i32
      %sub3A_249 = arith.subi %sub3A_248, %scan3A_246 : i32
      %shift_left3A_250 = arith.constant 1 : i32
      %shift_left3A_251 = arith.shli %shift_left3A_250, %sub3A_249 : i32
      %or3A_252 = arith.ori %scan3A_247, %shift_left3A_251 : i32
      %or3A_253 = arith.ori %shift_left3A_206, %or3A_252 : i32
      %parallel_loop3A_254 = arith.constant 0 : i32
      %parallel_loop3A_255 = arith.constant 1 : i32
      %parallel_loop3A_256:4 = scf.for %parallel_loop3A_264 = %parallel_loop3A_254 to %select_n3A_232 step %parallel_loop3A_255 iter_args(%parallel_loop3A_265 = %broadcast_in_dim3A_137, %parallel_loop3A_266 = %broadcast_in_dim3A_137, %parallel_loop3A_267 = %broadcast_in_dim3A_137, %parallel_loop3A_268 = %broadcast_in_dim3A_137) -> (vector<16xi32>, vector<16xi32>, vector<16xi32>, vector<16xi32>)  : i32 {
        %parallel_loop3A_269 = arith.constant 4 : i32
        %parallel_loop3A_270 = arith.muli %parallel_loop3A_264, %parallel_loop3A_269 : i32
        %parallel_loop3A_271 = arith.constant 0 : i32
        %parallel_loop3A_272 = arith.addi %parallel_loop3A_270, %parallel_loop3A_271 : i32
        %parallel_loop3A_273 = arith.constant 16 : i32
        %parallel_loop3A_274 = arith.muli %parallel_loop3A_272, %parallel_loop3A_273 : i32
        %parallel_loop3A_275 = arith.index_cast %parallel_loop3A_274 : i32 to index
        %parallel_loop3A_276 = tpu.vector_load %arg5[%parallel_loop3A_275] {strides = array<i32>} : memref<32832xi32, #tpu.memory_space<vmem>>, vector<16xi32>,
        %parallel_loop3A_277 = vector.broadcast %or3A_253 : i32 to vector<16xi32>
        %parallel_loop3A_278 = arith.cmpi sge, %parallel_loop3A_276, %parallel_loop3A_277 : vector<16xi32>
        %parallel_loop3A_279 = arith.extui %parallel_loop3A_278 : vector<16xi1> to vector<16xi32>
        %parallel_loop3A_280 = arith.addi %parallel_loop3A_265, %parallel_loop3A_279 : vector<16xi32>
        %parallel_loop3A_281 = arith.constant 4 : i32
        %parallel_loop3A_282 = arith.muli %parallel_loop3A_264, %parallel_loop3A_281 : i32
        %parallel_loop3A_283 = arith.constant 1 : i32
        %parallel_loop3A_284 = arith.addi %parallel_loop3A_282, %parallel_loop3A_283 : i32
        %parallel_loop3A_285 = arith.constant 16 : i32
        %parallel_loop3A_286 = arith.muli %parallel_loop3A_284, %parallel_loop3A_285 : i32
        %parallel_loop3A_287 = arith.index_cast %parallel_loop3A_286 : i32 to index
        %parallel_loop3A_288 = tpu.vector_load %arg5[%parallel_loop3A_287] {strides = array<i32>} : memref<32832xi32, #tpu.memory_space<vmem>>, vector<16xi32>,
        %parallel_loop3A_289 = vector.broadcast %or3A_253 : i32 to vector<16xi32>
        %parallel_loop3A_290 = arith.cmpi sge, %parallel_loop3A_288, %parallel_loop3A_289 : vector<16xi32>
        %parallel_loop3A_291 = arith.extui %parallel_loop3A_290 : vector<16xi1> to vector<16xi32>
        %parallel_loop3A_292 = arith.addi %parallel_loop3A_266, %parallel_loop3A_291 : vector<16xi32>
        %parallel_loop3A_293 = arith.constant 4 : i32
        %parallel_loop3A_294 = arith.muli %parallel_loop3A_264, %parallel_loop3A_293 : i32
        %parallel_loop3A_295 = arith.constant 2 : i32
        %parallel_loop3A_296 = arith.addi %parallel_loop3A_294, %parallel_loop3A_295 : i32
        %parallel_loop3A_297 = arith.constant 16 : i32
        %parallel_loop3A_298 = arith.muli %parallel_loop3A_296, %parallel_loop3A_297 : i32
        %parallel_loop3A_299 = arith.index_cast %parallel_loop3A_298 : i32 to index
        %parallel_loop3A_300 = tpu.vector_load %arg5[%parallel_loop3A_299] {strides = array<i32>} : memref<32832xi32, #tpu.memory_space<vmem>>, vector<16xi32>,
        %parallel_loop3A_301 = vector.broadcast %or3A_253 : i32 to vector<16xi32>
        %parallel_loop3A_302 = arith.cmpi sge, %parallel_loop3A_300, %parallel_loop3A_301 : vector<16xi32>
        %parallel_loop3A_303 = arith.extui %parallel_loop3A_302 : vector<16xi1> to vector<16xi32>
        %parallel_loop3A_304 = arith.addi %parallel_loop3A_267, %parallel_loop3A_303 : vector<16xi32>
        %parallel_loop3A_305 = arith.constant 4 : i32
        %parallel_loop3A_306 = arith.muli %parallel_loop3A_264, %parallel_loop3A_305 : i32
        %parallel_loop3A_307 = arith.constant 3 : i32
        %parallel_loop3A_308 = arith.addi %parallel_loop3A_306, %parallel_loop3A_307 : i32
        %parallel_loop3A_309 = arith.constant 16 : i32
        %parallel_loop3A_310 = arith.muli %parallel_loop3A_308, %parallel_loop3A_309 : i32
        %parallel_loop3A_311 = arith.index_cast %parallel_loop3A_310 : i32 to index
        %parallel_loop3A_312 = tpu.vector_load %arg5[%parallel_loop3A_311] {strides = array<i32>} : memref<32832xi32, #tpu.memory_space<vmem>>, vector<16xi32>,
        %parallel_loop3A_313 = vector.broadcast %or3A_253 : i32 to vector<16xi32>
        %parallel_loop3A_314 = arith.cmpi sge, %parallel_loop3A_312, %parallel_loop3A_313 : vector<16xi32>
        %parallel_loop3A_315 = arith.extui %parallel_loop3A_314 : vector<16xi1> to vector<16xi32>
        %parallel_loop3A_316 = arith.addi %parallel_loop3A_268, %parallel_loop3A_315 : vector<16xi32>
        scf.yield %parallel_loop3A_280, %parallel_loop3A_292, %parallel_loop3A_304, %parallel_loop3A_316 : vector<16xi32>, vector<16xi32>, vector<16xi32>, vector<16xi32>
      } {sc.loop_unroll_factor = 1 : i64, sc.parallel_access}
      %add3A_257 = arith.addi %parallel_loop3A_256#0, %parallel_loop3A_256#1 : vector<16xi32>
      %add3A_258 = arith.addi %add3A_257, %parallel_loop3A_256#2 : vector<16xi32>
      %add3A_259 = arith.addi %add3A_258, %parallel_loop3A_256#3 : vector<16xi32>
      %reduce_sum3A = arith.constant true
      %reduce_sum3A_260 = vector.broadcast %reduce_sum3A : i1 to vector<16xi1>
      %reduce_sum3A_261 = tpu.scan <sum>, %add3A_259 masked %reduce_sum3A_260 : vector<16xi32>, vector<16xi1> -> vector<16xi32>
      %reduce_sum3A_262 = vector.extract %reduce_sum3A_261[15] : i32 from vector<16xi32>
      %ge3A = arith.cmpi sge, %reduce_sum3A_262, %sub3A_179 : i32
      %select_n3A_263 = arith.select %ge3A, %or3A_252, %scan3A_247 : i32
      scf.yield %select_n3A_263 : i32
    }
    %scan3A_239 = arith.constant 24 : i32
    %or3A_240 = arith.ori %shift_left3A_206, %scan3A_238 : i32
    %broadcast_in_dim3A_241 = vector.broadcast %or3A_240 : i32 to vector<16xi32>
    %swap3A_242 = arith.constant 16 : index
    %swap3A_243 = tpu.vector_load %arg9[%swap3A_242] {strides = array<i32>} : memref<32xi32, #tpu.memory_space<vmem>>, vector<16xi32>,
    tpu.vector_store %arg9[%swap3A_242], %broadcast_in_dim3A_241 {strides = array<i32>} : memref<32xi32, #tpu.memory_space<vmem>>, vector<16xi32>,
    %mul3A_244 = arith.constant 32 : i32
    %mul3A_245 = arith.muli %add3A, %mul3A_244 : i32
    "tpu.region"() ({
      %run_scoped3A = tpu.sem_alloc : memref<!tpu.dma_semaphore, #tpu.memory_space<semaphore_mem>>
      %dma_start3A_246 = tpu.memref_slice %arg3[%mul3A_245] : memref<1024xi32, #tpu.memory_space<hbm>> -> memref<32xi32, #tpu.memory_space<hbm>>
      %dma_start3A_247 = tpu.memref_slice %arg3[%mul3A_245] : memref<1024xi32, #tpu.memory_space<hbm>> -> memref<32xi32, #tpu.memory_space<hbm>>
      tpu.enqueue_dma source(%arg9 : memref<32xi32, #tpu.memory_space<vmem>>) target(%dma_start3A_247 : memref<32xi32, #tpu.memory_space<hbm>>) target_semaphore(%run_scoped3A : memref<!tpu.dma_semaphore, #tpu.memory_space<semaphore_mem>>)
      %dma_wait3A_248 = tpu.memref_slice %arg3[%mul3A_245] : memref<1024xi32, #tpu.memory_space<hbm>> -> memref<32xi32, #tpu.memory_space<hbm>>
      %dma_wait3A_249 = tpu.memref_slice %arg3[%mul3A_245] : memref<1024xi32, #tpu.memory_space<hbm>> -> memref<32xi32, #tpu.memory_space<hbm>>
      tpu.wait_dma2 semaphore(%run_scoped3A : memref<!tpu.dma_semaphore, #tpu.memory_space<semaphore_mem>>) src(%arg9 : memref<32xi32, #tpu.memory_space<vmem>>) dst(%dma_wait3A_249 : memref<32xi32, #tpu.memory_space<hbm>>)
      tpu.yield
    }) : () -> ()
    return
  }
}

module attributes {stable_mosaic.version = 14 : i64} {
  func.func @_tc_mask_kernel(%arg0: i32, %arg1: memref<16x32768xf32, #tpu.memory_space<vmem>>, %arg2: memref<16x16xi32, #tpu.memory_space<vmem>>, %arg3: memref<16x32768xf32, #tpu.memory_space<vmem>>) attributes {dimension_semantics = [#tpu.dimension_semantics<arbitrary>], iteration_bounds = array<i64: 4>, scalar_prefetch = 0 : i64, scratch_operands = 0 : i64, tpu.core_type = #tpu.core_type<tc>, window_params = [{transform_indices = @transform_0, window_bounds = array<i64: 16, 32768>}, {transform_indices = @transform_1, window_bounds = array<i64: 16, 16>}, {transform_indices = @transform_2, window_bounds = array<i64: 16, 32768>}]} {
    %get3A = arith.constant 0 : index
    %get3A_0 = arith.constant 0 : index
    %get3A_1 = vector.load %arg1[%get3A, %get3A_0] : memref<16x32768xf32, #tpu.memory_space<vmem>>, vector<16x32768xf32>
    %bitcast_convert_type3A = tpu.bitcast %get3A_1 : vector<16x32768xf32> -> vector<16x32768xi32>
    %shift_right_arithmetic3A = arith.constant 31 : i32
    %shift_right_arithmetic3A_2 = vector.broadcast %shift_right_arithmetic3A : i32 to vector<16x32768xi32>
    %shift_right_arithmetic3A_3 = arith.shrsi %bitcast_convert_type3A, %shift_right_arithmetic3A_2 : vector<16x32768xi32>
    %and3A = arith.constant 2147483647 : i32
    %and3A_4 = vector.broadcast %and3A : i32 to vector<16x32768xi32>
    %and3A_5 = arith.andi %shift_right_arithmetic3A_3, %and3A_4 : vector<16x32768xi32>
    %xor3A = arith.xori %bitcast_convert_type3A, %and3A_5 : vector<16x32768xi32>
    %get3A_6 = arith.constant 0 : index
    %get3A_7 = arith.constant 0 : index
    %get3A_8 = vector.load %arg2[%get3A_6, %get3A_7] : memref<16x16xi32, #tpu.memory_space<vmem>>, vector<16x16xi32>
    %slice3A = vector.extract_strided_slice %get3A_8 {offsets = [0, 0], sizes = [16, 1], strides = [1, 1]} : vector<16x16xi32> to vector<16x1xi32>
    %ge3A = vector.broadcast %slice3A : vector<16x1xi32> to vector<16x32768xi32>
    %ge3A_9 = arith.cmpi sge, %xor3A, %ge3A : vector<16x32768xi32>
    %convert_element_type3A = arith.extui %ge3A_9 : vector<16x32768xi1> to vector<16x32768xi32>
    %convert_element_type3A_10 = arith.sitofp %convert_element_type3A : vector<16x32768xi32> to vector<16x32768xf32>
    %swap3A = arith.constant 0 : index
    %swap3A_11 = arith.constant 0 : index
    %swap3A_12 = vector.load %arg3[%swap3A, %swap3A_11] : memref<16x32768xf32, #tpu.memory_space<vmem>>, vector<16x32768xf32>
    tpu.vector_store %arg3[%swap3A, %swap3A_11], %convert_element_type3A_10 {strides = array<i32>} : memref<16x32768xf32, #tpu.memory_space<vmem>>, vector<16x32768xf32>,
    return
  }
  func.func @transform_0(%arg0: i32) -> (i32, i32) {
    %c0_i32 = arith.constant 0 : i32
    %c0_i32_0 = arith.constant 0 : i32
    return %arg0, %c0_i32 : i32, i32
  }
  func.func @transform_1(%arg0: i32) -> (i32, i32) {
    %c0_i32 = arith.constant 0 : i32
    %c0_i32_0 = arith.constant 0 : i32
    return %arg0, %c0_i32 : i32, i32
  }
  func.func @transform_2(%arg0: i32) -> (i32, i32) {
    %c0_i32 = arith.constant 0 : i32
    %c0_i32_0 = arith.constant 0 : i32
    return %arg0, %c0_i32 : i32, i32
  }
}

</mosaic_0001>

<sc_bundles>
// kernel: kernel.4.cloned.1.call-start
scs
__scs_entry_jumppad:
0x0: {  	(pc) =	sbr.rel $0x88, $3  }
0x1: {  	(tag) =	ssettag $0x0;
	lr =	simm.s32 $0x1  }
0x2: {  	[smem:$0x3FA0] =	sst lr;
	_ =	strace $0xD0000000  }
0x3: {  	_ = 	snop  }
0x4: {  	_ = 	snop  }
0x5: {  	_ = 	snop  }
0x6: {  	_ = 	snop  }
0x7: {  	_ = 	snop  }
__scs_overlays_trampoline_lowered:
0x8: {  	[smem:$0x3FAF] =	sst s0  }
0x9: {  	[smem:$0x3FB0] =	sst s1  }
0xa: {  	[smem:$0x3FB1] =	sst s2  }
0xb: {  	[smem:$0x3FB2] =	sst s3  }
0xc: {  	[smem:$0x3FB3] =	sst s4  }
0xd: {  	[smem:$0x3FB4] =	sst s5  }
0xe: {  	[smem:$0x3FB5] =	sst s6  }
0xf: {  	[smem:$0x3FB6] =	sst s7  }
0x10: {  	[smem:$0x3FB7] =	sst s8  }
0x11: {  	[smem:$0x3FB8] =	sst s9;
	s0 =	simm.s32 @!p0 $0x0  }
0x12: {  	s1 =	sld [smem:$0x3F9E];
	s0 =	simm.s32 @p0 $0x1  }
0x13: {  	[smem:$0x3FB9] =	sst s0;
	s0 =	simm.s32 @!p1 $0x0  }
0x14: {  	s2 =	sld [smem:$0x3F9D];
	s0 =	simm.s32 @p1 $0x1  }
0x15: {  	[smem:$0x3FBA] =	sst s0;
	s0 =	simm.s32 @!p2 $0x0  }
0x16: {  	s3 =	sld [smem:$0x3FDB];
	s0 =	simm.s32 @p2 $0x1  }
0x17: {  	s4 =	simm.s32 $0x1BF5;
	[smem:$0x3FBC] =	sst s0  }
0x18: {  	s0 =	sld [smem:$0x3F9F];
	_ =	swait.ge [sflag:s4], $0x0  }
0x19: {  	s7 =	sld [smem:$0x3FA0]  }
0x1a: {  	s8 =	sadd.s32 $0xFFFFE003, lr  }
0x1b: {  	s9 =	sadd.s32 $0xFFFFFEF7, lr;
	s5 =	simm.s32 $0xFFFFFFFF;
	p2 =	slt.u32 s8, $0xFFFFF086  }
0x1c: {  	p1 =	slt.u32 s9, $0xF7A;
	s5 =	simm.s32 @!p2 $0x0  }
0x1d: {  	s5 =	simm.s32 @p1 $0x1;
	p0 =	seq.s32 s7, s2  }
0x1e: {  	s7 =	smul.u32 @!p0 $0xF7A, s2;
	p2 =	seq.s32 @!p0 s5, $0x0  }
0x1f: {  	s9 =	smul.u32 $0xF7A, s1;
	s8 =	simm.s32 @!p0 $0x1BF5;
	p2 =	por !p2, p0  }
0x20: {  	[sflag:s8] =	ssyncset.s32 @!p0 $0xFFFFF086;
	s6 =	sadd.s32 @!p0 s3, s7;
	s7 =	simm.s32 @!p0 $0x108  }
0x21: {  	s3 =	sadd.s32 s3, s9;
	s6 =	sadd.s32 @!p0 $0x88, s6;
	s7 =	simm.s32 @p2 $0x1082  }
0x22: {  	[simem:s7], [sflag:s8] =	dma.local @!p0 [hbm:s6], $0xF7A  }
0x23: {  	s9 =	sor.u32 $0xD0000000, s2;
	s6 =	simm.s32 $0x108;
	_ =	swait.ge @!p0 [sflag:s8], $0x0  }
0x24: {  	s3 =	sadd.s32 $0x88, s3;
	s6 =	simm.s32 @!p1 $0x1082;
	[sflag:s4] =	ssyncset.s32 $0xFFFFF086  }
0x25: {  	[simem:s6], [sflag:s4] =	dma.local [hbm:s3], $0xF7A  }
0x26: {  	[smem:$0x3FA0] =	sst s1;
	(tag) =	ssettag s2;
	_ =	strace s9  }
0x27: {  	s1 =	sld [smem:$0x3FB0]  }
0x28: {  	s2 =	sld [smem:$0x3FB1]  }
0x29: {  	s4 =	sld [smem:$0x3FB3]  }
0x2a: {  	p0 =	seq.s32 s5, $0x0;
	s5 =	sld [smem:$0x3FB4]  }
0x2b: {  	s6 =	sld [smem:$0x3FB5]  }
0x2c: {  	s7 =	sld [smem:$0x3FB6]  }
0x2d: {  	s3 =	simm.s32 $0x108;
	s8 =	sld [smem:$0x3FB7]  }
0x2e: {  	s3 =	simm.s32 @!p0 $0x1082;
	s9 =	sld [smem:$0x3FB8]  }
0x2f: {  	lr =	sadd.s32 s0, s3;
	s0 =	sld [smem:$0x3FAF]  }
0x30: {  	s3 =	sld [smem:$0x3FB2]  }
0x31: {  	[smem:$0x3FBB] =	sst s10  }
0x32: {  	s10 =	sld [smem:$0x3FB9];
	_ =	sdelay $0x3  }
0x33: {  	p0 =	seq.s32 s10, $0x1;
	s10 =	sld [smem:$0x3FBB];
	_ =	sdelay $0x3  }
0x34: {  	[smem:$0x3FBB] =	sst s10  }
0x35: {  	s10 =	sld [smem:$0x3FBA];
	_ =	sdelay $0x3  }
0x36: {  	p1 =	seq.s32 s10, $0x1;
	s10 =	sld [smem:$0x3FBB];
	_ =	sdelay $0x3  }
0x37: {  	[smem:$0x3FBB] =	sst s10  }
0x38: {  	s10 =	sld [smem:$0x3FBC]  }
0x39: {  	_ = 	snop;
	(pc) =	sbr.ind lr, $3  }
0x3a: {  	_ = 	snop  }
0x3b: {  	_ = 	snop  }
0x3c: {  	p2 =	seq.s32 s10, $0x1;
	s10 =	sld [smem:$0x3FBB]  }
0x3d: {  	_ =	shalt  }
0x3e: {  	_ =	shalt  }
0x3f: {  	_ =	shalt  }
0x40: {  	_ =	shalt  }
0x41: {  	_ =	shalt  }
0x42: {  	_ =	shalt  }
0x43: {  	_ =	shalt  }
0x44: {  	_ =	shalt  }
0x45: {  	_ =	shalt  }
0x46: {  	_ =	shalt  }
0x47: {  	_ =	shalt  }
0x48: {  	_ =	shalt  }
0x49: {  	_ =	shalt  }
0x4a: {  	_ =	shalt  }
0x4b: {  	_ =	shalt  }
0x4c: {  	_ =	shalt  }
0x4d: {  	_ =	shalt  }
0x4e: {  	_ =	shalt  }
0x4f: {  	_ =	shalt  }
0x50: {  	_ =	shalt  }
0x51: {  	_ =	shalt  }
0x52: {  	_ =	shalt  }
0x53: {  	_ =	shalt  }
0x54: {  	_ =	shalt  }
0x55: {  	_ =	shalt  }
0x56: {  	_ =	shalt  }
0x57: {  	_ =	shalt  }
0x58: {  	_ =	shalt  }
0x59: {  	_ =	shalt  }
0x5a: {  	_ =	shalt  }
0x5b: {  	_ =	shalt  }
0x5c: {  	_ =	shalt  }
0x5d: {  	_ =	shalt  }
0x5e: {  	_ =	shalt  }
0x5f: {  	_ =	shalt  }
0x60: {  	_ =	shalt  }
0x61: {  	_ =	shalt  }
0x62: {  	_ =	shalt  }
0x63: {  	_ =	shalt  }
0x64: {  	_ =	shalt  }
0x65: {  	_ =	shalt  }
0x66: {  	_ =	shalt  }
0x67: {  	_ =	shalt  }
0x68: {  	_ =	shalt  }
0x69: {  	_ =	shalt  }
0x6a: {  	_ =	shalt  }
0x6b: {  	_ =	shalt  }
0x6c: {  	_ =	shalt  }
0x6d: {  	_ =	shalt  }
0x6e: {  	_ =	shalt  }
0x6f: {  	_ =	shalt  }
0x70: {  	_ =	shalt  }
0x71: {  	_ =	shalt  }
0x72: {  	_ =	shalt  }
0x73: {  	_ =	shalt  }
0x74: {  	_ =	shalt  }
0x75: {  	_ =	shalt  }
0x76: {  	_ =	shalt  }
0x77: {  	_ =	shalt  }
0x78: {  	_ =	shalt  }
0x79: {  	_ =	shalt  }
0x7a: {  	_ =	shalt  }
0x7b: {  	_ =	shalt  }
0x7c: {  	_ =	shalt  }
0x7d: {  	_ =	shalt  }
0x7e: {  	_ =	shalt  }
0x7f: {  	_ =	shalt  }
0x80: {  	_ =	shalt  }
0x81: {  	_ =	shalt  }
0x82: {  	_ =	shalt  }
0x83: {  	_ =	shalt  }
0x84: {  	_ =	shalt  }
0x85: {  	_ =	shalt  }
0x86: {  	_ =	shalt  }
0x87: {  	_ =	shalt  }
.Lfunc_end0:
.L_simem_size_0:
called_computation_lowered:
.L_overlay_start_0:
0x88: {  	s2 =	sld [smem:$0x3FD9]  }
0x89: {  	s3 =	sld [smem:$0x3FFE];
	_ =	sdelay $0x1  }
0x8a: {  	s1 =	srdreg.scid  }
0x8b: {  	s0 =	sand.u32 $0x1, s1  }
0x8c: {  	s17 =	sshll.u32 s0, $0xA;
	s2 =	sadd.s32 s3, s2  }
0x8d: {  	s2 =	sadd.s32 s2, s17  }
0x8e: {  	[smem:$0x3FC7] =	sst s2  }
0x8f: {  	_ = 	snop  }
0x90: {  	s2 =	sld [smem:$0x3FD0];
	(tm) =	ssettm $0x1  }
0x91: {  	s18 =	sld [smem:$0x3FFB];
	_ =	sdelay $0x3  }
0x92: {  	_ =	strace s18  }
0x93: {  	s3 =	sld [smem:$0x3FFC];
	_ =	sdelay $0x3  }
0x94: {  	_ =	strace s3  }
0x95: {  	s3 =	sld [smem:$0x3FFD];
	_ =	sdelay $0x3  }
0x96: {  	_ =	strace s3  }
0x97: {  	_ =	strace $0x8FFFFFFF  }
0x98: {  	s19 =	sld [smem:$0x3FDB];
	_ =	sdelay $0x1  }
0x99: {  	s4 =	simm.s32 $_scs_section_size  }
0x9a: {  	s5 =	simm.s32 $_size__tile_overlayer_lowered;
	s6 =	simm.s32 $_tile_overlayer_lowered  }
0x9b: {  	s22 =	simm.s32 $0x1BFF;
	s21 =	sshll.u32 s6, $0x1;
	s3 =	sadd.s32 s4, s19  }
0x9c: {  	s7 =	simm.s32 $0x0;
	s20 =	sshll.u32 s5, $0x1;
	s5 =	sadd.s32 s21, s3  }
0x9d: {  	[timem:s7], [sflag:s22] =	dma.local [hbm:s5], s20  }
0x9e: {  	_ =	swait.ge [sflag:s22], s20  }
0x9f: {  	s4 =	ssub.s32 $0x0, s20;
	[sflag:s22] =	ssyncset.done $0x0  }
0xa0: {  	[sflag:s22] =	ssyncadd.s32 s4;
	_ =	sdelay $0x1  }
0xa1: {  	s23 =	simm.s32 $0x1B8B  }
0xa2: {  	_ =	swait.ge [sflag:s23], $0x1  }
0xa3: {  	[sflag:s23] =	ssyncset.done $0x0  }
0xa4: {  	s25 =	simm.s32 $0x1B8E;
	s24 =	sld [smem:$0x3FFE];
	[sflag:s23] =	ssyncadd.s32 $0xFFFFFFFF  }
0xa5: {  	s26 =	simm.s32 $execute0_lowered;
	[smem:$0x3FD2] =	sst s25  }
0xa6: {  	s5 =	sshll.u32 s26, $0x1;
	_ =	strace $0x80000046;
	[dreg:$0x1] =	wrdreg $0xFFFFFFFF  }
0xa7: {  	s28 =	simm.s32 $_size_execute0_lowered;
	s3 =	sadd.s32 s3, s5;
	[dreg:$0x0] =	wrdreg $0x0  }
0xa8: {  	s5 =	sshll.u32 s28, $0x1;
	[dreg:$0x2] =	wrdreg s3  }
0xa9: {  	[dreg:$0x3] =	wrdreg s5  }
0xaa: {  	[dreg:$0x4] =	wrdreg $0xC0  }
0xab: {  	_ =	task [dreg:s7], $0x5FFFF  }
0xac: {  	[dreg:$0x1] =	wrdreg $0xFFFFFFFF  }
0xad: {  	[dreg:$0x0] =	wrdreg $0x60  }
0xae: {  	[dreg:$0x2] =	wrdreg s2  }
0xaf: {  	[dreg:$0x3] =	wrdreg s24  }
0xb0: {  	[dreg:$0x4] =	wrdreg $0x9  }
0xb1: {  	_ =	task.clear_ibuf [dreg:s7], $0x5FFFF;
	_ =	strace $0x90000046  }
0xb2: {  	s29 =	simm.s32 $0x9;
	_ =	strace $0x80000048  }
0xb3: {  	_ =	swait.ge [sflag:s29], $0x1  }
0xb4: {  	[sflag:s29] =	ssyncadd.s32 $0xFFFFFFFF  }
0xb5: {  	_ =	strace $0x90000048  }
0xb6: {  	_ =	sfence  }
0xb7: {  	s30 =	sld [smem:$0x0];
	_ =	sdelay $0x2  }
0xb8: {  	s31 =	sshll.u32 s1, $0xD;
	s1 =	sshrl.u32 s1, $0x2  }
0xb9: {  	s3 =	sand.u32 $0x4000, s31;
	s1 =	sadd.s32 s1, s30  }
0xba: {  	s0 =	sor.u32 s3, s0;
	s1 =	sshll.u32 s1, $0x11  }
0xbb: {  	s0 =	sor.u32 s1, s0  }
0xbc: {  	s0 =	sadd.s32 $0x8F2B, s0  }
0xbd: {  	[sflag:s0] =	ssyncadd.remote.s32 $0x1  }
0xbe: {  	_ =	sfence.sel $0xFFFF  }
0xbf: {  	[dreg:$0x0] =	wrdreg $0xFFFFFFFF;
	(pc) =	sbr.abs _section_cstart, $3  }
0xc0: {  	[dreg:$0x1] =	wrdreg $0xFFFFFFFF  }
0xc1: {  	_ =	task.clear_ibuf [dreg:s7], $0x2FFFF;
	_ =	strace $0x9FFFFFFF  }
0xc2: {  	(tm) =	ssettm $0x7FFFFFFF  }
0xc3: {  	_ =	shalt  }
tec
execute0_lowered:
.L_overlay_start_1:
0x0: {  	(tag) =	ssettag $0x1  }
0x1: {  	s1 =	rddreg [dreg:$0x0];
	s2 =	srdreg.scid  }
0x2: {  	s0 =	stileid.u32;
	s4 =	rddreg [dreg:$0x1]  }
0x3: {  	s8 =	simm.s32 $0x400;
	s9 =	simm.s32 $0x8080;
	s10 =	simm.s32 $0x1  }
0x4: {  	s11 =	simm.s32 $0x18100;
	s12 =	simm.s32 $0x800000;
	s13 =	simm.s32 $0x2  }
0x5: {  	s14 =	simm.s32 $0x19200;
	s15 =	simm.s32 $0x3;
	s16 =	simm.s32 $0x0  }
0x6: {  	s3 =	sand.u32 $0x1, s2;
	s26 =	sshll.u32 s0, $0x1;
	s2 =	simm.s32 $0x0  }
0x7: {  	s6 =	sshll.u32 s0, $0xE;
	s5 =	sor.u32 s3, s26;
	[smem:$0x7FF] =	sst s2  }
.Ltmp0:
0x8: {  	s28 =	ssub.s32 $0x2, s3;
	s7 =	sshll.u32 s5, $0x5;
	(pc) =	sbr.rel .LBB2_1-.Ltmp0, $4  }
0x9: {  	_ =	strace $0x80000047;
	s5 =	sshll.u32 s5, $0x2;
	s6 =	sor.u32 s6, s7  }
0xa: {  	s30 =	sshrl.u32 s28, $0x1;
	s31 =	sadd.s32 s5, s4;
	s29 =	sand.u32 $0x38060, s6  }
0xb: {  	v0 =	vimm.s32 $0x0;
	v1 =	vlaneseq.u32;
	s7 =	simm.s32 $0x80;
	s6 =	ssub.s32 s28, s30;
	s3 =	sadd.s32 s1, s29  }
0xc: {  	v2 =	vimm.s32 $0x1;
	v3 =	vimm.s32 $0x80000000;
	v1 =	vor.u32 $0x800, v1;
	s5 =	sadd.s32 $0xC00, s31;
	s6 =	smax.u32 s6, $0x1;
	s4 =	sadd.s32 $0x10, s3  }
.LBB2_38:
0xd: {  	s0 =	sor.u32 s18, s22;
	s16 =	sadd.s32 $0x1, s16  }
0xe: {  	v4 =	vmov s0;
	p0 =	sne.s32 s16, s6  }
.Ltmp1:
0xf: {  	[tilespmem:$0x19210] =	vst v4;
	(pc) =	sbr.rel @!p0 .LBB2_39-.Ltmp1, $4  }
0x10: {  	[hbm4b:s5+s2] =	stream.linear.scatter [tilespmem:s14], [sflag:$0x3], $0x20, $0x38;
	[tilespmem:$0x19280] =	vst v63  }
0x11: {  	_ =	swait.ge [sflag:s15], $0x20  }
0x12: {  	[sflag:s15] =	ssyncset.done $0x0  }
0x13: {  	[sflag:s15] =	ssyncadd.s32 $0xFFFFFFE0  }
.LBB2_1:
0x14: {  	[tilespmem:s2], [sflag:$0x1] =	stream.strided.gather [hbm4b:s3+s7], $0x8000, s8, s7, $0x38;
	[tilespmem:$0x19280] =	vst v63  }
0x15: {  	_ = 	snop  }
0x16: {  	[tilespmem:s9], [sflag:$0x2] =	stream.strided.gather [hbm4b:s4+s7], $0x8000, s8, s7, $0x38;
	[tilespmem:$0x19280] =	vst v63  }
0x17: {  	_ =	swait.ge [sflag:s10], $0x8000  }
0x18: {  	[sflag:s10] =	ssyncset.done $0x0  }
0x19: {  	s1 =	simm.s32 $0x18180;
	[sflag:s10] =	ssyncadd.s32 $0xFFFF8000  }
0x1a: {  	[tilespmem:s1+$0xFFFFFF80] =	vst v0  }
0x1b: {  	[tilespmem:s1+$0x70] =	vst v0  }
0x1c: {  	[tilespmem:s1+$0x60] =	vst v0  }
0x1d: {  	[tilespmem:s1+$0x50] =	vst v0  }
0x1e: {  	[tilespmem:s1+$0x40] =	vst v0  }
0x1f: {  	[tilespmem:s1+$0x30] =	vst v0  }
0x20: {  	[tilespmem:s1+$0x20] =	vst v0  }
0x21: {  	[tilespmem:s1+$0x10] =	vst v0  }
0x22: {  	[tilespmem:s1+$0x0] =	vst v0  }
0x23: {  	[tilespmem:s1+$0xFFFFFFF0] =	vst v0  }
0x24: {  	[tilespmem:s1+$0xFFFFFFE0] =	vst v0  }
0x25: {  	[tilespmem:s1+$0xFFFFFFD0] =	vst v0  }
0x26: {  	[tilespmem:s1+$0xFFFFFFC0] =	vst v0  }
0x27: {  	[tilespmem:s1+$0xFFFFFFB0] =	vst v0  }
0x28: {  	s19 =	simm.s32 $0x0;
	[tilespmem:s1+$0xFFFFFFA0] =	vst v0  }
.LBB2_2:
0x29: {  	s19 =	sadd.s32 $0x10, s19;
	[tilespmem:s1+$0xFFFFFF90] =	vst v0;
	s1 =	sadd.s32 $0x100, s1;
	s17 =	simm.s32 $0x10180  }
0x2a: {  	[tilespmem:s1+$0xFFFFFF80] =	vst v0;
	p0 =	slt.u32 s19, $0xF0  }
0x2b: {  	[tilespmem:s1+$0x70] =	vst v0  }
0x2c: {  	[tilespmem:s1+$0x60] =	vst v0  }
0x2d: {  	[tilespmem:s1+$0x50] =	vst v0  }
0x2e: {  	[tilespmem:s1+$0x40] =	vst v0  }
0x2f: {  	[tilespmem:s1+$0x30] =	vst v0  }
0x30: {  	[tilespmem:s1+$0x20] =	vst v0  }
0x31: {  	[tilespmem:s1+$0x10] =	vst v0  }
0x32: {  	[tilespmem:s1+$0x0] =	vst v0  }
0x33: {  	[tilespmem:s1+$0xFFFFFFF0] =	vst v0  }
.Ltmp2:
0x34: {  	[tilespmem:s1+$0xFFFFFFE0] =	vst v0;
	(pc) =	sbr.rel @p0 .LBB2_2-.Ltmp2, $4  }
0x35: {  	[tilespmem:s1+$0xFFFFFFD0] =	vst v0  }
0x36: {  	[tilespmem:s1+$0xFFFFFFC0] =	vst v0  }
0x37: {  	[tilespmem:s1+$0xFFFFFFB0] =	vst v0  }
0x38: {  	s18 =	simm.s32 $0x80;
	[tilespmem:s1+$0xFFFFFFA0] =	vst v0  }
0x39: {  	[tilespmem:s1+$0xFFFFFF90] =	vst v0  }
0x3a: {  	v5 =	vld [tilespmem:s18+$0x40]  }
0x3b: {  	v6 =	vld [tilespmem:s18+$0x70]  }
0x3c: {  	v8 =	vld [tilespmem:s18+$0xFFFFFFC0]  }
0x3d: {  	v9 =	vld [tilespmem:s18+$0xFFFFFFE0]  }
0x3e: {  	v11 =	vld [tilespmem:s18+$0xFFFFFFF0]  }
0x3f: {  	v14 =	vld [tilespmem:s18+$0xFFFFFFB0];
	_ =	sdelay $0x2  }
0x40: {  	v7 =	vshra.s32 v5, $0x1F  }
0x41: {  	v18 =	vld [tilespmem:s18+$0xFFFFFF90];
	v10 =	vshra.s32 v6, $0x1F;
	v19 =	vshra.s32 v9, $0x1F;
	v20 =	vshra.s32 v11, $0x1F  }
0x42: {  	v4 =	vld [tilespmem:s18+$0x10];
	v21 =	vshra.s32 v8, $0x1F;
	v24 =	vshra.s32 v14, $0x1F;
	v7 =	vand.u32 $0x7FFFFFFF, v7  }
0x43: {  	v10 =	vand.u32 $0x7FFFFFFF, v10;
	v20 =	vand.u32 $0x7FFFFFFF, v20;
	v12 =	vxor.u32 v5, v7;
	v5 =	vld [tilespmem:s18+$0x0]  }
0x44: {  	v19 =	vand.u32 $0x7FFFFFFF, v19;
	v24 =	vand.u32 $0x7FFFFFFF, v24;
	v25 =	vand.u32 $0x7FFFFFFF, v21  }
0x45: {  	v16 =	vld [tilespmem:s18+$0xFFFFFFA0];
	v6 =	vxor.u32 v6, v10;
	v21 =	vxor.u32 v14, v24;
	v7 =	vshra.s32 v12, $0x14  }
0x46: {  	v13 =	vshra.s32 v6, $0x14;
	[tilespmem:s17+$0x40] =	vst v12;
	v12 =	vshra.s32 v18, $0x1F;
	v7 =	vand.u32 $0xFFFFFFF0, v7  }
0x47: {  	v10 =	vld [tilespmem:s18+$0xFFFFFFD0];
	v13 =	vand.u32 $0xFFFFFFF0, v13;
	v17 =	vadd.s32 v1, v7;
	v7 =	vshra.s32 v4, $0x1F  }
0x48: {  	v13 =	vadd.s32 v1, v13;
	v15 =	vand.u32 $0x7FFFFFFF, v7;
	v7 =	vld [tilespmem:s18+$0x20];
	v22 =	vshra.s32 v5, $0x1F  }
0x49: {  	[tilespmem:s17+$0x70] =	vst v6;
	v6 =	vand.u32 $0x7FFFFFFF, v12;
	v12 =	vshra.s32 v21, $0x14;
	v22 =	vand.u32 $0x7FFFFFFF, v22  }
0x4a: {  	v22 =	vxor.u32 v5, v22;
	v5 =	vxor.u32 v9, v19;
	v9 =	vshra.s32 v16, $0x1F  }
0x4b: {  	v20 =	vxor.u32 v11, v20;
	v12 =	vand.u32 $0xFFFFFFF0, v12;
	v9 =	vand.u32 $0x7FFFFFFF, v9  }
0x4c: {  	v23 =	vshra.s32 v10, $0x1F;
	v19 =	vxor.u32 v18, v6;
	[tilespmem:v17+s11+$0x0] =	vst.idx.add.s32.msk $0xffff, v2;
	v11 =	vxor.u32 v16, v9  }
0x4d: {  	[tilespmem:v13+s11+$0x0] =	vst.idx.add.s32.msk $0xffff, v2;
	v26 =	vshra.s32 v7, $0x1F;
	v9 =	vshra.s32 v19, $0x14;
	v6 =	vshra.s32 v11, $0x14  }
0x4e: {  	v13 =	vand.u32 $0xFFFFFFF0, v9;
	[tilespmem:s17+$0xFFFFFFA0] =	vst v11;
	v11 =	vand.u32 $0x7FFFFFFF, v23;
	v6 =	vand.u32 $0xFFFFFFF0, v6  }
0x4f: {  	v27 =	vld [tilespmem:s18+$0x50];
	v23 =	vadd.s32 v1, v12;
	v9 =	vadd.s32 v1, v6;
	v6 =	vxor.u32 v8, v25  }
0x50: {  	v24 =	vld [tilespmem:s18+$0x60];
	[tilespmem:s17+$0xFFFFFFE0] =	vst v5;
	v12 =	vshra.s32 v22, $0x14;
	v10 =	vxor.u32 v10, v11;
	v8 =	vshra.s32 v6, $0x14  }
0x51: {  	s20 =	simm.s32 $0x180;
	v13 =	vadd.s32 v1, v13;
	v11 =	vshra.s32 v20, $0x14;
	v25 =	vld [tilespmem:s18+$0xFFFFFF80];
	[tilespmem:s17+$0xFFFFFFD0] =	vst v10;
	v14 =	vand.u32 $0xFFFFFFF0, v8  }
0x52: {  	s19 =	simm.s32 $0x0;
	s21 =	simm.s32 $0x10180;
	v11 =	vand.u32 $0xFFFFFFF0, v11;
	[tilespmem:s17+$0xFFFFFFC0] =	vst v6;
	v8 =	vld [tilespmem:s18+$0x30];
	s18 =	simm.s32 $0x190F0;
	v6 =	vadd.s32 v1, v14;
	v14 =	vshra.s32 v10, $0x14  }
.LBB2_4:
0x53: {  	v10 =	vld [tilespmem:s20+$0x40];
	s19 =	sadd.s32 $0x10, s19;
	v14 =	vand.u32 $0xFFFFFFF0, v14;
	[tilespmem:s17+$0x0] =	vst v22;
	v4 =	vxor.u32 v4, v15;
	v15 =	vand.u32 $0x7FFFFFFF, v26;
	s21 =	sadd.s32 $0x100, s21  }
0x54: {  	v16 =	vld [tilespmem:s20+$0xFFFFFF90];
	p0 =	slt.u32 s19, $0x7F0;
	v14 =	vadd.s32 v1, v14;
	[tilespmem:s17+$0x10] =	vst v4;
	v4 =	vshra.s32 v4, $0x14;
	v7 =	vxor.u32 v7, v15  }
0x55: {  	v15 =	vshra.s32 v24, $0x1F;
	v18 =	vld [tilespmem:s20+$0xFFFFFFB0];
	v4 =	vand.u32 $0xFFFFFFF0, v4;
	[tilespmem:s17+$0x20] =	vst v7;
	v7 =	vshra.s32 v7, $0x14  }
0x56: {  	v26 =	vld [tilespmem:s20+$0xFFFFFFA0];
	v17 =	vshra.s32 v25, $0x1F;
	[tilespmem:s17+$0xFFFFFFF0] =	vst v20;
	v28 =	vadd.s32 v1, v4;
	v4 =	vand.u32 $0x7FFFFFFF, v15  }
0x57: {  	v7 =	vand.u32 $0xFFFFFFF0, v7;
	v29 =	vld [tilespmem:s20+$0xFFFFFFC0];
	v15 =	vand.u32 $0x7FFFFFFF, v17;
	[tilespmem:s17+$0xFFFFFFB0] =	vst v21;
	v17 =	vshra.s32 v27, $0x1F  }
0x58: {  	v4 =	vxor.u32 v24, v4;
	v20 =	vshra.s32 v10, $0x1F;
	v21 =	vld [tilespmem:s20+$0x70];
	[tilespmem:s17+$0xFFFFFF90] =	vst v19;
	v19 =	vand.u32 $0x7FFFFFFF, v17  }
0x59: {  	v22 =	vadd.s32 v1, v7;
	v17 =	vld [tilespmem:s20+$0xFFFFFFD0];
	v20 =	vand.u32 $0x7FFFFFFF, v20;
	v7 =	vxor.u32 v27, v19;
	[tilespmem:s17+$0x60] =	vst v4  }
0x5a: {  	v15 =	vxor.u32 v25, v15;
	v25 =	vshra.s32 v4, $0x14;
	v19 =	vld [tilespmem:s20+$0xFFFFFFE0];
	v24 =	vshra.s32 v7, $0x14  }
0x5b: {  	v10 =	vxor.u32 v10, v20;
	v20 =	vshra.s32 v15, $0x14;
	[tilespmem:v23+s11+$0x0] =	vst.idx.add.s32.msk $0xffff, v2;
	v23 =	vand.u32 $0xFFFFFFF0, v24  }
0x5c: {  	v24 =	vshra.s32 v10, $0x14;
	v20 =	vand.u32 $0xFFFFFFF0, v20;
	v4 =	vld [tilespmem:s20+$0x10];
	[tilespmem:s17+$0x50] =	vst v7;
	v23 =	vadd.s32 v1, v23  }
0x5d: {  	v20 =	vadd.s32 v1, v20;
	v7 =	vld [tilespmem:s20+$0x20];
	[tilespmem:s21+$0x40] =	vst v10;
	v10 =	vand.u32 $0xFFFFFFF0, v24;
	v24 =	vshra.s32 v21, $0x1F  }
0x5e: {  	v27 =	vadd.s32 v1, v10;
	v10 =	vand.u32 $0x7FFFFFFF, v24;
	[tilespmem:v13+s11+$0x0] =	vst.idx.add.s32.msk $0xffff, v2;
	v13 =	vand.u32 $0xFFFFFFF0, v25  }
0x5f: {  	v5 =	vshra.s32 v5, $0x14;
	v10 =	vxor.u32 v21, v10;
	[tilespmem:v9+s11+$0x0] =	vst.idx.add.s32.msk $0xffff, v2;
	v9 =	vadd.s32 v1, v13  }
0x60: {  	v5 =	vand.u32 $0xFFFFFFF0, v5;
	v21 =	vshra.s32 v8, $0x1F;
	v13 =	vshra.s32 v10, $0x14;
	[tilespmem:v22+s11+$0x0] =	vst.idx.add.s32.msk $0xffff, v2  }
0x61: {  	v25 =	vadd.s32 v1, v5;
	v5 =	vand.u32 $0x7FFFFFFF, v21;
	v24 =	vld [tilespmem:s20+$0xFFFFFFF0];
	v13 =	vand.u32 $0xFFFFFFF0, v13;
	[tilespmem:s17+$0xFFFFFF80] =	vst v15  }
0x62: {  	v5 =	vxor.u32 v8, v5;
	v21 =	vld [tilespmem:s20+$0x0];
	[tilespmem:s21+$0x70] =	vst v10;
	v13 =	vadd.s32 v1, v13  }
0x63: {  	v8 =	vadd.s32 v1, v11;
	v11 =	vand.u32 $0xFFFFFFF0, v12;
	v10 =	vimm.s32 $0x0;
	[tilespmem:v27+s11+$0x0] =	vst.idx.add.s32.msk $0xffff, v2  }
0x64: {  	v11 =	vadd.s32 v1, v11;
	[tilespmem:s17+$0x30] =	vst v5;
	v5 =	vshra.s32 v5, $0x14;
	s17 =	smov.u32 s21  }
0x65: {  	v12 =	vshra.s32 v19, $0x1F;
	v15 =	vshra.s32 v4, $0x1F;
	[tilespmem:v20+s11+$0x0] =	vst.idx.add.s32.msk $0xffff, v2;
	v5 =	vand.u32 $0xFFFFFFF0, v5  }
0x66: {  	v15 =	vand.u32 $0x7FFFFFFF, v15;
	v20 =	vshra.s32 v24, $0x1F;
	v27 =	vadd.s32 v1, v5;
	[tilespmem:v23+s11+$0x0] =	vst.idx.add.s32.msk $0xffff, v2  }
0x67: {  	v5 =	vshra.s32 v29, $0x1F;
	v20 =	vand.u32 $0x7FFFFFFF, v20;
	v22 =	vshra.s32 v21, $0x1F;
	[tilespmem:v13+s11+$0x0] =	vst.idx.add.s32.msk $0xffff, v2  }
0x68: {  	v30 =	vshra.s32 v17, $0x1F;
	v12 =	vand.u32 $0x7FFFFFFF, v12;
	v13 =	vand.u32 $0x7FFFFFFF, v22;
	[tilespmem:v9+s11+$0x0] =	vst.idx.add.s32.msk $0xffff, v2  }
0x69: {  	v23 =	vshra.s32 v18, $0x1F;
	v9 =	vshra.s32 v26, $0x1F;
	v22 =	vxor.u32 v21, v13;
	[tilespmem:v6+s11+$0x0] =	vst.idx.add.s32.msk $0xffff, v2  }
0x6a: {  	v6 =	vand.u32 $0x7FFFFFFF, v23;
	v13 =	vand.u32 $0x7FFFFFFF, v5;
	v5 =	vxor.u32 v19, v12;
	[tilespmem:v25+s11+$0x0] =	vst.idx.add.s32.msk $0xffff, v2  }
0x6b: {  	v20 =	vxor.u32 v24, v20;
	v12 =	vshra.s32 v16, $0x1F;
	v9 =	vand.u32 $0x7FFFFFFF, v9;
	[tilespmem:v28+s11+$0x0] =	vst.idx.add.s32.msk $0xffff, v2  }
0x6c: {  	v12 =	vand.u32 $0x7FFFFFFF, v12;
	v23 =	vxor.u32 v26, v9;
	v26 =	vshra.s32 v7, $0x1F;
	[tilespmem:v8+s11+$0x0] =	vst.idx.add.s32.msk $0xffff, v2  }
0x6d: {  	v21 =	vxor.u32 v18, v6;
	v19 =	vxor.u32 v16, v12;
	v8 =	vshra.s32 v23, $0x14;
	[tilespmem:v11+s11+$0x0] =	vst.idx.add.s32.msk $0xffff, v2  }
0x6e: {  	v6 =	vshra.s32 v19, $0x14;
	v8 =	vand.u32 $0xFFFFFFF0, v8;
	v11 =	vshra.s32 v21, $0x14;
	[tilespmem:v27+s11+$0x0] =	vst.idx.add.s32.msk $0xffff, v2  }
.Ltmp3:
0x6f: {  	v12 =	vxor.u32 v29, v13;
	v6 =	vand.u32 $0xFFFFFFF0, v6;
	v9 =	vadd.s32 v1, v8;
	[tilespmem:v14+s11+$0x0] =	vst.idx.add.s32.msk $0xffff, v2;
	(pc) =	sbr.rel @p0 .LBB2_4-.Ltmp3, $4  }
0x70: {  	v13 =	vadd.s32 v1, v6;
	v6 =	vand.u32 $0xFFFFFFF0, v11;
	v8 =	vshra.s32 v12, $0x14;
	[tilespmem:s21+$0xFFFFFFA0] =	vst v23;
	v24 =	vld [tilespmem:s20+$0x60]  }
0x71: {  	v11 =	vand.u32 $0x7FFFFFFF, v30;
	v23 =	vadd.s32 v1, v6;
	v6 =	vand.u32 $0xFFFFFFF0, v8;
	[tilespmem:s21+$0xFFFFFFE0] =	vst v5;
	v8 =	vld [tilespmem:s20+$0x30]  }
0x72: {  	v11 =	vxor.u32 v17, v11;
	v6 =	vadd.s32 v1, v6;
	v25 =	vld [tilespmem:s20+$0xFFFFFF80];
	[tilespmem:s21+$0xFFFFFFC0] =	vst v12;
	v12 =	vshra.s32 v20, $0x14  }
0x73: {  	v14 =	vshra.s32 v11, $0x14;
	[tilespmem:s21+$0xFFFFFFD0] =	vst v11;
	v11 =	vand.u32 $0xFFFFFFF0, v12;
	v12 =	vshra.s32 v22, $0x14;
	v27 =	vld [tilespmem:s20+$0x50];
	s20 =	sadd.s32 $0x100, s20  }
0x74: {  	[tilespmem:s17+$0x0] =	vst v22  }
0x75: {  	[tilespmem:s17+$0xFFFFFFF0] =	vst v20  }
0x76: {  	[tilespmem:s17+$0xFFFFFFB0] =	vst v21  }
0x77: {  	[tilespmem:s17+$0xFFFFFF90] =	vst v19  }
0x78: {  	v4 =	vxor.u32 v4, v15;
	v59 =	vand.u32 $0x7FFFFFFF, v26;
	[tilespmem:v9+s11+$0x0] =	vst.idx.add.s32.msk $0xffff, v2;
	v5 =	vshra.s32 v5, $0x14  }
0x79: {  	[tilespmem:s17+$0x10] =	vst v4;
	v7 =	vxor.u32 v7, v59;
	v60 =	vshra.s32 v24, $0x1F;
	v4 =	vshra.s32 v4, $0x14  }
0x7a: {  	v5 =	vand.u32 $0xFFFFFFF0, v5;
	[tilespmem:s17+$0x20] =	vst v7;
	v7 =	vshra.s32 v7, $0x14;
	v15 =	vand.u32 $0x7FFFFFFF, v60  }
0x7b: {  	[tilespmem:v6+s11+$0x0] =	vst.idx.add.s32.msk $0xffff, v2;
	v4 =	vand.u32 $0xFFFFFFF0, v4;
	v5 =	vadd.s32 v1, v5;
	v16 =	vshra.s32 v25, $0x1F  }
0x7c: {  	[tilespmem:v23+s11+$0x0] =	vst.idx.add.s32.msk $0xffff, v2;
	v7 =	vand.u32 $0xFFFFFFF0, v7;
	v15 =	vxor.u32 v24, v15;
	v4 =	vadd.s32 v1, v4  }
0x7d: {  	[tilespmem:v13+s11+$0x0] =	vst.idx.add.s32.msk $0xffff, v2;
	v16 =	vand.u32 $0x7FFFFFFF, v16;
	v17 =	vshra.s32 v27, $0x1F;
	v7 =	vadd.s32 v1, v7  }
0x7e: {  	[tilespmem:s17+$0x60] =	vst v15;
	v15 =	vshra.s32 v15, $0x14;
	v17 =	vand.u32 $0x7FFFFFFF, v17;
	v16 =	vxor.u32 v25, v16  }
0x7f: {  	v15 =	vand.u32 $0xFFFFFFF0, v15;
	v17 =	vxor.u32 v27, v17;
	v18 =	vshra.s32 v16, $0x14;
	[tilespmem:s17+$0xFFFFFF80] =	vst v16  }
0x80: {  	v15 =	vadd.s32 v1, v15;
	v61 =	vshra.s32 v17, $0x14;
	v18 =	vand.u32 $0xFFFFFFF0, v18;
	[tilespmem:s17+$0x50] =	vst v17  }
0x81: {  	v9 =	vshra.s32 v8, $0x1F;
	[tilespmem:v5+s11+$0x0] =	vst.idx.add.s32.msk $0xffff, v2;
	v62 =	vand.u32 $0xFFFFFFF0, v61;
	v18 =	vadd.s32 v1, v18  }
0x82: {  	v63 =	vadd.s32 v1, v62;
	[tilespmem:v7+s11+$0x0] =	vst.idx.add.s32.msk $0xffff, v2;
	v7 =	vand.u32 $0x7FFFFFFF, v9  }
0x83: {  	[tilespmem:v4+s11+$0x0] =	vst.idx.add.s32.msk $0xffff, v2;
	v9 =	vand.u32 $0xFFFFFFF0, v12;
	v7 =	vxor.u32 v8, v7;
	v8 =	vadd.s32 v1, v11  }
0x84: {  	v9 =	vadd.s32 v1, v9;
	v11 =	vand.u32 $0xFFFFFFF0, v14;
	[tilespmem:s17+$0x30] =	vst v7;
	v7 =	vshra.s32 v7, $0x14  }
0x85: {  	[tilespmem:v15+s11+$0x0] =	vst.idx.add.s32.msk $0xffff, v2;
	v6 =	vadd.s32 v1, v11;
	v7 =	vand.u32 $0xFFFFFFF0, v7  }
0x86: {  	[tilespmem:v18+s11+$0x0] =	vst.idx.add.s32.msk $0xffff, v2;
	v7 =	vadd.s32 v1, v7  }
0x87: {  	[tilespmem:v63+s11+$0x0] =	vst.idx.add.s32.msk $0xffff, v2  }
0x88: {  	[tilespmem:v8+s11+$0x0] =	vst.idx.add.s32.msk $0xffff, v2  }
0x89: {  	[tilespmem:v9+s11+$0x0] =	vst.idx.add.s32.msk $0xffff, v2  }
0x8a: {  	[tilespmem:v6+s11+$0x0] =	vst.idx.add.s32.msk $0xffff, v2  }
0x8b: {  	[tilespmem:v7+s11+$0x0] =	vst.idx.add.s32.msk $0xffff, v2  }
0x8c: {  	v4 =	vld [tilespmem:s18+$0x0]  }
0x8d: {  	v5 =	vld [tilespmem:s18+$0xFFFFFFF0]  }
0x8e: {  	v6 =	vld [tilespmem:s18+$0xFFFFFFE0]  }
0x8f: {  	v7 =	vld [tilespmem:s18+$0xFFFFFFD0]  }
0x90: {  	v8 =	vld [tilespmem:s18+$0xFFFFFFC0]  }
0x91: {  	v9 =	vld [tilespmem:s18+$0xFFFFFFB0];
	v4 =	vadd.s32 v10, v4  }
0x92: {  	v4 =	vadd.s32 v5, v4;
	v5 =	vld [tilespmem:s18+$0xFFFFFFA0]  }
0x93: {  	v4 =	vadd.s32 v6, v4;
	v6 =	vld [tilespmem:s18+$0xFFFFFF90]  }
0x94: {  	v4 =	vadd.s32 v7, v4;
	v7 =	vld [tilespmem:s18+$0xFFFFFF80]  }
0x95: {  	v4 =	vadd.s32 v8, v4;
	v8 =	vld [tilespmem:s18+$0xFFFFFF70]  }
0x96: {  	v4 =	vadd.s32 v9, v4;
	v9 =	vld [tilespmem:s18+$0xFFFFFF60]  }
0x97: {  	v5 =	vadd.s32 v5, v4;
	v4 =	vld [tilespmem:s18+$0xFFFFFF50]  }
0x98: {  	v6 =	vadd.s32 v6, v5;
	v5 =	vld [tilespmem:s18+$0xFFFFFF40]  }
0x99: {  	v7 =	vadd.s32 v7, v6;
	v6 =	vld [tilespmem:s18+$0xFFFFFF30]  }
0x9a: {  	s19 =	simm.s32 $0x40;
	v8 =	vadd.s32 v8, v7;
	v7 =	vld [tilespmem:s18+$0xFFFFFF20]  }
0x9b: {  	s1 =	simm.s32 $0x0;
	s17 =	simm.s32 $0x0;
	v9 =	vadd.s32 v9, v8;
	v8 =	vld [tilespmem:s18+$0xFFFFFF10];
	s18 =	simm.s32 $0x18FF0  }
.LBB2_6:
0x9c: {  	v10 =	vld [tilespmem:s18+$0x0];
	p0 =	sne.s32 s19, $0x3C0;
	v4 =	vadd.s32 v4, v9  }
0x9d: {  	v9 =	vld [tilespmem:s18+$0xFFFFFFF0];
	v4 =	vadd.s32 v5, v4  }
0x9e: {  	v5 =	vld [tilespmem:s18+$0xFFFFFFE0];
	v4 =	vadd.s32 v6, v4  }
0x9f: {  	v6 =	vld [tilespmem:s18+$0xFFFFFFD0];
	v4 =	vadd.s32 v7, v4  }
0xa0: {  	s20 =	sshra.s32 s1, $0x2;
	s1 =	smov.u32 s19;
	v7 =	vld [tilespmem:s18+$0xFFFFFFC0];
	v4 =	vadd.s32 v8, v4  }
0xa1: {  	v8 =	vadd.s32 v4, v10;
	v10 =	vld [tilespmem:s18+$0xFFFFFFB0];
	[tilespmem:s20+$0x19100] =	vst v4  }
0xa2: {  	v4 =	vadd.s32 v9, v8;
	v8 =	vld [tilespmem:s18+$0xFFFFFFA0]  }
0xa3: {  	v4 =	vadd.s32 v5, v4;
	v5 =	vld [tilespmem:s18+$0xFFFFFF90]  }
0xa4: {  	v4 =	vadd.s32 v6, v4;
	v6 =	vld [tilespmem:s18+$0xFFFFFF80]  }
0xa5: {  	v4 =	vadd.s32 v7, v4;
	v7 =	vld [tilespmem:s18+$0xFFFFFF70]  }
0xa6: {  	v4 =	vadd.s32 v10, v4;
	v9 =	vld [tilespmem:s18+$0xFFFFFF60]  }
.Ltmp4:
0xa7: {  	v8 =	vadd.s32 v8, v4;
	v4 =	vld [tilespmem:s18+$0xFFFFFF50];
	(pc) =	sbr.rel @p0 .LBB2_6-.Ltmp4, $4  }
0xa8: {  	v8 =	vadd.s32 v5, v8;
	v5 =	vld [tilespmem:s18+$0xFFFFFF40]  }
0xa9: {  	v8 =	vadd.s32 v6, v8;
	v6 =	vld [tilespmem:s18+$0xFFFFFF30]  }
0xaa: {  	v8 =	vadd.s32 v7, v8;
	v7 =	vld [tilespmem:s18+$0xFFFFFF20]  }
0xab: {  	s19 =	sadd.s32 $0x40, s19;
	v9 =	vadd.s32 v9, v8;
	v8 =	vld [tilespmem:s18+$0xFFFFFF10];
	s18 =	sadd.s32 $0xFFFFFF00, s18  }
0xac: {  	v4 =	vadd.s32 v4, v9  }
0xad: {  	v4 =	vadd.s32 v5, v4  }
0xae: {  	v4 =	vadd.s32 v6, v4  }
0xaf: {  	v4 =	vadd.s32 v7, v4  }
0xb0: {  	s1 =	sshra.s32 s1, $0x2;
	v4 =	vadd.s32 v8, v4  }
0xb1: {  	s26 =	simm.s32 $0x19100;
	[tilespmem:s1+$0x19100] =	vst v4  }
0xb2: {  	v4 =	vld [tilespmem:s26+$0x0];
	_ =	sdelay $0x4  }
0xb3: {  	(xrf0) =	vadd.scan.msk.s32 $0xffff, v4;
	_ =	sdelay $0x5  }
0xb4: {  	v4, _, _ =	vpop (xrf0)  }
0xb5: {  	s28 =	simm.s32 $0x19110;
	(v2sf) =	vpush v4, $0xF  }
0xb6: {  	v4 =	vld [tilespmem:s28+$0x0]  }
0xb7: {  	s29 =	simm.s32 $0x19120  }
0xb8: {  	v5 =	vld [tilespmem:s29+$0x0];
	_ =	sdelay $0x2  }
0xb9: {  	(xrf0) =	vadd.scan.msk.s32 $0xffff, v4;
	_ =	sdelay $0x1  }
0xba: {  	(xrf0) =	vadd.scan.msk.s32 $0xffff, v5;
	_ =	sdelay $0x1  }
0xbb: {  	s30 =	simm.s32 $0x19130  }
0xbc: {  	v6 =	vld [tilespmem:s30+$0x0]  }
0xbd: {  	v5, _, _ =	vpop (xrf0)  }
0xbe: {  	(v2sf) =	vpush v5, $0xF  }
0xbf: {  	v5, _, _ =	vpop (xrf0)  }
0xc0: {  	s23 =	spop (v2sf);
	(v2sf) =	vpush v5, $0xF  }
0xc1: {  	s31 =	simm.s32 $0x19140;
	(xrf0) =	vadd.scan.msk.s32 $0xffff, v6  }
0xc2: {  	v4 =	vld [tilespmem:s31+$0x0];
	_ =	sdelay $0x2  }
0xc3: {  	s18 =	simm.s32 $0xFFFFFFFF;
	s21 =	simm.s32 $0x1  }
0xc4: {  	s20 =	simm.s32 $0x2;
	s19 =	simm.s32 $0x4;
	s22 =	simm.s32 $0x19150  }
0xc5: {  	s1 =	simm.s32 $0x3;
	(xrf0) =	vadd.scan.msk.s32 $0xffff, v4;
	v4, _, _ =	vpop (xrf0);
	p0 =	sgt.s32 s23, $0xFF;
	s23 =	simm.s32 $0x5  }
.LBB2_8:
0xc6: {  	s24 =	smov.u32 s18  }
0xc7: {  	p2 =	sne.s32 s23, $0xF;
	s24 =	smov.u32 @p0 s17  }
0xc8: {  	v5 =	vld [tilespmem:s22+$0x0];
	(v2sf) =	vpush v4, $0xF;
	s17 =	smov.u32 s21;
	s21 =	smov.u32 s20;
	s20 =	smov.u32 s1  }
.Ltmp5:
0xc9: {  	s1 =	smov.u32 s19;
	s19 =	smov.u32 s23;
	(pc) =	sbr.rel @p2 .LBB2_8-.Ltmp5, $4  }
0xca: {  	_ = 	snop  }
0xcb: {  	s25 =	spop (v2sf)  }
0xcc: {  	s22 =	sadd.s32 $0x10, s22;
	p1 =	slt.s32 s18, $0x0;
	p0 =	sgt.s32 s25, $0xFF  }
0xcd: {  	s23 =	sadd.s32 $0x1, s23;
	s18 =	smov.u32 @p1 s24;
	(xrf0) =	vadd.scan.msk.s32 $0xffff, v5;
	v4, _, _ =	vpop (xrf0)  }
0xce: {  	_ =	sdelay $0x2  }
0xcf: {  	(v2sf) =	vpush v4, $0xF;
	_ =	sdelay $0x1  }
0xd0: {  	v4, _, _ =	vpop (xrf0)  }
0xd1: {  	(v2sf) =	vpush v4, $0xF;
	_ =	sdelay $0x3  }
0xd2: {  	s22 =	smov.u32 s18  }
0xd3: {  	s22 =	smov.u32 @p0 s17;
	p0 =	slt.s32 s18, $0x0  }
0xd4: {  	s31 =	spop (v2sf);
	s18 =	smov.u32 @p0 s22  }
0xd5: {  	p0 =	sgt.s32 s31, $0xFF;
	s17 =	smov.u32 s18  }
0xd6: {  	s17 =	smov.u32 @p0 s21;
	p0 =	slt.s32 s18, $0x0  }
0xd7: {  	s18 =	smov.u32 @p0 s17;
	s0 =	spop (v2sf)  }
0xd8: {  	s17 =	smov.u32 s18;
	p0 =	sgt.s32 s0, $0xFF  }
0xd9: {  	s17 =	smov.u32 @p0 s20;
	p0 =	slt.s32 s18, $0x0  }
0xda: {  	s18 =	smov.u32 @p0 s17;
	s21 =	spop (v2sf)  }
0xdb: {  	s17 =	smov.u32 s18;
	p0 =	sgt.s32 s21, $0xFF  }
0xdc: {  	s17 =	smov.u32 @p0 s1;
	p0 =	slt.s32 s18, $0x0  }
0xdd: {  	s18 =	smov.u32 @p0 s17;
	s22 =	spop (v2sf)  }
0xde: {  	s1 =	smov.u32 s18;
	p0 =	sgt.s32 s22, $0xFF  }
0xdf: {  	s1 =	smov.u32 @p0 s19;
	p0 =	slt.s32 s18, $0x0  }
0xe0: {  	s18 =	smov.u32 @p0 s1  }
0xe1: {  	s1 =	sshll.u32 s18, $0xA  }
0xe2: {  	s1 =	ssub.s32 $0x0, s1  }
0xe3: {  	s1 =	sshra.s32 s1, $0x2  }
0xe4: {  	s17 =	sadd.s32 $0xFFFFFFFF, s18;
	s1 =	sadd.s32 $0x190F0, s1  }
0xe5: {  	p0 =	sgt.s32 s17, $0x0;
	v4 =	vmov s1  }
0xe6: {  	s17 =	simm.s32 @!p0 $0x0  }
0xe7: {  	s23 =	sshll.u32 s17, $0x6  }
0xe8: {  	s1 =	sshra.s32 s23, $0x2  }
0xe9: {  	s24 =	simm.s32 $0x0;
	v5 =	vld [tilespmem:s1+$0x19100]  }
0xea: {  	v6 =	vld.idx.msk [tilespmem:v4+s24+$0x0 ss:$0x1], $0xffff;
	_ =	sdelay $0x2  }
0xeb: {  	p5 =	sgt.s32 s18, $0x0  }
0xec: {  	v5 =	vpsel !p5, $0x0, v5  }
0xed: {  	(xrf0) =	vadd.scan.msk.s32 $0xffff, v5;
	v5 =	vadd.s32 v5, v6  }
0xee: {  	(xrf0) =	vadd.scan.msk.s32 $0xffff, v5;
	_ =	sdelay $0x1  }
0xef: {  	(xrf0) =	vadd.scan.msk.s32 $0xffff, v5;
	_ =	sdelay $0x2  }
0xf0: {  	v6, _, _ =	vpop (xrf0)  }
0xf1: {  	s25 =	simm.s32 $0xFFFFFFF0;
	(v2sf) =	vpush v6, $0xF;
	v6, _, _ =	vpop (xrf0)  }
0xf2: {  	(v2sf) =	vpush v6, $0xF;
	v6 =	vld.idx.msk [tilespmem:v4+s25+$0x0 ss:$0x1], $0xffff  }
0xf3: {  	s26 =	simm.s32 $0xFFFFFFE0;
	v7, _, _ =	vpop (xrf0)  }
0xf4: {  	v8 =	vld.idx.msk [tilespmem:v4+s26+$0x0 ss:$0x1], $0xffff;
	(v2sf) =	vpush v7, $0xF  }
0xf5: {  	s28 =	simm.s32 $0xFFFFFFD0  }
0xf6: {  	v7 =	vld.idx.msk [tilespmem:v4+s28+$0x0 ss:$0x1], $0xffff  }
0xf7: {  	v5 =	vadd.s32 v5, v6  }
0xf8: {  	(xrf0) =	vadd.scan.msk.s32 $0xffff, v5  }
0xf9: {  	(xrf0) =	vadd.scan.msk.s32 $0xffff, v5;
	v5 =	vadd.s32 v5, v8  }
0xfa: {  	(xrf0) =	vadd.scan.msk.s32 $0xffff, v5  }
0xfb: {  	(xrf0) =	vadd.scan.msk.s32 $0xffff, v5;
	v5 =	vadd.s32 v5, v7  }
0xfc: {  	s29 =	simm.s32 $0xFFFFFFC0;
	(xrf0) =	vadd.scan.msk.s32 $0xffff, v5  }
0xfd: {  	v6 =	vld.idx.msk [tilespmem:v4+s29+$0x0 ss:$0x1], $0xffff;
	(xrf0) =	vadd.scan.msk.s32 $0xffff, v5  }
0xfe: {  	v7, _, _ =	vpop (xrf0)  }
0xff: {  	v8, _, _ =	vpop (xrf0);
	(v2sf) =	vpush v7, $0xF  }
0x100: {  	v7, _, _ =	vpop (xrf0);
	(v2sf) =	vpush v8, $0xF  }
0x101: {  	s22 =	spop (v2sf);
	v8, _, _ =	vpop (xrf0);
	(v2sf) =	vpush v7, $0xF  }
0x102: {  	v5 =	vadd.s32 v5, v6;
	s20 =	spop (v2sf);
	(v2sf) =	vpush v8, $0xF;
	v6, _, _ =	vpop (xrf0)  }
0x103: {  	s21 =	spop (v2sf);
	v7, _, _ =	vpop (xrf0);
	(v2sf) =	vpush v6, $0xF  }
0x104: {  	(v2sf) =	vpush v7, $0xF;
	_ =	sdelay $0x4  }
0x105: {  	p1 =	por $0x1, $0x1  }
0x106: {  	s31 =	simm.s32 $0xFFFFFFB0;
	s19 =	simm.s32 $0xFFFFFFFF;
	p6 =	sgt.s32 s20, $0xFF  }
0x107: {  	s30 =	sshll.u32 s18, $0x4;
	s18 =	simm.s32 $0x0;
	(xrf0) =	vadd.scan.msk.s32 $0xffff, v5;
	p0 =	por !p1, !p6;
	v6 =	vld.idx.msk [tilespmem:v4+s31+$0x0 ss:$0x1], $0xffff  }
0x108: {  	s17 =	simm.s32 $0x0;
	s23 =	ssub.s32 $0xFF, s30;
	(xrf0) =	vadd.scan.msk.s32 $0xffff, v5;
	p0 =	por !p0, !p0  }
0x109: {  	s1 =	simm.s32 $0xFFFFFE80;
	s19 =	smov.u32 @p0 s23;
	s17 =	smov.u32 @p0 s22  }
.LBB2_10:
0x10a: {  	s22 =	sshra.s32 s1, $0x2;
	s18 =	smov.u32 @p0 s20;
	p1 =	sne.s32 s1, $0xFFFFFC40  }
.Ltmp6:
0x10b: {  	s1 =	sadd.s32 $0xFFFFFFC0, s1;
	s20 =	spop (v2sf);
	(pc) =	sbr.rel @p1 .LBB2_10-.Ltmp6, $4  }
0x10c: {  	p2 =	slt.s32 s19, $0x0;
	v5 =	vadd.s32 v5, v6;
	v6 =	vld.idx.msk [tilespmem:v4+s22+$0x0 ss:$0x1], $0xffff;
	s22 =	spop (v2sf);
	p0 =	sgt.s32 s20, $0xFF  }
0x10d: {  	(xrf0) =	vadd.scan.msk.s32 $0xffff, v5;
	v7, _, _ =	vpop (xrf0);
	p0 =	por !p2, !p0  }
0x10e: {  	s23 =	sadd.s32 $0xFFFFFFFF, s23;
	(xrf0) =	vadd.scan.msk.s32 $0xffff, v5;
	v8, _, _ =	vpop (xrf0);
	(v2sf) =	vpush v7, $0xF;
	p0 =	por !p0, !p0  }
0x10f: {  	(v2sf) =	vpush v8, $0xF;
	s19 =	smov.u32 @p0 s23;
	s17 =	smov.u32 @p0 s21;
	s21 =	smov.u32 s22  }
0x110: {  	_ = 	snop  }
0x111: {  	v4 =	vadd.s32 v5, v6  }
0x112: {  	(xrf0) =	vadd.scan.msk.s32 $0xffff, v4;
	_ =	sdelay $0x1  }
0x113: {  	v4, _, _ =	vpop (xrf0)  }
0x114: {  	(v2sf) =	vpush v4, $0xF;
	_ =	sdelay $0x1  }
0x115: {  	v4, _, _ =	vpop (xrf0)  }
0x116: {  	s22 =	spop (v2sf);
	(v2sf) =	vpush v4, $0xF;
	v4, _, _ =	vpop (xrf0)  }
0x117: {  	p2 =	slt.s32 s19, $0x0;
	p1 =	sgt.s32 s22, $0xFF;
	(v2sf) =	vpush v4, $0xF  }
0x118: {  	p1 =	por !p2, !p1  }
0x119: {  	s1 =	sadd.s32 $0xFFFFFFFF, s23;
	s24 =	spop (v2sf);
	p1 =	por !p1, !p1  }
0x11a: {  	s23 =	spop (v2sf);
	s19 =	smov.u32 @p1 s1  }
0x11b: {  	p4 =	sgt.s32 s23, $0xFF;
	p3 =	slt.s32 s19, $0x0  }
0x11c: {  	p2 =	por !p3, !p4  }
0x11d: {  	s26 =	spop (v2sf);
	s1 =	sadd.s32 $0xFFFFFFFF, s1;
	p2 =	por !p2, !p2  }
0x11e: {  	s19 =	smov.u32 @p2 s1;
	s25 =	spop (v2sf)  }
0x11f: {  	p4 =	slt.s32 s19, $0x0;
	p5 =	sgt.s32 s25, $0xFF  }
0x120: {  	s1 =	sadd.s32 $0xFFFFFFFF, s1;
	p3 =	por !p4, !p5  }
0x121: {  	s0 =	sadd.s32 $0xFFFFFFFF, s1;
	s29 =	spop (v2sf);
	p3 =	por !p3, !p3  }
0x122: {  	s19 =	smov.u32 @p3 s1;
	s1 =	simm.s32 $0x10180;
	s28 =	spop (v2sf)  }
0x123: {  	p5 =	slt.s32 s19, $0x0;
	v4 =	vld [tilespmem:s1+$0xFFFFFF90];
	p6 =	sgt.s32 s28, $0xFF  }
0x124: {  	v5 =	vld [tilespmem:s1+$0x70];
	p4 =	por !p5, !p6  }
0x125: {  	v9 =	vld [tilespmem:s1+$0x30];
	s31 =	spop (v2sf);
	p4 =	por !p4, !p4  }
0x126: {  	v6 =	vld [tilespmem:s1+$0x10];
	s19 =	smov.u32 @p4 s0;
	s30 =	spop (v2sf)  }
0x127: {  	v16 =	vld [tilespmem:s1+$0x20];
	p5 =	sgt.s32 s30, $0xFF;
	p6 =	slt.s32 s19, $0x0  }
0x128: {  	v8 =	vld [tilespmem:s1+$0xFFFFFFC0];
	p5 =	por !p6, !p5  }
0x129: {  	v18 =	vld [tilespmem:s1+$0xFFFFFFE0];
	s0 =	sadd.s32 $0xFFFFFFFF, s0;
	p5 =	por !p5, !p5  }
0x12a: {  	v22 =	vld [tilespmem:s1+$0x0];
	s19 =	smov.u32 @p5 s0  }
0x12b: {  	v10 =	vld [tilespmem:s1+$0x50];
	s19 =	sadd.s32 $0xFFFFFF80, s19  }
0x12c: {  	v14 =	vimm.s32 $0x0;
	v7 =	vshra.s32 v4, $0x18;
	v13 =	vmov s19  }
0x12d: {  	v17 =	vshra.s32 v5, $0x18;
	v11 =	vshra.s32 v9, $0x18;
	vm1 =	veq.s32 v7, v13;
	v7 =	vld [tilespmem:s1+$0xFFFFFFF0]  }
0x12e: {  	v12 =	vld [tilespmem:s1+$0xFFFFFFA0];
	v26 =	vshra.s32 v6, $0x18;
	v20 =	vshra.s32 v16, $0x18;
	v21 =	vshra.s32 v8, $0x18  }
0x12f: {  	v24 =	vshra.s32 v18, $0x18;
	v33 =	vshra.s32 v22, $0x18;
	vm2 =	veq.s32 v11, v13  }
0x130: {  	v15 =	vld [tilespmem:s1+$0x40];
	v11 =	vshra.s32 v10, $0x18;
	vm9 =	veq.s32 v20, v13;
	vm5 =	veq.s32 v17, v13  }
0x131: {  	vm10 =	veq.s32 v21, v13;
	vm13 =	veq.s32 v24, v13;
	vm11 =	veq.s32 v26, v13  }
0x132: {  	vm15 =	veq.s32 v33, v13;
	v23 =	vsel vm1, $0x1, v0;
	v20 =	vshra.s32 v7, $0x18  }
0x133: {  	v27 =	vmpcnt.ones.xlane vm1;
	vm0 =	veq.s32 v20, v13;
	v20 =	vshra.s32 v12, $0x18  }
0x134: {  	v19 =	vsel vm1, $0xFFFFFFFF, v0;
	v37 =	vmpcnt.ones.xlane vm2;
	vm3 =	veq.s32 v20, v13;
	v20 =	vld [tilespmem:s1+$0x60]  }
0x135: {  	vm4 =	veq.s32 v11, v13;
	v11 =	vshra.s32 v15, $0x18;
	v32 =	vsel vm9, $0x1, v0  }
0x136: {  	v17 =	vld [tilespmem:s1+$0xFFFFFF80];
	v40 =	vsel vm9, $0xFFFFFFFF, v0;
	v39 =	vsel vm10, $0x1, v0;
	v42 =	vmpcnt.ones.xlane vm10  }
0x137: {  	v44 =	vsel vm10, $0xFFFFFFFF, v0;
	v46 =	vsel vm2, $0x1, v0;
	v49 =	vsel vm13, $0x1, v0  }
0x138: {  	v51 =	vmpcnt.ones.xlane vm13;
	v52 =	vsel vm2, $0xFFFFFFFF, v0;
	v53 =	vsel vm5, $0x1, v0  }
0x139: {  	v55 =	vsel vm11, $0x1, v0;
	vm8 =	veq.s32 v11, v13;
	v11 =	vld [tilespmem:s1+$0xFFFFFFB0];
	v25 =	vshra.s32 v20, $0x18  }
0x13a: {  	v57 =	vmpcnt.ones.xlane vm15;
	v59 =	vsel vm15, $0xFFFFFFFF, v0;
	(xrf0) =	vadd.scan.msk.s32 $0xffff, v23;
	vm12 =	veq.s32 v25, v13  }
0x13b: {  	v21 =	vld [tilespmem:s1+$0xFFFFFFD0];
	v60 =	vsel vm11, $0xFFFFFFFF, v0;
	(xrf0) =	vadd.scan.msk.s32 $0xffff, v39;
	v48 =	vshra.s32 v17, $0x18;
	v50 =	vsel vm12, $0x1, v0  }
0x13c: {  	v35 =	vsel vm4, $0xFFFFFFFF, v0;
	vm7 =	veq.s32 v48, v13;
	v30 =	vsel vm0, $0x1, v0;
	(xrf0) =	vadd.scan.msk.s32 $0xffff, v50  }
0x13d: {  	v36 =	vmpcnt.ones.xlane vm4;
	v41 =	vsel vm4, $0x1, v0;
	(xrf0) =	vadd.scan.msk.s32 $0xffff, v30;
	v30 =	vmpcnt.ones.xlane vm7  }
0x13e: {  	v23 =	vsel vm5, $0xFFFFFFFF, v0;
	v24 =	vshra.s32 v11, $0x18;
	v43 =	vmpcnt.ones.xlane vm3;
	(xrf0) =	vadd.scan.msk.s32 $0xffff, v53  }
0x13f: {  	v45 =	vsel vm3, $0x1, v0;
	vm6 =	veq.s32 v24, v13;
	v30 =	vadd.s32 v14, v30;
	(xrf0) =	vadd.scan.msk.s32 $0xffff, v32  }
0x140: {  	v61 =	vshra.s32 v21, $0x18;
	v26, _, _ =	vpop (xrf0);
	v62 =	vmpcnt.ones.xlane vm6;
	v56 =	vadd.s32 v30, v27;
	(xrf0) =	vadd.scan.msk.s32 $0xffff, v45  }
0x141: {  	vm14 =	veq.s32 v61, v13;
	v34 =	vsel vm3, $0xFFFFFFFF, v0;
	v33, _, _ =	vpop (xrf0);
	v27 =	vadd.s32 v56, v43;
	(xrf0) =	vadd.scan.msk.s32 $0xffff, v46  }
0x142: {  	v28 =	vsel vm8, $0x1, v0;
	v54 =	vmpcnt.ones.xlane vm14;
	v32, _, _ =	vpop (xrf0);
	v46 =	vadd.s32 v27, v62;
	(xrf0) =	vadd.scan.msk.s32 $0xffff, v55  }
0x143: {  	v38 =	vmpcnt.ones.xlane vm8;
	v43 =	vsel vm15, $0x1, v0;
	v55, _, _ =	vpop (xrf0);
	v42 =	vadd.s32 v46, v42;
	(xrf0) =	vadd.scan.msk.s32 $0xffff, v41  }
0x144: {  	v39 =	vadd.s32 v44, v46;
	v44 =	vadd.s32 v34, v56;
	v46 =	vadd.s32 v42, v54;
	(xrf0) =	vadd.scan.msk.s32 $0xffff, v43;
	v34, _, _ =	vpop (xrf0)  }
0x145: {  	v47 =	vsel vm8, $0xFFFFFFFF, v0;
	v48 =	vsel vm13, $0xFFFFFFFF, v0;
	v56 =	vadd.s32 v46, v51;
	v62, _, _ =	vpop (xrf0);
	(xrf0) =	vadd.scan.msk.s32 $0xffff, v28  }
0x146: {  	v29 =	vsel vm0, $0xFFFFFFFF, v0;
	v31 =	vmpcnt.ones.xlane vm0;
	v63 =	vsel vm14, $0xFFFFFFFF, v0;
	v28, _, _ =	vpop (xrf0);
	(xrf0) =	vadd.scan.msk.s32 $0xffff, v49  }
0x147: {  	v61 =	vsel vm14, $0x1, v0;
	v50 =	vmpcnt.ones.xlane vm9;
	v41 =	vadd.s32 v63, v42;
	v42, _, _ =	vpop (xrf0)  }
0x148: {  	v45 =	vmpcnt.ones.xlane vm11;
	v29 =	vadd.s32 v29, v56;
	v31 =	vadd.s32 v56, v31;
	v56, _, _ =	vpop (xrf0)  }
0x149: {  	v28 =	vadd.s32 v28, v44;
	v63 =	vadd.s32 v59, v31;
	v54 =	vadd.s32 v31, v57;
	v44, _, _ =	vpop (xrf0)  }
0x14a: {  	v43 =	vsel vm7, $0x1, v0;
	v31 =	vadd.s32 v55, v29;
	v55 =	vadd.s32 v54, v45;
	v57, _, _ =	vpop (xrf0)  }
0x14b: {  	v48 =	vadd.s32 v48, v46;
	(xrf0) =	vadd.scan.msk.s32 $0xffff, v43;
	v29 =	vadd.s32 v60, v54;
	v45 =	vadd.s32 v55, v50;
	v60, _, _ =	vpop (xrf0)  }
0x14c: {  	s18 =	smov.u32 @p0 s20;
	v46 =	vadd.s32 v52, v45;
	v37 =	vadd.s32 v45, v37;
	v45 =	vadd.s32 v57, v63;
	v63, _, _ =	vpop (xrf0);
	(xrf0) =	vadd.scan.msk.s32 $0xffff, v61  }
0x14d: {  	s17 =	smov.u32 @p1 s21;
	s18 =	smov.u32 @p1 s22;
	v24 =	vsel vm7, $0xFFFFFFFF, v0;
	v25 =	vmpcnt.ones.xlane vm5;
	v40 =	vadd.s32 v40, v55  }
0x14e: {  	s17 =	smov.u32 @p2 s24;
	s18 =	smov.u32 @p2 s23;
	v58 =	vsel vm12, $0xFFFFFFFF, v0;
	v53 =	vmpcnt.ones.xlane vm12;
	v43 =	vadd.s32 v62, v40  }
0x14f: {  	s17 =	smov.u32 @p3 s26;
	s18 =	smov.u32 @p3 s25;
	v29 =	vadd.s32 v56, v29;
	v59 =	vadd.s32 v47, v37;
	v37 =	vadd.s32 v37, v38  }
0x150: {  	s20 =	simm.s32 $0x0;
	s17 =	smov.u32 @p4 s29;
	s18 =	smov.u32 @p4 s28;
	v38 =	vadd.s32 v60, v59;
	v47 =	vadd.s32 v35, v37;
	v62 =	vadd.s32 v37, v36  }
0x151: {  	s21 =	simm.s32 $0x10280;
	s17 =	smov.u32 @p5 s31;
	s18 =	smov.u32 @p5 s30;
	v37 =	vadd.s32 v63, v48;
	v40 =	vadd.s32 v58, v62;
	v36 =	vadd.s32 v62, v53;
	v35, _, _ =	vpop (xrf0)  }
.LBB2_12:
0x152: {  	v48 =	vld [tilespmem:s21+$0xFFFFFF90];
	s20 =	sadd.s32 $0x10, s20;
	v33 =	vadd.s32 v33, v39;
	v39 =	vadd.s32 v42, v46;
	v42 =	vadd.s32 v44, v47;
	v44, _, _ =	vpop (xrf0)  }
0x153: {  	v19 =	vadd.s32 v19, v30;
	v30 =	vsel vm6, $0x1, v0;
	v46 =	vld [tilespmem:s21+$0x70];
	p0 =	slt.u32 s20, $0x7F0;
	v41 =	vadd.s32 v44, v41;
	[tilespmem:v43+s2+$0x0] =	vst.idx.msk vm9, v16  }
0x154: {  	v26 =	vadd.s32 v26, v19;
	vm9 =	vmmov vm1;
	v43 =	vld [tilespmem:s21+$0x30];
	[tilespmem:v45+s2+$0x0] =	vst.idx.msk vm15, v22;
	(xrf0) =	vadd.scan.msk.s32 $0xffff, v30  }
0x155: {  	v30 =	vadd.s32 v36, v25;
	v22 =	vld [tilespmem:s21+$0x50];
	[tilespmem:v38+s2+$0x0] =	vst.idx.msk vm8, v15  }
0x156: {  	v24 =	vadd.s32 v24, v14;
	v14 =	vsel vm6, $0xFFFFFFFF, v0;
	v32 =	vadd.s32 v32, v40;
	v25 =	vld [tilespmem:s21+$0x10];
	[tilespmem:v37+s2+$0x0] =	vst.idx.msk vm13, v18  }
0x157: {  	v27 =	vadd.s32 v14, v27;
	v19 =	vadd.s32 v23, v36;
	v15 =	vshra.s32 v48, $0x18;
	v16 =	vld [tilespmem:s21+$0x20];
	[tilespmem:v39+s2+$0x0] =	vst.idx.msk vm2, v9  }
0x158: {  	vm1 =	veq.s32 v15, v13;
	v15 =	vld [tilespmem:s21+$0x40];
	v23 =	vshra.s32 v46, $0x18;
	[tilespmem:v41+s2+$0x0] =	vst.idx.msk vm14, v21;
	v21 =	vadd.s32 v34, v19  }
0x159: {  	v14 =	vmovc v30;
	v34 =	vsel vm1, $0x1, v0;
	v39 =	vmpcnt.ones.xlane vm1;
	v38 =	vld [tilespmem:s21+$0xFFFFFFF0];
	v18 =	vshra.s32 v43, $0x18;
	[tilespmem:v42+s2+$0x0] =	vst.idx.msk vm4, v10;
	v9 =	vmovc v43  }
0x15a: {  	v24 =	vadd.s32 v35, v24;
	v19 =	vsel vm1, $0xFFFFFFFF, v0;
	vm2 =	veq.s32 v18, v13;
	[tilespmem:v33+s2+$0x0] =	vst.idx.msk vm10, v8;
	v8 =	vld [tilespmem:s21+$0xFFFFFFC0];
	v10, _, _ =	vpop (xrf0)  }
0x15b: {  	v33 =	vshra.s32 v22, $0x18;
	v18 =	vld [tilespmem:s21+$0xFFFFFFE0];
	v41 =	vshra.s32 v25, $0x18;
	v27 =	vadd.s32 v10, v27;
	[tilespmem:v32+s2+$0x0] =	vst.idx.msk vm12, v20;
	v10 =	vmovc v22  }
0x15c: {  	v36 =	vmpcnt.ones.xlane vm2;
	vm4 =	veq.s32 v33, v13;
	v20 =	vld [tilespmem:s21+$0xFFFFFFA0];
	v22 =	vshra.s32 v16, $0x18;
	[tilespmem:v26+s2+$0x0] =	vst.idx.msk vm9, v4;
	v4 =	vmovc v48  }
0x15d: {  	v35 =	vsel vm4, $0xFFFFFFFF, v0;
	v26 =	vld [tilespmem:s21+$0xFFFFFFB0];
	vm9 =	veq.s32 v22, v13;
	v32 =	vshra.s32 v15, $0x18;
	[tilespmem:v21+s2+$0x0] =	vst.idx.msk vm5, v5;
	v5 =	vmovc v46  }
0x15e: {  	v37 =	vmpcnt.ones.xlane vm4;
	v33 =	vshra.s32 v38, $0x18;
	v22 =	vld [tilespmem:s21+$0x0];
	vm8 =	veq.s32 v32, v13;
	[tilespmem:v31+s2+$0x0] =	vst.idx.msk vm0, v7;
	v7 =	vmovc v38  }
0x15f: {  	v21 =	vld [tilespmem:s21+$0xFFFFFFD0];
	vm0 =	veq.s32 v33, v13;
	v31 =	vsel vm8, $0x1, v0;
	v38 =	vmpcnt.ones.xlane vm8;
	[tilespmem:v28+s2+$0x0] =	vst.idx.msk vm3, v12  }
0x160: {  	v32 =	vsel vm9, $0x1, v0;
	v28 =	vsel vm0, $0xFFFFFFFF, v0;
	v42 =	vmpcnt.ones.xlane vm0;
	[tilespmem:v24+s2+$0x0] =	vst.idx.msk vm7, v17  }
0x161: {  	v44 =	vsel vm9, $0xFFFFFFFF, v0;
	v43 =	vsel vm0, $0x1, v0;
	v17 =	vshra.s32 v20, $0x18;
	[tilespmem:v29+s2+$0x0] =	vst.idx.msk vm11, v6;
	v6 =	vmovc v25;
	v12 =	vmovc v20  }
0x162: {  	vm5 =	veq.s32 v23, v13;
	v40 =	vsel vm8, $0xFFFFFFFF, v0;
	vm3 =	veq.s32 v17, v13;
	v20 =	vld [tilespmem:s21+$0x60];
	(xrf0) =	vadd.scan.msk.s32 $0xffff, v34  }
0x163: {  	v23 =	vshra.s32 v8, $0x18;
	v24 =	vshra.s32 v18, $0x18;
	v17 =	vld [tilespmem:s21+$0xFFFFFF80];
	v29 =	vshra.s32 v22, $0x18;
	[tilespmem:v27+s2+$0x0] =	vst.idx.msk vm6, v11;
	v11 =	vmovc v26  }
0x164: {  	v45 =	vsel vm4, $0x1, v0;
	vm10 =	veq.s32 v23, v13;
	v34 =	vsel vm3, $0xFFFFFFFF, v0  }
0x165: {  	v23 =	vsel vm10, $0x1, v0;
	v46 =	vmpcnt.ones.xlane vm10;
	vm13 =	veq.s32 v24, v13  }
0x166: {  	v47 =	vsel vm10, $0xFFFFFFFF, v0;
	v27 =	vmpcnt.ones.xlane vm3;
	v24 =	vshra.s32 v11, $0x18;
	(xrf0) =	vadd.scan.msk.s32 $0xffff, v23  }
0x167: {  	v49 =	vsel vm2, $0x1, v0;
	v48 =	vsel vm3, $0x1, v0;
	v23 =	vshra.s32 v20, $0x18  }
0x168: {  	v25 =	vmpcnt.ones.xlane vm5;
	v33 =	vshra.s32 v17, $0x18;
	vm12 =	veq.s32 v23, v13;
	v26, _, _ =	vpop (xrf0)  }
0x169: {  	v50 =	vsel vm13, $0xFFFFFFFF, v0;
	v51 =	vsel vm13, $0x1, v0;
	vm7 =	veq.s32 v33, v13  }
0x16a: {  	vm6 =	veq.s32 v24, v13;
	v23 =	vsel vm5, $0xFFFFFFFF, v0;
	v57 =	vsel vm12, $0x1, v0  }
0x16b: {  	v53 =	vmpcnt.ones.xlane vm13;
	v52 =	vshra.s32 v21, $0x18;
	v24 =	vsel vm7, $0xFFFFFFFF, v0;
	(xrf0) =	vadd.scan.msk.s32 $0xffff, v57  }
0x16c: {  	v55 =	vsel vm2, $0xFFFFFFFF, v0;
	v54 =	vmpcnt.ones.xlane vm9;
	v56 =	vsel vm5, $0x1, v0;
	v33, _, _ =	vpop (xrf0);
	(xrf0) =	vadd.scan.msk.s32 $0xffff, v43  }
0x16d: {  	vm11 =	veq.s32 v41, v13;
	vm14 =	veq.s32 v52, v13;
	v43 =	vmpcnt.ones.xlane vm7  }
0x16e: {  	v41 =	vmpcnt.ones.xlane vm6;
	v52 =	vmpcnt.ones.xlane vm14;
	v57 =	vsel vm11, $0x1, v0;
	(xrf0) =	vadd.scan.msk.s32 $0xffff, v56  }
0x16f: {  	vm15 =	veq.s32 v29, v13;
	v30 =	vadd.s32 v30, v43;
	v56 =	vmpcnt.ones.xlane vm12;
	(xrf0) =	vadd.scan.msk.s32 $0xffff, v32  }
0x170: {  	v58 =	vsel vm12, $0xFFFFFFFF, v0;
	v43 =	vmpcnt.ones.xlane vm15;
	v29 =	vadd.s32 v30, v39;
	(xrf0) =	vadd.scan.msk.s32 $0xffff, v48  }
0x171: {  	v59 =	vmpcnt.ones.xlane vm11;
	v27 =	vadd.s32 v29, v27;
	v48 =	vsel vm15, $0x1, v0;
	(xrf0) =	vadd.scan.msk.s32 $0xffff, v49;
	v32, _, _ =	vpop (xrf0)  }
0x172: {  	v60 =	vsel vm11, $0xFFFFFFFF, v0;
	v41 =	vadd.s32 v27, v41;
	v49 =	vsel vm15, $0xFFFFFFFF, v0;
	v61, _, _ =	vpop (xrf0);
	(xrf0) =	vadd.scan.msk.s32 $0xffff, v57  }
0x173: {  	v39 =	vadd.s32 v47, v41;
	v41 =	vadd.s32 v41, v46;
	v46 =	vsel vm14, $0x1, v0;
	(xrf0) =	vadd.scan.msk.s32 $0xffff, v45  }
0x174: {  	v29 =	vadd.s32 v34, v29;
	v45 =	vsel vm14, $0xFFFFFFFF, v0;
	v47 =	vadd.s32 v41, v52;
	(xrf0) =	vadd.scan.msk.s32 $0xffff, v48;
	v34, _, _ =	vpop (xrf0)  }
0x175: {  	v48 =	vsel vm7, $0x1, v0;
	v41 =	vadd.s32 v45, v41;
	v45 =	vadd.s32 v47, v53;
	v52, _, _ =	vpop (xrf0);
	(xrf0) =	vadd.scan.msk.s32 $0xffff, v31  }
0x176: {  	v50 =	vadd.s32 v50, v47;
	v31 =	vadd.s32 v28, v45;
	v47 =	vadd.s32 v45, v42;
	v28, _, _ =	vpop (xrf0);
	(xrf0) =	vadd.scan.msk.s32 $0xffff, v51  }
0x177: {  	v45 =	vadd.s32 v49, v47;
	v49 =	vadd.s32 v47, v43;
	v28 =	vadd.s32 v28, v29;
	(xrf0) =	vadd.scan.msk.s32 $0xffff, v48;
	v42, _, _ =	vpop (xrf0)  }
0x178: {  	v31 =	vadd.s32 v61, v31;
	v43 =	vadd.s32 v60, v49;
	v49 =	vadd.s32 v49, v59;
	(xrf0) =	vadd.scan.msk.s32 $0xffff, v46;
	v29, _, _ =	vpop (xrf0)  }
.Ltmp7:
0x179: {  	v48 =	vadd.s32 v49, v54;
	v29 =	vadd.s32 v29, v43;
	v43 =	vadd.s32 v44, v49;
	v44, _, _ =	vpop (xrf0);
	(pc) =	sbr.rel @p0 .LBB2_12-.Ltmp7, $4  }
0x17a: {  	v46 =	vadd.s32 v55, v48;
	v49 =	vadd.s32 v48, v36;
	v43 =	vadd.s32 v52, v43;
	v47, _, _ =	vpop (xrf0)  }
0x17b: {  	v40 =	vadd.s32 v40, v49;
	v48 =	vadd.s32 v49, v38;
	v45 =	vadd.s32 v47, v45;
	v38, _, _ =	vpop (xrf0)  }
0x17c: {  	v47 =	vadd.s32 v35, v48;
	v48 =	vadd.s32 v48, v37;
	v38 =	vadd.s32 v38, v40;
	v36, _, _ =	vpop (xrf0)  }
0x17d: {  	s21 =	sadd.s32 $0x100, s21;
	v40 =	vadd.s32 v58, v48;
	v37 =	vadd.s32 v36, v50;
	v36 =	vadd.s32 v48, v56;
	v35, _, _ =	vpop (xrf0)  }
0x17e: {  	_ =	sdelay $0x4  }
0x17f: {  	[tilespmem:v43+s2+$0x0] =	vst.idx.msk vm9, v16  }
0x180: {  	[tilespmem:v45+s2+$0x0] =	vst.idx.msk vm15, v22  }
0x181: {  	v13 =	vadd.s32 v42, v46;
	v57 =	vsel vm6, $0x1, v0;
	[tilespmem:v38+s2+$0x0] =	vst.idx.msk vm8, v15  }
0x182: {  	v25, _, _ =	vpop (xrf0);
	v55 =	vadd.s32 v44, v47;
	[tilespmem:v37+s2+$0x0] =	vst.idx.msk vm13, v18;
	(xrf0) =	vadd.scan.msk.s32 $0xffff, v57  }
0x183: {  	v56 =	vadd.s32 v33, v39;
	v19 =	vadd.s32 v19, v30;
	vm1 =	vmmov vm1;
	[tilespmem:v31+s2+$0x0] =	vst.idx.msk vm0, v7  }
0x184: {  	[tilespmem:v28+s2+$0x0] =	vst.idx.msk vm3, v12;
	v59 =	vadd.s32 v26, v19  }
0x185: {  	v58 =	vadd.s32 v32, v40;
	[tilespmem:v29+s2+$0x0] =	vst.idx.msk vm11, v6  }
0x186: {  	v60 =	vadd.s32 v23, v36;
	v25 =	vadd.s32 v25, v41;
	[tilespmem:v13+s2+$0x0] =	vst.idx.msk vm2, v9  }
0x187: {  	v61 =	vadd.s32 v24, v14;
	v62 =	vsel vm6, $0xFFFFFFFF, v0;
	v9 =	vadd.s32 v34, v60;
	[tilespmem:v55+s2+$0x0] =	vst.idx.msk vm4, v10  }
0x188: {  	[tilespmem:v56+s2+$0x0] =	vst.idx.msk vm10, v8;
	v10 =	vadd.s32 v35, v61;
	v8 =	vadd.s32 v62, v27;
	v63, _, _ =	vpop (xrf0)  }
0x189: {  	[tilespmem:v59+s2+$0x0] =	vst.idx.msk vm1, v4;
	v4 =	vadd.s32 v63, v8  }
0x18a: {  	s0 =	ssub.s32 s18, s17;
	[tilespmem:v58+s2+$0x0] =	vst.idx.msk vm12, v20  }
0x18b: {  	s1 =	sadd.s32 $0x3F, s0;
	[tilespmem:v25+s2+$0x0] =	vst.idx.msk vm14, v21  }
0x18c: {  	s30 =	sand.u32 $0x3F, s1;
	[tilespmem:v9+s2+$0x0] =	vst.idx.msk vm5, v5  }
0x18d: {  	s31 =	sshra.s32 s1, $0x1F;
	p1 =	slt.s32 s1, $0x1;
	p0 =	sne.s32 s30, $0x0;
	[tilespmem:v10+s2+$0x0] =	vst.idx.msk vm7, v17  }
.Ltmp8:
0x18e: {  	s18 =	sshrl.u32 s31, $0x1A;
	p0 =	por !p1, !p0;
	[tilespmem:v4+s2+$0x0] =	vst.idx.msk vm6, v11;
	(pc) =	sbr.rel .LBB2_14-.Ltmp8, $4  }
0x18f: {  	s20 =	simm.s32 $0x1;
	s1 =	sadd.s32 s18, s1;
	p0 =	por !p0, !p0;
	[tilespmem:s0+$0x0] =	vst v3  }
0x190: {  	s1 =	sshra.s32 s1, $0x6;
	s20 =	simm.s32 @!p0 $0x0;
	[tilespmem:s0+$0x10] =	vst v3  }
0x191: {  	s17 =	ssub.s32 $0x100, s17;
	s18 =	sshll.u32 s19, $0x18;
	s19 =	ssub.s32 s1, s20;
	[tilespmem:s0+$0x20] =	vst v3  }
0x192: {  	s21 =	simm.s32 $0x0;
	s20 =	simm.s32 $0x0;
	p0 =	slt.s32 s19, $0x1;
	[tilespmem:s0+$0x30] =	vst v3  }
.LBB2_15:
0x193: {  	v4 =	vimm.s32 $0x0  }
.LBB2_17:
0x194: {  	(xrf0) =	vadd.scan.msk.s32 $0xffff, v4;
	_ =	sdelay $0x5  }
0x195: {  	v4, _, _ =	vpop (xrf0)  }
0x196: {  	(v2sf) =	vpush v4, $0xF;
	_ =	sdelay $0xe  }
0x197: {  	s0 =	spop (v2sf)  }
0x198: {  	s21 =	sadd.s32 $0x1, s21;
	p1 =	slt.s32 s0, s17  }
0x199: {  	s22 =	smov.u32 @p1 s20;
	p1 =	seq.s32 s21, $0x18  }
.Ltmp9:
0x19a: {  	_ = 	snop;
	(pc) =	sbr.rel @p1 .LBB2_18-.Ltmp9, $2  }
0x19b: {  	_ =	sdelay $0x2  }
0x19c: {  	s20 =	smov.u32 s22  }
.LBB2_14:
.Ltmp10:
0x19d: {  	(pc) =	sbr.rel @p0 .LBB2_15-.Ltmp10, $3  }
0x19e: {  	_ =	sdelay $0x1  }
0x19f: {  	s0 =	sshrl.u32 s12, s21  }
0x1a0: {  	s22 =	sor.u32 s0, s20  }
0x1a1: {  	s23 =	simm.s32 $0x20  }
0x1a2: {  	p1 =	seq.s32 s19, $0x1;
	v6 =	vld [tilespmem:s23+$0x10]  }
.Ltmp11:
0x1a3: {  	v10 =	vld [tilespmem:s23+$0xFFFFFFF0];
	(pc) =	sbr.rel @p1 .LBB2_35-.Ltmp11, $4  }
0x1a4: {  	v9 =	vld [tilespmem:s23+$0x0]  }
0x1a5: {  	s0 =	sor.u32 s18, s22;
	v11 =	vld [tilespmem:s23+$0xFFFFFFE0]  }
0x1a6: {  	v5 =	vimm.s32 $0x0;
	v7 =	vimm.s32 $0x0;
	v4 =	vmov s0  }
0x1a7: {  	s1 =	sadd.s32 $0xFFFFFFFF, s19;
	v8 =	vimm.s32 $0x0;
	s23 =	simm.s32 $0x60;
	vm0 =	vge.s32 v6, v4;
	v6 =	vimm.s32 $0x0  }
.LBB2_34:
0x1a8: {  	v12 =	vld [tilespmem:s23+$0x10];
	p1 =	seq.s32 s1, $0x1;
	s1 =	sadd.s32 $0xFFFFFFFF, s1;
	vm1 =	vge.s32 v10, v4;
	v13 =	vsel vm0, $0x1, v0  }
.Ltmp12:
0x1a9: {  	v10 =	vld [tilespmem:s23+$0xFFFFFFF0];
	v14 =	vsel vm1, $0x1, v0;
	vm0 =	vge.s32 v9, v4;
	v5 =	vadd.s32 v13, v5;
	(pc) =	sbr.rel @!p1 .LBB2_34-.Ltmp12, $4  }
0x1aa: {  	v9 =	vld [tilespmem:s23+$0x0];
	vm1 =	vge.s32 v11, v4;
	v6 =	vadd.s32 v14, v6;
	v13 =	vsel vm0, $0x1, v0  }
0x1ab: {  	v11 =	vld [tilespmem:s23+$0xFFFFFFE0];
	v14 =	vsel vm1, $0x1, v0;
	v7 =	vadd.s32 v13, v7  }
0x1ac: {  	v8 =	vadd.s32 v14, v8  }
0x1ad: {  	s23 =	sadd.s32 $0x40, s23;
	vm0 =	vge.s32 v12, v4  }
.LBB2_35:
0x1ae: {  	_ = 	snop  }
0x1af: {  	vm1 =	vge.s32 v10, v4;
	v62 =	vsel vm0, $0x1, v0  }
0x1b0: {  	v12 =	vsel vm1, $0x1, v0;
	vm14 =	vge.s32 v9, v4;
	vm15 =	vge.s32 v11, v4  }
0x1b1: {  	v4 =	vadd.s32 v62, v5;
	v9 =	vsel vm14, $0x1, v0;
	v63 =	vsel vm15, $0x1, v0  }
0x1b2: {  	v5 =	vadd.s32 v12, v6;
	v6 =	vadd.s32 v9, v7;
	v7 =	vadd.s32 v63, v8  }
.Ltmp13:
0x1b3: {  	(pc) =	sbr.rel .LBB2_17-.Ltmp13, $4  }
0x1b4: {  	_ = 	snop  }
0x1b5: {  	v5 =	vadd.s32 v7, v5  }
0x1b6: {  	v5 =	vadd.s32 v6, v5  }
0x1b7: {  	v4 =	vadd.s32 v4, v5  }
.LBB2_18:
0x1b8: {  	s0 =	sor.u32 s18, s22  }
0x1b9: {  	v4 =	vmov s0  }
0x1ba: {  	[tilespmem:$0x19200] =	vst v4  }
0x1bb: {  	_ =	swait.ge [sflag:s13], $0x8000  }
0x1bc: {  	[sflag:s13] =	ssyncset.done $0x0  }
0x1bd: {  	s1 =	simm.s32 $0x18180;
	[sflag:s13] =	ssyncadd.s32 $0xFFFF8000  }
0x1be: {  	[tilespmem:s1+$0xFFFFFF80] =	vst v0  }
0x1bf: {  	[tilespmem:s1+$0x70] =	vst v0  }
0x1c0: {  	[tilespmem:s1+$0x60] =	vst v0  }
0x1c1: {  	[tilespmem:s1+$0x50] =	vst v0  }
0x1c2: {  	[tilespmem:s1+$0x40] =	vst v0  }
0x1c3: {  	[tilespmem:s1+$0x30] =	vst v0  }
0x1c4: {  	[tilespmem:s1+$0x20] =	vst v0  }
0x1c5: {  	[tilespmem:s1+$0x10] =	vst v0  }
0x1c6: {  	[tilespmem:s1+$0x0] =	vst v0  }
0x1c7: {  	[tilespmem:s1+$0xFFFFFFF0] =	vst v0  }
0x1c8: {  	[tilespmem:s1+$0xFFFFFFE0] =	vst v0  }
0x1c9: {  	[tilespmem:s1+$0xFFFFFFD0] =	vst v0  }
0x1ca: {  	[tilespmem:s1+$0xFFFFFFC0] =	vst v0  }
0x1cb: {  	[tilespmem:s1+$0xFFFFFFB0] =	vst v0  }
0x1cc: {  	s17 =	simm.s32 $0x0;
	s19 =	simm.s32 $0x8100;
	[tilespmem:s1+$0xFFFFFFA0] =	vst v0  }
.LBB2_19:
0x1cd: {  	s17 =	sadd.s32 $0x10, s17;
	[tilespmem:s1+$0xFFFFFF90] =	vst v0;
	s1 =	sadd.s32 $0x100, s1  }
0x1ce: {  	[tilespmem:s1+$0xFFFFFF80] =	vst v0;
	p0 =	slt.u32 s17, $0xF0  }
0x1cf: {  	[tilespmem:s1+$0x70] =	vst v0  }
0x1d0: {  	[tilespmem:s1+$0x60] =	vst v0  }
0x1d1: {  	[tilespmem:s1+$0x50] =	vst v0  }
0x1d2: {  	[tilespmem:s1+$0x40] =	vst v0  }
0x1d3: {  	[tilespmem:s1+$0x30] =	vst v0  }
0x1d4: {  	[tilespmem:s1+$0x20] =	vst v0  }
0x1d5: {  	[tilespmem:s1+$0x10] =	vst v0  }
0x1d6: {  	[tilespmem:s1+$0x0] =	vst v0  }
0x1d7: {  	[tilespmem:s1+$0xFFFFFFF0] =	vst v0  }
.Ltmp14:
0x1d8: {  	[tilespmem:s1+$0xFFFFFFE0] =	vst v0;
	(pc) =	sbr.rel @p0 .LBB2_19-.Ltmp14, $4  }
0x1d9: {  	[tilespmem:s1+$0xFFFFFFD0] =	vst v0  }
0x1da: {  	[tilespmem:s1+$0xFFFFFFC0] =	vst v0  }
0x1db: {  	[tilespmem:s1+$0xFFFFFFB0] =	vst v0  }
0x1dc: {  	[tilespmem:s1+$0xFFFFFFA0] =	vst v0  }
0x1dd: {  	[tilespmem:s1+$0xFFFFFF90] =	vst v0  }
0x1de: {  	v5 =	vld [tilespmem:s19+$0x40]  }
0x1df: {  	v6 =	vld [tilespmem:s19+$0x70]  }
0x1e0: {  	v8 =	vld [tilespmem:s19+$0xFFFFFFC0]  }
0x1e1: {  	v9 =	vld [tilespmem:s19+$0xFFFFFFE0]  }
0x1e2: {  	v11 =	vld [tilespmem:s19+$0xFFFFFFF0];
	_ =	sdelay $0x2  }
0x1e3: {  	v18 =	vld [tilespmem:s19+$0xFFFFFF90];
	v7 =	vshra.s32 v5, $0x1F  }
0x1e4: {  	v4 =	vld [tilespmem:s19+$0x10];
	v10 =	vshra.s32 v6, $0x1F;
	v19 =	vshra.s32 v9, $0x1F;
	v7 =	vand.u32 $0x7FFFFFFF, v7  }
0x1e5: {  	v20 =	vshra.s32 v11, $0x1F;
	v21 =	vshra.s32 v8, $0x1F;
	v12 =	vxor.u32 v5, v7;
	v5 =	vld [tilespmem:s19+$0x0]  }
0x1e6: {  	v14 =	vld [tilespmem:s19+$0xFFFFFFB0];
	v10 =	vand.u32 $0x7FFFFFFF, v10;
	v20 =	vand.u32 $0x7FFFFFFF, v20;
	v19 =	vand.u32 $0x7FFFFFFF, v19  }
0x1e7: {  	v16 =	vld [tilespmem:s19+$0xFFFFFFA0];
	v21 =	vand.u32 $0x7FFFFFFF, v21;
	v6 =	vxor.u32 v6, v10;
	v7 =	vshra.s32 v12, $0x14  }
0x1e8: {  	v10 =	vld [tilespmem:s19+$0xFFFFFFD0];
	v20 =	vxor.u32 v11, v20;
	v11 =	vshra.s32 v18, $0x1F;
	v7 =	vand.u32 $0xFFFFFFF0, v7  }
0x1e9: {  	v13 =	vshra.s32 v6, $0x14;
	v17 =	vadd.s32 v1, v7;
	v7 =	vshra.s32 v4, $0x1F  }
0x1ea: {  	v13 =	vand.u32 $0xFFFFFFF0, v13;
	v15 =	vand.u32 $0x7FFFFFFF, v7;
	v7 =	vld [tilespmem:s19+$0x20];
	v22 =	vshra.s32 v5, $0x1F  }
0x1eb: {  	v11 =	vand.u32 $0x7FFFFFFF, v11;
	v13 =	vadd.s32 v1, v13;
	v22 =	vand.u32 $0x7FFFFFFF, v22  }
0x1ec: {  	v23 =	vxor.u32 v5, v22;
	v5 =	vxor.u32 v9, v19;
	v9 =	vshra.s32 v16, $0x1F  }
0x1ed: {  	s17 =	simm.s32 $0x10180;
	v25 =	vshra.s32 v10, $0x1F;
	v22 =	vshra.s32 v14, $0x1F;
	v9 =	vand.u32 $0x7FFFFFFF, v9  }
0x1ee: {  	[tilespmem:s17+$0x40] =	vst v12;
	v19 =	vxor.u32 v18, v11;
	v22 =	vand.u32 $0x7FFFFFFF, v22;
	v12 =	vxor.u32 v16, v9  }
0x1ef: {  	[tilespmem:s17+$0x70] =	vst v6;
	v26 =	vshra.s32 v7, $0x1F;
	v22 =	vxor.u32 v14, v22;
	v6 =	vshra.s32 v12, $0x14  }
0x1f0: {  	[tilespmem:v17+s11+$0x0] =	vst.idx.add.s32.msk $0xffff, v2;
	v9 =	vshra.s32 v19, $0x14;
	v11 =	vshra.s32 v22, $0x14;
	v6 =	vand.u32 $0xFFFFFFF0, v6  }
0x1f1: {  	[tilespmem:v13+s11+$0x0] =	vst.idx.add.s32.msk $0xffff, v2;
	v13 =	vand.u32 $0xFFFFFFF0, v9;
	v9 =	vadd.s32 v1, v6;
	v6 =	vxor.u32 v8, v21  }
0x1f2: {  	v24 =	vld [tilespmem:s19+$0x60];
	[tilespmem:s17+$0xFFFFFFA0] =	vst v12;
	v12 =	vand.u32 $0x7FFFFFFF, v25;
	v8 =	vand.u32 $0xFFFFFFF0, v11;
	v11 =	vshra.s32 v6, $0x14  }
0x1f3: {  	v27 =	vld [tilespmem:s19+$0x50];
	[tilespmem:s17+$0xFFFFFFE0] =	vst v5;
	v13 =	vadd.s32 v1, v13;
	v10 =	vxor.u32 v10, v12;
	v11 =	vand.u32 $0xFFFFFFF0, v11  }
0x1f4: {  	v25 =	vld [tilespmem:s19+$0xFFFFFF80];
	v12 =	vshra.s32 v23, $0x14;
	[tilespmem:s17+$0xFFFFFFC0] =	vst v6;
	v6 =	vadd.s32 v1, v11;
	v11 =	vshra.s32 v20, $0x14  }
0x1f5: {  	s18 =	simm.s32 $0x0;
	s20 =	simm.s32 $0x10180;
	[tilespmem:s17+$0xFFFFFFD0] =	vst v10;
	v14 =	vshra.s32 v10, $0x14;
	v21 =	vadd.s32 v1, v8;
	v8 =	vld [tilespmem:s19+$0x30];
	s19 =	simm.s32 $0x8200;
	v11 =	vand.u32 $0xFFFFFFF0, v11  }
.LBB2_21:
0x1f6: {  	v10 =	vld [tilespmem:s19+$0x40];
	s18 =	sadd.s32 $0x10, s18;
	v14 =	vand.u32 $0xFFFFFFF0, v14;
	[tilespmem:s17+$0x0] =	vst v23;
	v4 =	vxor.u32 v4, v15;
	v15 =	vand.u32 $0x7FFFFFFF, v26;
	s20 =	sadd.s32 $0x100, s20  }
0x1f7: {  	v16 =	vld [tilespmem:s19+$0xFFFFFF90];
	p0 =	slt.u32 s18, $0x7F0;
	v14 =	vadd.s32 v1, v14;
	[tilespmem:s17+$0x10] =	vst v4;
	v4 =	vshra.s32 v4, $0x14;
	v7 =	vxor.u32 v7, v15  }
0x1f8: {  	v15 =	vshra.s32 v24, $0x1F;
	v18 =	vld [tilespmem:s19+$0xFFFFFFB0];
	v4 =	vand.u32 $0xFFFFFFF0, v4;
	[tilespmem:s17+$0x20] =	vst v7;
	v7 =	vshra.s32 v7, $0x14  }
0x1f9: {  	v26 =	vld [tilespmem:s19+$0xFFFFFFA0];
	v17 =	vshra.s32 v25, $0x1F;
	[tilespmem:s17+$0xFFFFFFF0] =	vst v20;
	v28 =	vadd.s32 v1, v4;
	v4 =	vand.u32 $0x7FFFFFFF, v15  }
0x1fa: {  	v7 =	vand.u32 $0xFFFFFFF0, v7;
	v29 =	vld [tilespmem:s19+$0xFFFFFFC0];
	v15 =	vand.u32 $0x7FFFFFFF, v17;
	[tilespmem:s17+$0xFFFFFFB0] =	vst v22;
	v17 =	vshra.s32 v27, $0x1F  }
0x1fb: {  	v4 =	vxor.u32 v24, v4;
	v20 =	vshra.s32 v10, $0x1F;
	v22 =	vld [tilespmem:s19+$0x70];
	[tilespmem:s17+$0xFFFFFF90] =	vst v19;
	v19 =	vand.u32 $0x7FFFFFFF, v17  }
0x1fc: {  	v23 =	vadd.s32 v1, v7;
	v17 =	vld [tilespmem:s19+$0xFFFFFFD0];
	v20 =	vand.u32 $0x7FFFFFFF, v20;
	v7 =	vxor.u32 v27, v19;
	[tilespmem:s17+$0x60] =	vst v4  }
0x1fd: {  	v15 =	vxor.u32 v25, v15;
	v25 =	vshra.s32 v4, $0x14;
	v19 =	vld [tilespmem:s19+$0xFFFFFFE0];
	v24 =	vshra.s32 v7, $0x14  }
0x1fe: {  	v10 =	vxor.u32 v10, v20;
	v20 =	vshra.s32 v15, $0x14;
	[tilespmem:v21+s11+$0x0] =	vst.idx.add.s32.msk $0xffff, v2;
	v21 =	vand.u32 $0xFFFFFFF0, v24  }
0x1ff: {  	v24 =	vshra.s32 v10, $0x14;
	v20 =	vand.u32 $0xFFFFFFF0, v20;
	v4 =	vld [tilespmem:s19+$0x10];
	[tilespmem:s17+$0x50] =	vst v7;
	v21 =	vadd.s32 v1, v21  }
0x200: {  	v20 =	vadd.s32 v1, v20;
	v7 =	vld [tilespmem:s19+$0x20];
	[tilespmem:s20+$0x40] =	vst v10;
	v10 =	vand.u32 $0xFFFFFFF0, v24;
	v24 =	vshra.s32 v22, $0x1F  }
0x201: {  	v27 =	vadd.s32 v1, v10;
	v10 =	vand.u32 $0x7FFFFFFF, v24;
	[tilespmem:v13+s11+$0x0] =	vst.idx.add.s32.msk $0xffff, v2;
	v13 =	vand.u32 $0xFFFFFFF0, v25  }
0x202: {  	v5 =	vshra.s32 v5, $0x14;
	v10 =	vxor.u32 v22, v10;
	[tilespmem:v9+s11+$0x0] =	vst.idx.add.s32.msk $0xffff, v2;
	v9 =	vadd.s32 v1, v13  }
0x203: {  	v5 =	vand.u32 $0xFFFFFFF0, v5;
	v22 =	vshra.s32 v8, $0x1F;
	v13 =	vshra.s32 v10, $0x14;
	[tilespmem:v23+s11+$0x0] =	vst.idx.add.s32.msk $0xffff, v2  }
0x204: {  	v25 =	vadd.s32 v1, v5;
	v5 =	vand.u32 $0x7FFFFFFF, v22;
	v24 =	vld [tilespmem:s19+$0xFFFFFFF0];
	v13 =	vand.u32 $0xFFFFFFF0, v13;
	[tilespmem:s17+$0xFFFFFF80] =	vst v15  }
0x205: {  	v5 =	vxor.u32 v8, v5;
	v22 =	vld [tilespmem:s19+$0x0];
	[tilespmem:s20+$0x70] =	vst v10;
	v13 =	vadd.s32 v1, v13  }
0x206: {  	v8 =	vadd.s32 v1, v11;
	v11 =	vand.u32 $0xFFFFFFF0, v12;
	v10 =	vimm.s32 $0x0;
	[tilespmem:v27+s11+$0x0] =	vst.idx.add.s32.msk $0xffff, v2  }
0x207: {  	v11 =	vadd.s32 v1, v11;
	[tilespmem:s17+$0x30] =	vst v5;
	v5 =	vshra.s32 v5, $0x14;
	s17 =	smov.u32 s20  }
0x208: {  	v12 =	vshra.s32 v19, $0x1F;
	v15 =	vshra.s32 v4, $0x1F;
	[tilespmem:v20+s11+$0x0] =	vst.idx.add.s32.msk $0xffff, v2;
	v5 =	vand.u32 $0xFFFFFFF0, v5  }
0x209: {  	v15 =	vand.u32 $0x7FFFFFFF, v15;
	v20 =	vshra.s32 v24, $0x1F;
	v27 =	vadd.s32 v1, v5;
	[tilespmem:v21+s11+$0x0] =	vst.idx.add.s32.msk $0xffff, v2  }
0x20a: {  	v5 =	vshra.s32 v29, $0x1F;
	v20 =	vand.u32 $0x7FFFFFFF, v20;
	v21 =	vshra.s32 v22, $0x1F;
	[tilespmem:v13+s11+$0x0] =	vst.idx.add.s32.msk $0xffff, v2  }
0x20b: {  	v30 =	vshra.s32 v17, $0x1F;
	v12 =	vand.u32 $0x7FFFFFFF, v12;
	v13 =	vand.u32 $0x7FFFFFFF, v21;
	[tilespmem:v9+s11+$0x0] =	vst.idx.add.s32.msk $0xffff, v2  }
0x20c: {  	v9 =	vshra.s32 v26, $0x1F;
	v21 =	vshra.s32 v18, $0x1F;
	v23 =	vxor.u32 v22, v13;
	[tilespmem:v6+s11+$0x0] =	vst.idx.add.s32.msk $0xffff, v2  }
0x20d: {  	v6 =	vand.u32 $0x7FFFFFFF, v21;
	v13 =	vand.u32 $0x7FFFFFFF, v5;
	v5 =	vxor.u32 v19, v12;
	[tilespmem:v25+s11+$0x0] =	vst.idx.add.s32.msk $0xffff, v2  }
0x20e: {  	v20 =	vxor.u32 v24, v20;
	v12 =	vshra.s32 v16, $0x1F;
	v9 =	vand.u32 $0x7FFFFFFF, v9;
	[tilespmem:v28+s11+$0x0] =	vst.idx.add.s32.msk $0xffff, v2  }
0x20f: {  	v12 =	vand.u32 $0x7FFFFFFF, v12;
	v21 =	vxor.u32 v26, v9;
	v26 =	vshra.s32 v7, $0x1F;
	[tilespmem:v8+s11+$0x0] =	vst.idx.add.s32.msk $0xffff, v2  }
0x210: {  	v22 =	vxor.u32 v18, v6;
	v19 =	vxor.u32 v16, v12;
	v8 =	vshra.s32 v21, $0x14;
	[tilespmem:v11+s11+$0x0] =	vst.idx.add.s32.msk $0xffff, v2  }
0x211: {  	v6 =	vshra.s32 v19, $0x14;
	v8 =	vand.u32 $0xFFFFFFF0, v8;
	v11 =	vshra.s32 v22, $0x14;
	[tilespmem:v27+s11+$0x0] =	vst.idx.add.s32.msk $0xffff, v2  }
.Ltmp15:
0x212: {  	v12 =	vxor.u32 v29, v13;
	v6 =	vand.u32 $0xFFFFFFF0, v6;
	v9 =	vadd.s32 v1, v8;
	[tilespmem:v14+s11+$0x0] =	vst.idx.add.s32.msk $0xffff, v2;
	(pc) =	sbr.rel @p0 .LBB2_21-.Ltmp15, $4  }
0x213: {  	v13 =	vadd.s32 v1, v6;
	v6 =	vand.u32 $0xFFFFFFF0, v11;
	v8 =	vshra.s32 v12, $0x14;
	[tilespmem:s20+$0xFFFFFFA0] =	vst v21;
	v24 =	vld [tilespmem:s19+$0x60]  }
0x214: {  	v11 =	vand.u32 $0x7FFFFFFF, v30;
	v21 =	vadd.s32 v1, v6;
	v6 =	vand.u32 $0xFFFFFFF0, v8;
	[tilespmem:s20+$0xFFFFFFE0] =	vst v5;
	v8 =	vld [tilespmem:s19+$0x30]  }
0x215: {  	v11 =	vxor.u32 v17, v11;
	v6 =	vadd.s32 v1, v6;
	v25 =	vld [tilespmem:s19+$0xFFFFFF80];
	[tilespmem:s20+$0xFFFFFFC0] =	vst v12;
	v12 =	vshra.s32 v20, $0x14  }
0x216: {  	s21 =	simm.s32 $0x190F0;
	v14 =	vshra.s32 v11, $0x14;
	[tilespmem:s20+$0xFFFFFFD0] =	vst v11;
	v11 =	vand.u32 $0xFFFFFFF0, v12;
	v12 =	vshra.s32 v23, $0x14;
	v27 =	vld [tilespmem:s19+$0x50];
	s19 =	sadd.s32 $0x100, s19  }
0x217: {  	[tilespmem:s17+$0x0] =	vst v23  }
0x218: {  	[tilespmem:s17+$0xFFFFFFF0] =	vst v20  }
0x219: {  	[tilespmem:s17+$0xFFFFFFB0] =	vst v22  }
0x21a: {  	[tilespmem:s17+$0xFFFFFF90] =	vst v19  }
0x21b: {  	v4 =	vxor.u32 v4, v15;
	v59 =	vand.u32 $0x7FFFFFFF, v26;
	[tilespmem:v9+s11+$0x0] =	vst.idx.add.s32.msk $0xffff, v2;
	v5 =	vshra.s32 v5, $0x14  }
0x21c: {  	[tilespmem:s17+$0x10] =	vst v4;
	v7 =	vxor.u32 v7, v59;
	v60 =	vshra.s32 v24, $0x1F;
	v4 =	vshra.s32 v4, $0x14  }
0x21d: {  	v5 =	vand.u32 $0xFFFFFFF0, v5;
	[tilespmem:s17+$0x20] =	vst v7;
	v7 =	vshra.s32 v7, $0x14;
	v15 =	vand.u32 $0x7FFFFFFF, v60  }
0x21e: {  	[tilespmem:v6+s11+$0x0] =	vst.idx.add.s32.msk $0xffff, v2;
	v4 =	vand.u32 $0xFFFFFFF0, v4;
	v5 =	vadd.s32 v1, v5;
	v16 =	vshra.s32 v25, $0x1F  }
0x21f: {  	[tilespmem:v21+s11+$0x0] =	vst.idx.add.s32.msk $0xffff, v2;
	v7 =	vand.u32 $0xFFFFFFF0, v7;
	v15 =	vxor.u32 v24, v15;
	v4 =	vadd.s32 v1, v4  }
0x220: {  	[tilespmem:v13+s11+$0x0] =	vst.idx.add.s32.msk $0xffff, v2;
	v16 =	vand.u32 $0x7FFFFFFF, v16;
	v17 =	vshra.s32 v27, $0x1F;
	v7 =	vadd.s32 v1, v7  }
0x221: {  	[tilespmem:s17+$0x60] =	vst v15;
	v15 =	vshra.s32 v15, $0x14;
	v17 =	vand.u32 $0x7FFFFFFF, v17;
	v16 =	vxor.u32 v25, v16  }
0x222: {  	v15 =	vand.u32 $0xFFFFFFF0, v15;
	v17 =	vxor.u32 v27, v17;
	v18 =	vshra.s32 v16, $0x14;
	[tilespmem:s17+$0xFFFFFF80] =	vst v16  }
0x223: {  	v15 =	vadd.s32 v1, v15;
	v61 =	vshra.s32 v17, $0x14;
	v18 =	vand.u32 $0xFFFFFFF0, v18;
	[tilespmem:s17+$0x50] =	vst v17  }
0x224: {  	v9 =	vshra.s32 v8, $0x1F;
	[tilespmem:v5+s11+$0x0] =	vst.idx.add.s32.msk $0xffff, v2;
	v62 =	vand.u32 $0xFFFFFFF0, v61;
	v18 =	vadd.s32 v1, v18  }
0x225: {  	v63 =	vadd.s32 v1, v62;
	[tilespmem:v7+s11+$0x0] =	vst.idx.add.s32.msk $0xffff, v2;
	v7 =	vand.u32 $0x7FFFFFFF, v9  }
0x226: {  	[tilespmem:v4+s11+$0x0] =	vst.idx.add.s32.msk $0xffff, v2;
	v9 =	vand.u32 $0xFFFFFFF0, v12;
	v7 =	vxor.u32 v8, v7;
	v8 =	vadd.s32 v1, v11  }
0x227: {  	v9 =	vadd.s32 v1, v9;
	v11 =	vand.u32 $0xFFFFFFF0, v14;
	[tilespmem:s17+$0x30] =	vst v7;
	v7 =	vshra.s32 v7, $0x14  }
0x228: {  	[tilespmem:v15+s11+$0x0] =	vst.idx.add.s32.msk $0xffff, v2;
	v6 =	vadd.s32 v1, v11;
	v7 =	vand.u32 $0xFFFFFFF0, v7  }
0x229: {  	[tilespmem:v18+s11+$0x0] =	vst.idx.add.s32.msk $0xffff, v2;
	v7 =	vadd.s32 v1, v7  }
0x22a: {  	[tilespmem:v63+s11+$0x0] =	vst.idx.add.s32.msk $0xffff, v2  }
0x22b: {  	[tilespmem:v8+s11+$0x0] =	vst.idx.add.s32.msk $0xffff, v2  }
0x22c: {  	[tilespmem:v9+s11+$0x0] =	vst.idx.add.s32.msk $0xffff, v2  }
0x22d: {  	[tilespmem:v6+s11+$0x0] =	vst.idx.add.s32.msk $0xffff, v2  }
0x22e: {  	[tilespmem:v7+s11+$0x0] =	vst.idx.add.s32.msk $0xffff, v2  }
0x22f: {  	v4 =	vld [tilespmem:s21+$0x0]  }
0x230: {  	v5 =	vld [tilespmem:s21+$0xFFFFFFF0]  }
0x231: {  	v6 =	vld [tilespmem:s21+$0xFFFFFFE0]  }
0x232: {  	v7 =	vld [tilespmem:s21+$0xFFFFFFD0]  }
0x233: {  	v8 =	vld [tilespmem:s21+$0xFFFFFFC0]  }
0x234: {  	v9 =	vld [tilespmem:s21+$0xFFFFFFB0];
	v4 =	vadd.s32 v10, v4  }
0x235: {  	v4 =	vadd.s32 v5, v4;
	v5 =	vld [tilespmem:s21+$0xFFFFFFA0]  }
0x236: {  	v4 =	vadd.s32 v6, v4;
	v6 =	vld [tilespmem:s21+$0xFFFFFF90]  }
0x237: {  	v4 =	vadd.s32 v7, v4;
	v7 =	vld [tilespmem:s21+$0xFFFFFF80]  }
0x238: {  	v4 =	vadd.s32 v8, v4;
	v8 =	vld [tilespmem:s21+$0xFFFFFF70]  }
0x239: {  	v4 =	vadd.s32 v9, v4;
	v9 =	vld [tilespmem:s21+$0xFFFFFF60]  }
0x23a: {  	v5 =	vadd.s32 v5, v4;
	v4 =	vld [tilespmem:s21+$0xFFFFFF50]  }
0x23b: {  	v6 =	vadd.s32 v6, v5;
	v5 =	vld [tilespmem:s21+$0xFFFFFF40]  }
0x23c: {  	v7 =	vadd.s32 v7, v6;
	v6 =	vld [tilespmem:s21+$0xFFFFFF30]  }
0x23d: {  	s18 =	simm.s32 $0x18FF0;
	v8 =	vadd.s32 v8, v7;
	v7 =	vld [tilespmem:s21+$0xFFFFFF20]  }
0x23e: {  	s19 =	simm.s32 $0x40;
	s1 =	simm.s32 $0x0;
	s17 =	simm.s32 $0x0;
	v9 =	vadd.s32 v9, v8;
	v8 =	vld [tilespmem:s21+$0xFFFFFF10]  }
.LBB2_23:
0x23f: {  	v10 =	vld [tilespmem:s18+$0x0];
	p0 =	sne.s32 s19, $0x3C0;
	v4 =	vadd.s32 v4, v9  }
0x240: {  	v9 =	vld [tilespmem:s18+$0xFFFFFFF0];
	v4 =	vadd.s32 v5, v4  }
0x241: {  	v5 =	vld [tilespmem:s18+$0xFFFFFFE0];
	v4 =	vadd.s32 v6, v4  }
0x242: {  	v6 =	vld [tilespmem:s18+$0xFFFFFFD0];
	v4 =	vadd.s32 v7, v4  }
0x243: {  	s0 =	sshra.s32 s1, $0x2;
	s1 =	smov.u32 s19;
	v7 =	vld [tilespmem:s18+$0xFFFFFFC0];
	v4 =	vadd.s32 v8, v4  }
0x244: {  	v8 =	vadd.s32 v4, v10;
	v10 =	vld [tilespmem:s18+$0xFFFFFFB0];
	[tilespmem:s0+$0x19100] =	vst v4  }
0x245: {  	v4 =	vadd.s32 v9, v8;
	v8 =	vld [tilespmem:s18+$0xFFFFFFA0]  }
0x246: {  	v4 =	vadd.s32 v5, v4;
	v5 =	vld [tilespmem:s18+$0xFFFFFF90]  }
0x247: {  	v4 =	vadd.s32 v6, v4;
	v6 =	vld [tilespmem:s18+$0xFFFFFF80]  }
0x248: {  	v4 =	vadd.s32 v7, v4;
	v7 =	vld [tilespmem:s18+$0xFFFFFF70]  }
0x249: {  	v4 =	vadd.s32 v10, v4;
	v9 =	vld [tilespmem:s18+$0xFFFFFF60]  }
.Ltmp16:
0x24a: {  	v8 =	vadd.s32 v8, v4;
	v4 =	vld [tilespmem:s18+$0xFFFFFF50];
	(pc) =	sbr.rel @p0 .LBB2_23-.Ltmp16, $4  }
0x24b: {  	v8 =	vadd.s32 v5, v8;
	v5 =	vld [tilespmem:s18+$0xFFFFFF40]  }
0x24c: {  	v8 =	vadd.s32 v6, v8;
	v6 =	vld [tilespmem:s18+$0xFFFFFF30]  }
0x24d: {  	v8 =	vadd.s32 v7, v8;
	v7 =	vld [tilespmem:s18+$0xFFFFFF20]  }
0x24e: {  	s19 =	sadd.s32 $0x40, s19;
	v9 =	vadd.s32 v9, v8;
	v8 =	vld [tilespmem:s18+$0xFFFFFF10];
	s18 =	sadd.s32 $0xFFFFFF00, s18  }
0x24f: {  	v4 =	vadd.s32 v4, v9  }
0x250: {  	v4 =	vadd.s32 v5, v4  }
0x251: {  	v4 =	vadd.s32 v6, v4  }
0x252: {  	v4 =	vadd.s32 v7, v4  }
0x253: {  	s0 =	sshra.s32 s1, $0x2;
	v4 =	vadd.s32 v8, v4  }
0x254: {  	s25 =	simm.s32 $0x19100;
	[tilespmem:s0+$0x19100] =	vst v4  }
0x255: {  	v4 =	vld [tilespmem:s25+$0x0];
	_ =	sdelay $0x4  }
0x256: {  	(xrf0) =	vadd.scan.msk.s32 $0xffff, v4;
	_ =	sdelay $0x5  }
0x257: {  	v4, _, _ =	vpop (xrf0)  }
0x258: {  	s26 =	simm.s32 $0x19110;
	(v2sf) =	vpush v4, $0xF  }
0x259: {  	v4 =	vld [tilespmem:s26+$0x0]  }
0x25a: {  	s28 =	simm.s32 $0x19120  }
0x25b: {  	v5 =	vld [tilespmem:s28+$0x0];
	_ =	sdelay $0x2  }
0x25c: {  	(xrf0) =	vadd.scan.msk.s32 $0xffff, v4;
	_ =	sdelay $0x1  }
0x25d: {  	(xrf0) =	vadd.scan.msk.s32 $0xffff, v5;
	_ =	sdelay $0x1  }
0x25e: {  	s29 =	simm.s32 $0x19130  }
0x25f: {  	v6 =	vld [tilespmem:s29+$0x0]  }
0x260: {  	v5, _, _ =	vpop (xrf0)  }
0x261: {  	(v2sf) =	vpush v5, $0xF  }
0x262: {  	v5, _, _ =	vpop (xrf0)  }
0x263: {  	s31 =	spop (v2sf);
	(v2sf) =	vpush v5, $0xF  }
0x264: {  	s30 =	simm.s32 $0x19140;
	(xrf0) =	vadd.scan.msk.s32 $0xffff, v6  }
0x265: {  	v4 =	vld [tilespmem:s30+$0x0];
	_ =	sdelay $0x2  }
0x266: {  	s18 =	simm.s32 $0xFFFFFFFF;
	s21 =	simm.s32 $0x1  }
0x267: {  	s20 =	simm.s32 $0x2;
	s1 =	simm.s32 $0x3;
	s19 =	simm.s32 $0x4  }
0x268: {  	s22 =	simm.s32 $0x19150;
	s23 =	simm.s32 $0x5;
	(xrf0) =	vadd.scan.msk.s32 $0xffff, v4;
	v4, _, _ =	vpop (xrf0);
	p0 =	sgt.s32 s31, $0xFF  }
.LBB2_25:
0x269: {  	s0 =	smov.u32 s18  }
0x26a: {  	p2 =	sne.s32 s23, $0xF;
	s0 =	smov.u32 @p0 s17  }
0x26b: {  	v5 =	vld [tilespmem:s22+$0x0];
	(v2sf) =	vpush v4, $0xF;
	s17 =	smov.u32 s21;
	s21 =	smov.u32 s20;
	s20 =	smov.u32 s1  }
.Ltmp17:
0x26c: {  	s1 =	smov.u32 s19;
	s19 =	smov.u32 s23;
	(pc) =	sbr.rel @p2 .LBB2_25-.Ltmp17, $4  }
0x26d: {  	_ = 	snop  }
0x26e: {  	s24 =	spop (v2sf)  }
0x26f: {  	s22 =	sadd.s32 $0x10, s22;
	p1 =	slt.s32 s18, $0x0;
	p0 =	sgt.s32 s24, $0xFF  }
0x270: {  	s23 =	sadd.s32 $0x1, s23;
	s18 =	smov.u32 @p1 s0;
	(xrf0) =	vadd.scan.msk.s32 $0xffff, v5;
	v4, _, _ =	vpop (xrf0)  }
0x271: {  	_ =	sdelay $0x2  }
0x272: {  	(v2sf) =	vpush v4, $0xF;
	_ =	sdelay $0x1  }
0x273: {  	v4, _, _ =	vpop (xrf0)  }
0x274: {  	(v2sf) =	vpush v4, $0xF;
	_ =	sdelay $0x3  }
0x275: {  	s0 =	smov.u32 s18  }
0x276: {  	s0 =	smov.u32 @p0 s17;
	p0 =	slt.s32 s18, $0x0  }
0x277: {  	s30 =	spop (v2sf);
	s18 =	smov.u32 @p0 s0  }
0x278: {  	p0 =	sgt.s32 s30, $0xFF;
	s0 =	smov.u32 s18  }
0x279: {  	s0 =	smov.u32 @p0 s21;
	p0 =	slt.s32 s18, $0x0  }
0x27a: {  	s18 =	smov.u32 @p0 s0;
	s31 =	spop (v2sf)  }
0x27b: {  	s0 =	smov.u32 s18;
	p0 =	sgt.s32 s31, $0xFF  }
0x27c: {  	s0 =	smov.u32 @p0 s20;
	p0 =	slt.s32 s18, $0x0  }
0x27d: {  	s18 =	smov.u32 @p0 s0;
	s21 =	spop (v2sf)  }
0x27e: {  	s0 =	smov.u32 s18;
	p0 =	sgt.s32 s21, $0xFF  }
0x27f: {  	s0 =	smov.u32 @p0 s1;
	p0 =	slt.s32 s18, $0x0  }
0x280: {  	s18 =	smov.u32 @p0 s0;
	s22 =	spop (v2sf)  }
0x281: {  	s0 =	smov.u32 s18;
	p0 =	sgt.s32 s22, $0xFF  }
0x282: {  	s0 =	smov.u32 @p0 s19;
	p0 =	slt.s32 s18, $0x0  }
0x283: {  	s18 =	smov.u32 @p0 s0  }
0x284: {  	s0 =	sshll.u32 s18, $0xA  }
0x285: {  	s0 =	ssub.s32 $0x0, s0  }
0x286: {  	s0 =	sshra.s32 s0, $0x2  }
0x287: {  	s1 =	sadd.s32 $0xFFFFFFFF, s18;
	s0 =	sadd.s32 $0x190F0, s0  }
0x288: {  	p0 =	sgt.s32 s1, $0x0;
	v4 =	vmov s0  }
0x289: {  	s1 =	simm.s32 @!p0 $0x0  }
0x28a: {  	s23 =	sshll.u32 s1, $0x6  }
0x28b: {  	s0 =	sshra.s32 s23, $0x2  }
0x28c: {  	s24 =	simm.s32 $0x0;
	v5 =	vld [tilespmem:s0+$0x19100]  }
0x28d: {  	v6 =	vld.idx.msk [tilespmem:v4+s24+$0x0 ss:$0x1], $0xffff;
	_ =	sdelay $0x2  }
0x28e: {  	p5 =	sgt.s32 s18, $0x0  }
0x28f: {  	v5 =	vpsel !p5, $0x0, v5  }
0x290: {  	(xrf0) =	vadd.scan.msk.s32 $0xffff, v5;
	v5 =	vadd.s32 v5, v6  }
0x291: {  	(xrf0) =	vadd.scan.msk.s32 $0xffff, v5;
	_ =	sdelay $0x1  }
0x292: {  	(xrf0) =	vadd.scan.msk.s32 $0xffff, v5;
	_ =	sdelay $0x2  }
0x293: {  	v6, _, _ =	vpop (xrf0)  }
0x294: {  	s25 =	simm.s32 $0xFFFFFFF0;
	(v2sf) =	vpush v6, $0xF;
	v6, _, _ =	vpop (xrf0)  }
0x295: {  	(v2sf) =	vpush v6, $0xF;
	v6 =	vld.idx.msk [tilespmem:v4+s25+$0x0 ss:$0x1], $0xffff  }
0x296: {  	s26 =	simm.s32 $0xFFFFFFE0;
	v7, _, _ =	vpop (xrf0)  }
0x297: {  	v8 =	vld.idx.msk [tilespmem:v4+s26+$0x0 ss:$0x1], $0xffff;
	(v2sf) =	vpush v7, $0xF  }
0x298: {  	s28 =	simm.s32 $0xFFFFFFD0  }
0x299: {  	v7 =	vld.idx.msk [tilespmem:v4+s28+$0x0 ss:$0x1], $0xffff  }
0x29a: {  	v5 =	vadd.s32 v5, v6  }
0x29b: {  	(xrf0) =	vadd.scan.msk.s32 $0xffff, v5  }
0x29c: {  	(xrf0) =	vadd.scan.msk.s32 $0xffff, v5;
	v5 =	vadd.s32 v5, v8  }
0x29d: {  	(xrf0) =	vadd.scan.msk.s32 $0xffff, v5  }
0x29e: {  	(xrf0) =	vadd.scan.msk.s32 $0xffff, v5;
	v5 =	vadd.s32 v5, v7  }
0x29f: {  	s29 =	simm.s32 $0xFFFFFFC0;
	(xrf0) =	vadd.scan.msk.s32 $0xffff, v5  }
0x2a0: {  	v6 =	vld.idx.msk [tilespmem:v4+s29+$0x0 ss:$0x1], $0xffff;
	(xrf0) =	vadd.scan.msk.s32 $0xffff, v5  }
0x2a1: {  	v7, _, _ =	vpop (xrf0)  }
0x2a2: {  	v8, _, _ =	vpop (xrf0);
	(v2sf) =	vpush v7, $0xF  }
0x2a3: {  	v7, _, _ =	vpop (xrf0);
	(v2sf) =	vpush v8, $0xF  }
0x2a4: {  	s22 =	spop (v2sf);
	v8, _, _ =	vpop (xrf0);
	(v2sf) =	vpush v7, $0xF  }
0x2a5: {  	v5 =	vadd.s32 v5, v6;
	s20 =	spop (v2sf);
	(v2sf) =	vpush v8, $0xF;
	v6, _, _ =	vpop (xrf0)  }
0x2a6: {  	s21 =	spop (v2sf);
	v7, _, _ =	vpop (xrf0);
	(v2sf) =	vpush v6, $0xF  }
0x2a7: {  	(v2sf) =	vpush v7, $0xF;
	_ =	sdelay $0x4  }
0x2a8: {  	p1 =	por $0x1, $0x1  }
0x2a9: {  	s17 =	simm.s32 $0x0;
	s31 =	simm.s32 $0xFFFFFFB0;
	p6 =	sgt.s32 s20, $0xFF  }
0x2aa: {  	s19 =	simm.s32 $0xFFFFFFFF;
	s30 =	sshll.u32 s18, $0x4;
	(xrf0) =	vadd.scan.msk.s32 $0xffff, v5;
	p0 =	por !p1, !p6;
	v6 =	vld.idx.msk [tilespmem:v4+s31+$0x0 ss:$0x1], $0xffff  }
0x2ab: {  	s18 =	simm.s32 $0x0;
	s23 =	ssub.s32 $0xFF, s30;
	(xrf0) =	vadd.scan.msk.s32 $0xffff, v5;
	p0 =	por !p0, !p0  }
0x2ac: {  	s1 =	simm.s32 $0xFFFFFE80;
	s19 =	smov.u32 @p0 s23;
	s17 =	smov.u32 @p0 s22  }
.LBB2_27:
0x2ad: {  	s0 =	sshra.s32 s1, $0x2;
	s18 =	smov.u32 @p0 s20;
	p1 =	sne.s32 s1, $0xFFFFFC40  }
.Ltmp18:
0x2ae: {  	s1 =	sadd.s32 $0xFFFFFFC0, s1;
	s20 =	spop (v2sf);
	(pc) =	sbr.rel @p1 .LBB2_27-.Ltmp18, $4  }
0x2af: {  	p2 =	slt.s32 s19, $0x0;
	v5 =	vadd.s32 v5, v6;
	v6 =	vld.idx.msk [tilespmem:v4+s0+$0x0 ss:$0x1], $0xffff;
	s0 =	spop (v2sf);
	p0 =	sgt.s32 s20, $0xFF  }
0x2b0: {  	(xrf0) =	vadd.scan.msk.s32 $0xffff, v5;
	v7, _, _ =	vpop (xrf0);
	p0 =	por !p2, !p0  }
0x2b1: {  	s23 =	sadd.s32 $0xFFFFFFFF, s23;
	(xrf0) =	vadd.scan.msk.s32 $0xffff, v5;
	v8, _, _ =	vpop (xrf0);
	(v2sf) =	vpush v7, $0xF;
	p0 =	por !p0, !p0  }
0x2b2: {  	(v2sf) =	vpush v8, $0xF;
	s19 =	smov.u32 @p0 s23;
	s17 =	smov.u32 @p0 s21;
	s21 =	smov.u32 s0  }
0x2b3: {  	_ = 	snop  }
0x2b4: {  	v4 =	vadd.s32 v5, v6  }
0x2b5: {  	(xrf0) =	vadd.scan.msk.s32 $0xffff, v4;
	_ =	sdelay $0x1  }
0x2b6: {  	v4, _, _ =	vpop (xrf0)  }
0x2b7: {  	(v2sf) =	vpush v4, $0xF;
	_ =	sdelay $0x1  }
0x2b8: {  	v4, _, _ =	vpop (xrf0)  }
0x2b9: {  	s22 =	spop (v2sf);
	(v2sf) =	vpush v4, $0xF;
	v4, _, _ =	vpop (xrf0)  }
0x2ba: {  	p2 =	slt.s32 s19, $0x0;
	p1 =	sgt.s32 s22, $0xFF;
	(v2sf) =	vpush v4, $0xF  }
0x2bb: {  	p1 =	por !p2, !p1  }
0x2bc: {  	s0 =	sadd.s32 $0xFFFFFFFF, s23;
	s24 =	spop (v2sf);
	p1 =	por !p1, !p1  }
0x2bd: {  	s23 =	spop (v2sf);
	s19 =	smov.u32 @p1 s0  }
0x2be: {  	p4 =	sgt.s32 s23, $0xFF;
	p3 =	slt.s32 s19, $0x0  }
0x2bf: {  	p2 =	por !p3, !p4  }
0x2c0: {  	s26 =	spop (v2sf);
	s0 =	sadd.s32 $0xFFFFFFFF, s0;
	p2 =	por !p2, !p2  }
0x2c1: {  	s19 =	smov.u32 @p2 s0;
	s25 =	spop (v2sf)  }
0x2c2: {  	p4 =	slt.s32 s19, $0x0;
	p5 =	sgt.s32 s25, $0xFF  }
0x2c3: {  	p3 =	por !p4, !p5  }
0x2c4: {  	s0 =	sadd.s32 $0xFFFFFFFF, s0;
	s29 =	spop (v2sf);
	p3 =	por !p3, !p3  }
0x2c5: {  	s1 =	simm.s32 $0x10180;
	s19 =	smov.u32 @p3 s0;
	s28 =	spop (v2sf)  }
0x2c6: {  	v5 =	vld [tilespmem:s1+$0x70];
	p5 =	slt.s32 s19, $0x0;
	p6 =	sgt.s32 s28, $0xFF  }
0x2c7: {  	v9 =	vld [tilespmem:s1+$0x30];
	p4 =	por !p5, !p6  }
0x2c8: {  	v6 =	vld [tilespmem:s1+$0x10];
	s0 =	sadd.s32 $0xFFFFFFFF, s0;
	s31 =	spop (v2sf);
	p4 =	por !p4, !p4  }
0x2c9: {  	v16 =	vld [tilespmem:s1+$0x20];
	s19 =	smov.u32 @p4 s0;
	s30 =	spop (v2sf)  }
0x2ca: {  	v4 =	vld [tilespmem:s1+$0xFFFFFF90];
	p5 =	sgt.s32 s30, $0xFF;
	p6 =	slt.s32 s19, $0x0  }
0x2cb: {  	v8 =	vld [tilespmem:s1+$0xFFFFFFC0];
	p5 =	por !p6, !p5  }
0x2cc: {  	v18 =	vld [tilespmem:s1+$0xFFFFFFE0];
	s0 =	sadd.s32 $0xFFFFFFFF, s0;
	p5 =	por !p5, !p5  }
0x2cd: {  	v22 =	vld [tilespmem:s1+$0x0];
	s19 =	smov.u32 @p5 s0  }
0x2ce: {  	v10 =	vld [tilespmem:s1+$0x50];
	s19 =	sadd.s32 $0xFFFFFF80, s19  }
0x2cf: {  	v14 =	vimm.s32 $0x0;
	v7 =	vshra.s32 v4, $0x18;
	v13 =	vmov s19  }
0x2d0: {  	v17 =	vshra.s32 v5, $0x18;
	v11 =	vshra.s32 v9, $0x18;
	vm1 =	veq.s32 v7, v13;
	v7 =	vld [tilespmem:s1+$0xFFFFFFF0]  }
0x2d1: {  	v12 =	vld [tilespmem:s1+$0xFFFFFFA0];
	v26 =	vshra.s32 v6, $0x18;
	v20 =	vshra.s32 v16, $0x18;
	v21 =	vshra.s32 v8, $0x18  }
0x2d2: {  	v24 =	vshra.s32 v18, $0x18;
	v33 =	vshra.s32 v22, $0x18;
	vm2 =	veq.s32 v11, v13  }
0x2d3: {  	v15 =	vld [tilespmem:s1+$0x40];
	v11 =	vshra.s32 v10, $0x18;
	vm9 =	veq.s32 v20, v13;
	vm5 =	veq.s32 v17, v13  }
0x2d4: {  	vm10 =	veq.s32 v21, v13;
	vm13 =	veq.s32 v24, v13;
	vm11 =	veq.s32 v26, v13  }
0x2d5: {  	vm15 =	veq.s32 v33, v13;
	v23 =	vsel vm1, $0x1, v0;
	v20 =	vshra.s32 v7, $0x18  }
0x2d6: {  	v27 =	vmpcnt.ones.xlane vm1;
	vm0 =	veq.s32 v20, v13;
	v20 =	vshra.s32 v12, $0x18  }
0x2d7: {  	v19 =	vsel vm1, $0xFFFFFFFF, v0;
	v37 =	vmpcnt.ones.xlane vm2;
	vm3 =	veq.s32 v20, v13;
	v20 =	vld [tilespmem:s1+$0x60]  }
0x2d8: {  	vm4 =	veq.s32 v11, v13;
	v11 =	vshra.s32 v15, $0x18;
	v32 =	vsel vm9, $0x1, v0  }
0x2d9: {  	v17 =	vld [tilespmem:s1+$0xFFFFFF80];
	v40 =	vsel vm9, $0xFFFFFFFF, v0;
	v39 =	vsel vm10, $0x1, v0;
	v42 =	vmpcnt.ones.xlane vm10  }
0x2da: {  	v44 =	vsel vm10, $0xFFFFFFFF, v0;
	v46 =	vsel vm2, $0x1, v0;
	v49 =	vsel vm13, $0x1, v0  }
0x2db: {  	v51 =	vmpcnt.ones.xlane vm13;
	v52 =	vsel vm2, $0xFFFFFFFF, v0;
	v53 =	vsel vm5, $0x1, v0  }
0x2dc: {  	v55 =	vsel vm11, $0x1, v0;
	vm8 =	veq.s32 v11, v13;
	v11 =	vld [tilespmem:s1+$0xFFFFFFB0];
	v25 =	vshra.s32 v20, $0x18  }
0x2dd: {  	v57 =	vmpcnt.ones.xlane vm15;
	v59 =	vsel vm15, $0xFFFFFFFF, v0;
	(xrf0) =	vadd.scan.msk.s32 $0xffff, v23;
	vm12 =	veq.s32 v25, v13  }
0x2de: {  	v21 =	vld [tilespmem:s1+$0xFFFFFFD0];
	v60 =	vsel vm11, $0xFFFFFFFF, v0;
	(xrf0) =	vadd.scan.msk.s32 $0xffff, v39;
	v48 =	vshra.s32 v17, $0x18;
	v50 =	vsel vm12, $0x1, v0  }
0x2df: {  	v35 =	vsel vm4, $0xFFFFFFFF, v0;
	vm7 =	veq.s32 v48, v13;
	v30 =	vsel vm0, $0x1, v0;
	(xrf0) =	vadd.scan.msk.s32 $0xffff, v50  }
0x2e0: {  	v36 =	vmpcnt.ones.xlane vm4;
	v41 =	vsel vm4, $0x1, v0;
	(xrf0) =	vadd.scan.msk.s32 $0xffff, v30;
	v30 =	vmpcnt.ones.xlane vm7  }
0x2e1: {  	v23 =	vsel vm5, $0xFFFFFFFF, v0;
	v24 =	vshra.s32 v11, $0x18;
	v43 =	vmpcnt.ones.xlane vm3;
	(xrf0) =	vadd.scan.msk.s32 $0xffff, v53  }
0x2e2: {  	v45 =	vsel vm3, $0x1, v0;
	vm6 =	veq.s32 v24, v13;
	v30 =	vadd.s32 v14, v30;
	(xrf0) =	vadd.scan.msk.s32 $0xffff, v32  }
0x2e3: {  	v61 =	vshra.s32 v21, $0x18;
	v26, _, _ =	vpop (xrf0);
	v62 =	vmpcnt.ones.xlane vm6;
	v56 =	vadd.s32 v30, v27;
	(xrf0) =	vadd.scan.msk.s32 $0xffff, v45  }
0x2e4: {  	vm14 =	veq.s32 v61, v13;
	v34 =	vsel vm3, $0xFFFFFFFF, v0;
	v33, _, _ =	vpop (xrf0);
	v27 =	vadd.s32 v56, v43;
	(xrf0) =	vadd.scan.msk.s32 $0xffff, v46  }
0x2e5: {  	v28 =	vsel vm8, $0x1, v0;
	v54 =	vmpcnt.ones.xlane vm14;
	v32, _, _ =	vpop (xrf0);
	v46 =	vadd.s32 v27, v62;
	(xrf0) =	vadd.scan.msk.s32 $0xffff, v55  }
0x2e6: {  	v38 =	vmpcnt.ones.xlane vm8;
	v43 =	vsel vm15, $0x1, v0;
	v55, _, _ =	vpop (xrf0);
	v42 =	vadd.s32 v46, v42;
	(xrf0) =	vadd.scan.msk.s32 $0xffff, v41  }
0x2e7: {  	v39 =	vadd.s32 v44, v46;
	v44 =	vadd.s32 v34, v56;
	v46 =	vadd.s32 v42, v54;
	(xrf0) =	vadd.scan.msk.s32 $0xffff, v43;
	v34, _, _ =	vpop (xrf0)  }
0x2e8: {  	v47 =	vsel vm8, $0xFFFFFFFF, v0;
	v48 =	vsel vm13, $0xFFFFFFFF, v0;
	v56 =	vadd.s32 v46, v51;
	v62, _, _ =	vpop (xrf0);
	(xrf0) =	vadd.scan.msk.s32 $0xffff, v28  }
0x2e9: {  	v29 =	vsel vm0, $0xFFFFFFFF, v0;
	v31 =	vmpcnt.ones.xlane vm0;
	v63 =	vsel vm14, $0xFFFFFFFF, v0;
	v28, _, _ =	vpop (xrf0);
	(xrf0) =	vadd.scan.msk.s32 $0xffff, v49  }
0x2ea: {  	v61 =	vsel vm14, $0x1, v0;
	v50 =	vmpcnt.ones.xlane vm9;
	v41 =	vadd.s32 v63, v42;
	v42, _, _ =	vpop (xrf0)  }
0x2eb: {  	v45 =	vmpcnt.ones.xlane vm11;
	v29 =	vadd.s32 v29, v56;
	v31 =	vadd.s32 v56, v31;
	v56, _, _ =	vpop (xrf0)  }
0x2ec: {  	v28 =	vadd.s32 v28, v44;
	v63 =	vadd.s32 v59, v31;
	v54 =	vadd.s32 v31, v57;
	v44, _, _ =	vpop (xrf0)  }
0x2ed: {  	v43 =	vsel vm7, $0x1, v0;
	v31 =	vadd.s32 v55, v29;
	v55 =	vadd.s32 v54, v45;
	v57, _, _ =	vpop (xrf0)  }
0x2ee: {  	v48 =	vadd.s32 v48, v46;
	(xrf0) =	vadd.scan.msk.s32 $0xffff, v43;
	v29 =	vadd.s32 v60, v54;
	v45 =	vadd.s32 v55, v50;
	v60, _, _ =	vpop (xrf0)  }
0x2ef: {  	s18 =	smov.u32 @p0 s20;
	v46 =	vadd.s32 v52, v45;
	v37 =	vadd.s32 v45, v37;
	v45 =	vadd.s32 v57, v63;
	v63, _, _ =	vpop (xrf0);
	(xrf0) =	vadd.scan.msk.s32 $0xffff, v61  }
0x2f0: {  	s17 =	smov.u32 @p1 s21;
	s18 =	smov.u32 @p1 s22;
	v24 =	vsel vm7, $0xFFFFFFFF, v0;
	v25 =	vmpcnt.ones.xlane vm5;
	v40 =	vadd.s32 v40, v55  }
0x2f1: {  	s17 =	smov.u32 @p2 s24;
	s18 =	smov.u32 @p2 s23;
	v58 =	vsel vm12, $0xFFFFFFFF, v0;
	v53 =	vmpcnt.ones.xlane vm12;
	v43 =	vadd.s32 v62, v40  }
0x2f2: {  	s17 =	smov.u32 @p3 s26;
	s18 =	smov.u32 @p3 s25;
	v29 =	vadd.s32 v56, v29;
	v59 =	vadd.s32 v47, v37;
	v37 =	vadd.s32 v37, v38  }
0x2f3: {  	s20 =	simm.s32 $0x0;
	s17 =	smov.u32 @p4 s29;
	s18 =	smov.u32 @p4 s28;
	v38 =	vadd.s32 v60, v59;
	v47 =	vadd.s32 v35, v37;
	v62 =	vadd.s32 v37, v36  }
0x2f4: {  	s21 =	simm.s32 $0x10280;
	s17 =	smov.u32 @p5 s31;
	s18 =	smov.u32 @p5 s30;
	v37 =	vadd.s32 v63, v48;
	v40 =	vadd.s32 v58, v62;
	v36 =	vadd.s32 v62, v53;
	v35, _, _ =	vpop (xrf0)  }
.LBB2_29:
0x2f5: {  	v48 =	vld [tilespmem:s21+$0xFFFFFF90];
	s20 =	sadd.s32 $0x10, s20;
	v33 =	vadd.s32 v33, v39;
	v39 =	vadd.s32 v42, v46;
	v42 =	vadd.s32 v44, v47;
	v44, _, _ =	vpop (xrf0)  }
0x2f6: {  	v19 =	vadd.s32 v19, v30;
	v30 =	vsel vm6, $0x1, v0;
	v46 =	vld [tilespmem:s21+$0x70];
	p0 =	slt.u32 s20, $0x7F0;
	v41 =	vadd.s32 v44, v41;
	[tilespmem:v43+s9+$0x0] =	vst.idx.msk vm9, v16  }
0x2f7: {  	v26 =	vadd.s32 v26, v19;
	vm9 =	vmmov vm1;
	v43 =	vld [tilespmem:s21+$0x30];
	[tilespmem:v45+s9+$0x0] =	vst.idx.msk vm15, v22;
	(xrf0) =	vadd.scan.msk.s32 $0xffff, v30  }
0x2f8: {  	v30 =	vadd.s32 v36, v25;
	v22 =	vld [tilespmem:s21+$0x50];
	[tilespmem:v38+s9+$0x0] =	vst.idx.msk vm8, v15  }
0x2f9: {  	v24 =	vadd.s32 v24, v14;
	v14 =	vsel vm6, $0xFFFFFFFF, v0;
	v32 =	vadd.s32 v32, v40;
	v25 =	vld [tilespmem:s21+$0x10];
	[tilespmem:v37+s9+$0x0] =	vst.idx.msk vm13, v18  }
0x2fa: {  	v27 =	vadd.s32 v14, v27;
	v19 =	vadd.s32 v23, v36;
	v15 =	vshra.s32 v48, $0x18;
	v16 =	vld [tilespmem:s21+$0x20];
	[tilespmem:v39+s9+$0x0] =	vst.idx.msk vm2, v9  }
0x2fb: {  	vm1 =	veq.s32 v15, v13;
	v15 =	vld [tilespmem:s21+$0x40];
	v23 =	vshra.s32 v46, $0x18;
	[tilespmem:v41+s9+$0x0] =	vst.idx.msk vm14, v21;
	v21 =	vadd.s32 v34, v19  }
0x2fc: {  	v14 =	vmovc v30;
	v34 =	vsel vm1, $0x1, v0;
	v39 =	vmpcnt.ones.xlane vm1;
	v38 =	vld [tilespmem:s21+$0xFFFFFFF0];
	v18 =	vshra.s32 v43, $0x18;
	[tilespmem:v42+s9+$0x0] =	vst.idx.msk vm4, v10;
	v9 =	vmovc v43  }
0x2fd: {  	v24 =	vadd.s32 v35, v24;
	v19 =	vsel vm1, $0xFFFFFFFF, v0;
	vm2 =	veq.s32 v18, v13;
	[tilespmem:v33+s9+$0x0] =	vst.idx.msk vm10, v8;
	v8 =	vld [tilespmem:s21+$0xFFFFFFC0];
	v10, _, _ =	vpop (xrf0)  }
0x2fe: {  	v33 =	vshra.s32 v22, $0x18;
	v18 =	vld [tilespmem:s21+$0xFFFFFFE0];
	v41 =	vshra.s32 v25, $0x18;
	v27 =	vadd.s32 v10, v27;
	[tilespmem:v32+s9+$0x0] =	vst.idx.msk vm12, v20;
	v10 =	vmovc v22  }
0x2ff: {  	v36 =	vmpcnt.ones.xlane vm2;
	vm4 =	veq.s32 v33, v13;
	v20 =	vld [tilespmem:s21+$0xFFFFFFA0];
	v22 =	vshra.s32 v16, $0x18;
	[tilespmem:v26+s9+$0x0] =	vst.idx.msk vm9, v4;
	v4 =	vmovc v48  }
0x300: {  	v35 =	vsel vm4, $0xFFFFFFFF, v0;
	v26 =	vld [tilespmem:s21+$0xFFFFFFB0];
	vm9 =	veq.s32 v22, v13;
	v32 =	vshra.s32 v15, $0x18;
	[tilespmem:v21+s9+$0x0] =	vst.idx.msk vm5, v5;
	v5 =	vmovc v46  }
0x301: {  	v37 =	vmpcnt.ones.xlane vm4;
	v33 =	vshra.s32 v38, $0x18;
	v22 =	vld [tilespmem:s21+$0x0];
	vm8 =	veq.s32 v32, v13;
	[tilespmem:v31+s9+$0x0] =	vst.idx.msk vm0, v7;
	v7 =	vmovc v38  }
0x302: {  	v21 =	vld [tilespmem:s21+$0xFFFFFFD0];
	vm0 =	veq.s32 v33, v13;
	v31 =	vsel vm8, $0x1, v0;
	v38 =	vmpcnt.ones.xlane vm8;
	[tilespmem:v28+s9+$0x0] =	vst.idx.msk vm3, v12  }
0x303: {  	v32 =	vsel vm9, $0x1, v0;
	v28 =	vsel vm0, $0xFFFFFFFF, v0;
	v42 =	vmpcnt.ones.xlane vm0;
	[tilespmem:v24+s9+$0x0] =	vst.idx.msk vm7, v17  }
0x304: {  	v44 =	vsel vm9, $0xFFFFFFFF, v0;
	v43 =	vsel vm0, $0x1, v0;
	v17 =	vshra.s32 v20, $0x18;
	[tilespmem:v29+s9+$0x0] =	vst.idx.msk vm11, v6;
	v6 =	vmovc v25;
	v12 =	vmovc v20  }
0x305: {  	vm5 =	veq.s32 v23, v13;
	v40 =	vsel vm8, $0xFFFFFFFF, v0;
	vm3 =	veq.s32 v17, v13;
	v20 =	vld [tilespmem:s21+$0x60];
	(xrf0) =	vadd.scan.msk.s32 $0xffff, v34  }
0x306: {  	v23 =	vshra.s32 v8, $0x18;
	v24 =	vshra.s32 v18, $0x18;
	v17 =	vld [tilespmem:s21+$0xFFFFFF80];
	v29 =	vshra.s32 v22, $0x18;
	[tilespmem:v27+s9+$0x0] =	vst.idx.msk vm6, v11;
	v11 =	vmovc v26  }
0x307: {  	v45 =	vsel vm4, $0x1, v0;
	vm10 =	veq.s32 v23, v13;
	v34 =	vsel vm3, $0xFFFFFFFF, v0  }
0x308: {  	v23 =	vsel vm10, $0x1, v0;
	v46 =	vmpcnt.ones.xlane vm10;
	vm13 =	veq.s32 v24, v13  }
0x309: {  	v47 =	vsel vm10, $0xFFFFFFFF, v0;
	v27 =	vmpcnt.ones.xlane vm3;
	v24 =	vshra.s32 v11, $0x18;
	(xrf0) =	vadd.scan.msk.s32 $0xffff, v23  }
0x30a: {  	v49 =	vsel vm2, $0x1, v0;
	v48 =	vsel vm3, $0x1, v0;
	v23 =	vshra.s32 v20, $0x18  }
0x30b: {  	v25 =	vmpcnt.ones.xlane vm5;
	v33 =	vshra.s32 v17, $0x18;
	vm12 =	veq.s32 v23, v13;
	v26, _, _ =	vpop (xrf0)  }
0x30c: {  	v50 =	vsel vm13, $0xFFFFFFFF, v0;
	v51 =	vsel vm13, $0x1, v0;
	vm7 =	veq.s32 v33, v13  }
0x30d: {  	vm6 =	veq.s32 v24, v13;
	v23 =	vsel vm5, $0xFFFFFFFF, v0;
	v57 =	vsel vm12, $0x1, v0  }
0x30e: {  	v53 =	vmpcnt.ones.xlane vm13;
	v52 =	vshra.s32 v21, $0x18;
	v24 =	vsel vm7, $0xFFFFFFFF, v0;
	(xrf0) =	vadd.scan.msk.s32 $0xffff, v57  }
0x30f: {  	v55 =	vsel vm2, $0xFFFFFFFF, v0;
	v54 =	vmpcnt.ones.xlane vm9;
	v56 =	vsel vm5, $0x1, v0;
	v33, _, _ =	vpop (xrf0);
	(xrf0) =	vadd.scan.msk.s32 $0xffff, v43  }
0x310: {  	vm11 =	veq.s32 v41, v13;
	vm14 =	veq.s32 v52, v13;
	v43 =	vmpcnt.ones.xlane vm7  }
0x311: {  	v41 =	vmpcnt.ones.xlane vm6;
	v52 =	vmpcnt.ones.xlane vm14;
	v57 =	vsel vm11, $0x1, v0;
	(xrf0) =	vadd.scan.msk.s32 $0xffff, v56  }
0x312: {  	vm15 =	veq.s32 v29, v13;
	v30 =	vadd.s32 v30, v43;
	v56 =	vmpcnt.ones.xlane vm12;
	(xrf0) =	vadd.scan.msk.s32 $0xffff, v32  }
0x313: {  	v58 =	vsel vm12, $0xFFFFFFFF, v0;
	v43 =	vmpcnt.ones.xlane vm15;
	v29 =	vadd.s32 v30, v39;
	(xrf0) =	vadd.scan.msk.s32 $0xffff, v48  }
0x314: {  	v59 =	vmpcnt.ones.xlane vm11;
	v27 =	vadd.s32 v29, v27;
	v48 =	vsel vm15, $0x1, v0;
	(xrf0) =	vadd.scan.msk.s32 $0xffff, v49;
	v32, _, _ =	vpop (xrf0)  }
0x315: {  	v60 =	vsel vm11, $0xFFFFFFFF, v0;
	v41 =	vadd.s32 v27, v41;
	v49 =	vsel vm15, $0xFFFFFFFF, v0;
	v61, _, _ =	vpop (xrf0);
	(xrf0) =	vadd.scan.msk.s32 $0xffff, v57  }
0x316: {  	v39 =	vadd.s32 v47, v41;
	v41 =	vadd.s32 v41, v46;
	v46 =	vsel vm14, $0x1, v0;
	(xrf0) =	vadd.scan.msk.s32 $0xffff, v45  }
0x317: {  	v29 =	vadd.s32 v34, v29;
	v45 =	vsel vm14, $0xFFFFFFFF, v0;
	v47 =	vadd.s32 v41, v52;
	(xrf0) =	vadd.scan.msk.s32 $0xffff, v48;
	v34, _, _ =	vpop (xrf0)  }
0x318: {  	v48 =	vsel vm7, $0x1, v0;
	v41 =	vadd.s32 v45, v41;
	v45 =	vadd.s32 v47, v53;
	v52, _, _ =	vpop (xrf0);
	(xrf0) =	vadd.scan.msk.s32 $0xffff, v31  }
0x319: {  	v50 =	vadd.s32 v50, v47;
	v31 =	vadd.s32 v28, v45;
	v47 =	vadd.s32 v45, v42;
	v28, _, _ =	vpop (xrf0);
	(xrf0) =	vadd.scan.msk.s32 $0xffff, v51  }
0x31a: {  	v45 =	vadd.s32 v49, v47;
	v49 =	vadd.s32 v47, v43;
	v28 =	vadd.s32 v28, v29;
	(xrf0) =	vadd.scan.msk.s32 $0xffff, v48;
	v42, _, _ =	vpop (xrf0)  }
0x31b: {  	v31 =	vadd.s32 v61, v31;
	v43 =	vadd.s32 v60, v49;
	v49 =	vadd.s32 v49, v59;
	(xrf0) =	vadd.scan.msk.s32 $0xffff, v46;
	v29, _, _ =	vpop (xrf0)  }
.Ltmp19:
0x31c: {  	v48 =	vadd.s32 v49, v54;
	v29 =	vadd.s32 v29, v43;
	v43 =	vadd.s32 v44, v49;
	v44, _, _ =	vpop (xrf0);
	(pc) =	sbr.rel @p0 .LBB2_29-.Ltmp19, $4  }
0x31d: {  	v46 =	vadd.s32 v55, v48;
	v49 =	vadd.s32 v48, v36;
	v43 =	vadd.s32 v52, v43;
	v47, _, _ =	vpop (xrf0)  }
0x31e: {  	v40 =	vadd.s32 v40, v49;
	v48 =	vadd.s32 v49, v38;
	v45 =	vadd.s32 v47, v45;
	v38, _, _ =	vpop (xrf0)  }
0x31f: {  	v47 =	vadd.s32 v35, v48;
	v48 =	vadd.s32 v48, v37;
	v38 =	vadd.s32 v38, v40;
	v36, _, _ =	vpop (xrf0)  }
0x320: {  	s21 =	sadd.s32 $0x100, s21;
	v40 =	vadd.s32 v58, v48;
	v37 =	vadd.s32 v36, v50;
	v36 =	vadd.s32 v48, v56;
	v35, _, _ =	vpop (xrf0)  }
0x321: {  	_ =	sdelay $0x4  }
0x322: {  	[tilespmem:v43+s9+$0x0] =	vst.idx.msk vm9, v16  }
0x323: {  	[tilespmem:v45+s9+$0x0] =	vst.idx.msk vm15, v22  }
0x324: {  	v13 =	vadd.s32 v42, v46;
	v57 =	vsel vm6, $0x1, v0;
	[tilespmem:v38+s9+$0x0] =	vst.idx.msk vm8, v15  }
0x325: {  	v25, _, _ =	vpop (xrf0);
	v55 =	vadd.s32 v44, v47;
	[tilespmem:v37+s9+$0x0] =	vst.idx.msk vm13, v18;
	(xrf0) =	vadd.scan.msk.s32 $0xffff, v57  }
0x326: {  	v56 =	vadd.s32 v33, v39;
	v19 =	vadd.s32 v19, v30;
	vm1 =	vmmov vm1;
	[tilespmem:v31+s9+$0x0] =	vst.idx.msk vm0, v7  }
0x327: {  	[tilespmem:v28+s9+$0x0] =	vst.idx.msk vm3, v12;
	v59 =	vadd.s32 v26, v19  }
0x328: {  	v58 =	vadd.s32 v32, v40;
	[tilespmem:v29+s9+$0x0] =	vst.idx.msk vm11, v6  }
0x329: {  	v60 =	vadd.s32 v23, v36;
	v25 =	vadd.s32 v25, v41;
	[tilespmem:v13+s9+$0x0] =	vst.idx.msk vm2, v9  }
0x32a: {  	v61 =	vadd.s32 v24, v14;
	v62 =	vsel vm6, $0xFFFFFFFF, v0;
	v9 =	vadd.s32 v34, v60;
	[tilespmem:v55+s9+$0x0] =	vst.idx.msk vm4, v10  }
0x32b: {  	[tilespmem:v56+s9+$0x0] =	vst.idx.msk vm10, v8;
	v10 =	vadd.s32 v35, v61;
	v8 =	vadd.s32 v62, v27;
	v63, _, _ =	vpop (xrf0)  }
0x32c: {  	[tilespmem:v59+s9+$0x0] =	vst.idx.msk vm1, v4;
	v4 =	vadd.s32 v63, v8  }
0x32d: {  	s0 =	ssub.s32 s18, s17;
	[tilespmem:v58+s9+$0x0] =	vst.idx.msk vm12, v20  }
0x32e: {  	s1 =	sadd.s32 $0x3F, s0;
	[tilespmem:v25+s9+$0x0] =	vst.idx.msk vm14, v21  }
0x32f: {  	s30 =	sand.u32 $0x3F, s1;
	[tilespmem:v9+s9+$0x0] =	vst.idx.msk vm5, v5  }
0x330: {  	s31 =	sshra.s32 s1, $0x1F;
	p1 =	slt.s32 s1, $0x1;
	p0 =	sne.s32 s30, $0x0;
	[tilespmem:v10+s9+$0x0] =	vst.idx.msk vm7, v17  }
.Ltmp20:
0x331: {  	s18 =	sshrl.u32 s31, $0x1A;
	p0 =	por !p1, !p0;
	[tilespmem:v4+s9+$0x0] =	vst.idx.msk vm6, v11;
	(pc) =	sbr.rel .LBB2_31-.Ltmp20, $4  }
0x332: {  	s20 =	simm.s32 $0x1;
	s1 =	sadd.s32 s18, s1;
	p0 =	por !p0, !p0;
	[tilespmem:s0+$0x8080] =	vst v3  }
0x333: {  	s1 =	sshra.s32 s1, $0x6;
	s20 =	simm.s32 @!p0 $0x0;
	[tilespmem:s0+$0x8090] =	vst v3  }
0x334: {  	s17 =	ssub.s32 $0x100, s17;
	s18 =	sshll.u32 s19, $0x18;
	s19 =	ssub.s32 s1, s20;
	[tilespmem:s0+$0x80A0] =	vst v3  }
0x335: {  	s21 =	simm.s32 $0x0;
	s20 =	simm.s32 $0x0;
	p0 =	slt.s32 s19, $0x1;
	[tilespmem:s0+$0x80B0] =	vst v3  }
.LBB2_32:
0x336: {  	v4 =	vimm.s32 $0x0  }
.LBB2_37:
0x337: {  	(xrf0) =	vadd.scan.msk.s32 $0xffff, v4;
	_ =	sdelay $0x5  }
0x338: {  	v4, _, _ =	vpop (xrf0)  }
0x339: {  	(v2sf) =	vpush v4, $0xF;
	_ =	sdelay $0xe  }
0x33a: {  	s0 =	spop (v2sf)  }
0x33b: {  	s21 =	sadd.s32 $0x1, s21;
	p1 =	slt.s32 s0, s17  }
0x33c: {  	s22 =	smov.u32 @p1 s20;
	p1 =	seq.s32 s21, $0x18  }
.Ltmp21:
0x33d: {  	_ = 	snop;
	(pc) =	sbr.rel @p1 .LBB2_38-.Ltmp21, $2  }
0x33e: {  	_ =	sdelay $0x2  }
0x33f: {  	s20 =	smov.u32 s22  }
.LBB2_31:
.Ltmp22:
0x340: {  	(pc) =	sbr.rel @p0 .LBB2_32-.Ltmp22, $3  }
0x341: {  	_ =	sdelay $0x1  }
0x342: {  	s0 =	sshrl.u32 s12, s21  }
0x343: {  	s22 =	sor.u32 s0, s20  }
0x344: {  	s23 =	simm.s32 $0x80A0  }
0x345: {  	p1 =	seq.s32 s19, $0x1;
	v6 =	vld [tilespmem:s23+$0x10]  }
.Ltmp23:
0x346: {  	v10 =	vld [tilespmem:s23+$0xFFFFFFF0];
	(pc) =	sbr.rel @p1 .LBB2_42-.Ltmp23, $4  }
0x347: {  	v9 =	vld [tilespmem:s23+$0x0]  }
0x348: {  	s0 =	sor.u32 s18, s22;
	v11 =	vld [tilespmem:s23+$0xFFFFFFE0]  }
0x349: {  	v5 =	vimm.s32 $0x0;
	v7 =	vimm.s32 $0x0;
	v4 =	vmov s0  }
0x34a: {  	s1 =	sadd.s32 $0xFFFFFFFF, s19;
	v8 =	vimm.s32 $0x0;
	s23 =	simm.s32 $0x80E0;
	vm0 =	vge.s32 v6, v4;
	v6 =	vimm.s32 $0x0  }
.LBB2_41:
0x34b: {  	v12 =	vld [tilespmem:s23+$0x10];
	p1 =	seq.s32 s1, $0x1;
	s1 =	sadd.s32 $0xFFFFFFFF, s1;
	vm1 =	vge.s32 v10, v4;
	v13 =	vsel vm0, $0x1, v0  }
.Ltmp24:
0x34c: {  	v10 =	vld [tilespmem:s23+$0xFFFFFFF0];
	v14 =	vsel vm1, $0x1, v0;
	vm0 =	vge.s32 v9, v4;
	v5 =	vadd.s32 v13, v5;
	(pc) =	sbr.rel @!p1 .LBB2_41-.Ltmp24, $4  }
0x34d: {  	v9 =	vld [tilespmem:s23+$0x0];
	vm1 =	vge.s32 v11, v4;
	v6 =	vadd.s32 v14, v6;
	v13 =	vsel vm0, $0x1, v0  }
0x34e: {  	v11 =	vld [tilespmem:s23+$0xFFFFFFE0];
	v14 =	vsel vm1, $0x1, v0;
	v7 =	vadd.s32 v13, v7  }
0x34f: {  	v8 =	vadd.s32 v14, v8  }
0x350: {  	s23 =	sadd.s32 $0x40, s23;
	vm0 =	vge.s32 v12, v4  }
.LBB2_42:
0x351: {  	_ = 	snop  }
0x352: {  	vm1 =	vge.s32 v10, v4;
	v62 =	vsel vm0, $0x1, v0  }
0x353: {  	v12 =	vsel vm1, $0x1, v0;
	vm14 =	vge.s32 v9, v4;
	vm15 =	vge.s32 v11, v4  }
0x354: {  	v4 =	vadd.s32 v62, v5;
	v9 =	vsel vm14, $0x1, v0;
	v63 =	vsel vm15, $0x1, v0  }
0x355: {  	v5 =	vadd.s32 v12, v6;
	v6 =	vadd.s32 v9, v7;
	v7 =	vadd.s32 v63, v8  }
.Ltmp25:
0x356: {  	(pc) =	sbr.rel .LBB2_37-.Ltmp25, $4  }
0x357: {  	_ = 	snop  }
0x358: {  	v5 =	vadd.s32 v7, v5  }
0x359: {  	v5 =	vadd.s32 v6, v5  }
0x35a: {  	v4 =	vadd.s32 v4, v5  }
.LBB2_39:
0x35b: {  	_ =	sfence.sel $0x180000  }
0x35c: {  	[bflag:$0x0] =	sbarrier.arrive $0xFFFF  }
0x35d: {  	_ =	strace $0x90000047  }
0x35e: {  	s0 =	stileid.u32;
	[bflag:$0x2] =	sbarrier.arrive $0xFFFF  }
0x35f: {  	p0 =	sne.s32 s0, $0x0;
	s0 =	rddreg [dreg:$0x2]  }
0x360: {  	s0 =	sadd.s32 @!p0 $0x100000, s0  }
0x361: {  	[sflag:s0] =	ssyncadd.tile.s32 @!p0 $0x1;
	_ =	shalt  }
.Lfunc_end2:
_tile_overlayer_lowered:
.L_overlay_start_2:
0x362: {  	(tag) =	ssettag $0x2  }
0x363: {  	s0 =	rddreg [dreg:$0x0];
	s2 =	stileid.u32  }
0x364: {  	s1 =	rddreg [dreg:$0x1];
	p0 =	sne.s32 s2, $0x0  }
0x365: {  	s3 =	rddreg [dreg:$0x2];
	[bflag:$0x3] =	sbarrier.arrive $0xFFFF;
	s2 =	simm.s32 @!p0 $0x1C03  }
0x366: {  	[timem:s3], [sflag:s2] =	dma.local @!p0 [hbm:s0], s1  }
0x367: {  	s0 =	simm.s32 @!p0 $0x3  }
0x368: {  	_ =	swait.ge @!p0 [sflag:s0], s1  }
0x369: {  	s1 =	ssub.s32 @!p0 $0x0, s1;
	[sflag:s0] =	ssyncset.done @!p0 $0x0  }
0x36a: {  	[sflag:s0] =	ssyncadd.s32 @!p0 s1  }
0x36b: {  	[bflag:$0x3] =	sbarrier.arrive $0xFFFF  }
0x36c: {  	_ =	shalt  }

</sc_bundles>
